<compile_context>
chip_gen: v7x
topology: tpu7x:2x2x1
jax: 0.10.2.dev20260603
libtpu: 0.0.44.dev20260713+nightly
codegen_flags: <defaults>
</compile_context>

<pallas_src>
import functools

import jax
import jax.numpy as jnp
from jax import lax
from jax.experimental import pallas as pl
from jax.experimental.pallas import tpu as pltpu
from jax.experimental.pallas import tpu_sc as plsc

B = 16384
F = 26
D = 16
N = B * F
H1 = 400
H2 = 400
DEEP_IN = F * D

SLICES = 4
BS = B // SLICES
NSL = N // SLICES

NC = 2
NS = 16
NW = NC * NS
N_PER_W = NSL // NW
CH = 128
NCHUNK = N_PER_W // CH
NBUF = 2


def _sc_gather_body(x_hbm, emb_hbm, fc_hbm, emb_out, fc_out,
                    idx_v, ebuf, fbuf, esems, fsems):
    wid = lax.axis_index("s") * NC + lax.axis_index("c")
    pltpu.sync_copy(x_hbm.at[pl.ds(wid * NCHUNK, NCHUNK)], idx_v)
    base = wid * N_PER_W

    def fire(c, b):
        idx_row = idx_v.at[c]
        pltpu.async_copy(emb_hbm.at[idx_row], ebuf.at[b], esems[b])
        pltpu.async_copy(fc_hbm.at[idx_row], fbuf.at[b], fsems[b])

    def drain(c, b):
        pltpu.make_async_copy(emb_hbm.at[idx_v.at[c]], ebuf.at[b], esems[b]).wait()
        pltpu.make_async_copy(fc_hbm.at[idx_v.at[c]], fbuf.at[b], fsems[b]).wait()
        pltpu.sync_copy(ebuf.at[b], emb_out.at[pl.ds(base + c * CH, CH)])
        pltpu.sync_copy(fbuf.at[b], fc_out.at[pl.ds(base + c * CH, CH)])

    fire(0, 0)

    def step(g, carry):
        for b in range(NBUF):
            c = g * NBUF + b
            nxt = c + 1

            @pl.when(nxt < NCHUNK)
            def _():
                fire(nxt, (b + 1) % NBUF)

            drain(c, b)
        return carry

    lax.fori_loop(0, NCHUNK // NBUF, step, 0, unroll=False)


@functools.cache
def _make_sc_gather():
    return pl.kernel(
        _sc_gather_body,
        out_type=(
            jax.ShapeDtypeStruct((NSL, D), jnp.bfloat16),
            jax.ShapeDtypeStruct((NSL,), jnp.float32),
        ),
        mesh=plsc.VectorSubcoreMesh(core_axis_name="c", subcore_axis_name="s",
                                    num_cores=NC, num_subcores=NS),
        compiler_params=pltpu.CompilerParams(use_tc_tiling_on_sc=False),
        scratch_types=[
            pltpu.VMEM((NCHUNK, CH), jnp.int32),
            pltpu.VMEM((NBUF, CH, D), jnp.bfloat16),
            pltpu.VMEM((NBUF, CH), jnp.float32),
            [pltpu.SemaphoreType.DMA] * NBUF,
            [pltpu.SemaphoreType.DMA] * NBUF,
        ],
    )


def _tc_body(emb_ref, fc_ref, W1_ref, b1_ref, W2_ref, b2_ref, W3_ref, b3_ref,
             Wlin_ref, blin_ref, out_ref):
    h0 = emb_ref[...].astype(jnp.float32)

    j = lax.broadcasted_iota(jnp.int32, (DEEP_IN, D), 0)
    d = lax.broadcasted_iota(jnp.int32, (DEEP_IN, D), 1)
    S = jnp.where(j % D == d, 1.0, 0.0).astype(jnp.float32)
    se = lax.dot_general(h0, S, (((1,), (0,)), ((), ())),
                         preferred_element_type=jnp.float32)
    ss = lax.dot_general(h0 * h0, S, (((1,), (0,)), ((), ())),
                         preferred_element_type=jnp.float32)
    fm = 0.5 * jnp.sum(se * se - ss, axis=1, keepdims=True)

    lin = jnp.sum(fc_ref[...], axis=1, keepdims=True) * Wlin_ref[0, 0] + blin_ref[0, 0]

    h1 = jnp.maximum(
        lax.dot_general(h0, W1_ref[...], (((1,), (1,)), ((), ())),
                        preferred_element_type=jnp.float32) + b1_ref[...], 0.0)
    h2 = jnp.maximum(
        lax.dot_general(h1, W2_ref[...], (((1,), (1,)), ((), ())),
                        preferred_element_type=jnp.float32) + b2_ref[...], 0.0)
    h3 = jnp.sum(h2 * W3_ref[...], axis=1, keepdims=True) + b3_ref[0, 0]

    out_ref[...] = lin + fm + h3


def _tc_forward(emb_flat, fc_mat, W1, b1, W2, b2, W3, b3, W_lin, b_lin):
    bB = 1024
    grid = (BS // bB,)
    return pl.pallas_call(
        _tc_body,
        grid=grid,
        in_specs=[
            pl.BlockSpec((bB, DEEP_IN), lambda i: (i, 0)),
            pl.BlockSpec((bB, F), lambda i: (i, 0)),
            pl.BlockSpec((H1, DEEP_IN), lambda i: (0, 0)),
            pl.BlockSpec((1, H1), lambda i: (0, 0)),
            pl.BlockSpec((H2, H1), lambda i: (0, 0)),
            pl.BlockSpec((1, H2), lambda i: (0, 0)),
            pl.BlockSpec((1, H2), lambda i: (0, 0)),
            pl.BlockSpec(memory_space=pltpu.SMEM),
            pl.BlockSpec(memory_space=pltpu.SMEM),
            pl.BlockSpec(memory_space=pltpu.SMEM),
        ],
        out_specs=pl.BlockSpec((bB, 1), lambda i: (i, 0)),
        out_shape=jax.ShapeDtypeStruct((BS, 1), jnp.float32),
    )(emb_flat, fc_mat, W1, b1, W2, b2, W3, b3, W_lin, b_lin)


def kernel(x, emb_table, fc_table, W_lin, b_lin, W1, b1, W2, b2, W3, b3):
    x_idx = x.astype(jnp.int32).reshape(N // CH, CH)
    fc_flat = fc_table.reshape(-1)
    emb_bf = emb_table.astype(jnp.bfloat16)
    b1r = b1.reshape(1, H1)
    b2r = b2.reshape(1, H2)
    b3r = b3.reshape(1, 1)
    blinr = b_lin.reshape(1, 1)
    sc = _make_sc_gather()
    rows_per_slice = NSL // CH
    outs = []
    for s in range(SLICES):
        xs = lax.slice_in_dim(x_idx, s * rows_per_slice, (s + 1) * rows_per_slice, axis=0)
        emb_s, fc_s = sc(xs, emb_bf, fc_flat)
        outs.append(_tc_forward(
            emb_s.reshape(BS, DEEP_IN), fc_s.reshape(BS, F),
            W1, b1r, W2, b2r, W3, b3r, W_lin, blinr,
        ))
    return jnp.concatenate(outs, axis=0)

# --- scband reference (transcript-rebuilt; emitter-appended) ---
"""Pipeline reference for scband-deep-fm-17995912970845 (READ-ONLY COPY).

The authoritative reference and input builder live on the scoring server;
editing this copy changes nothing except your own understanding.
"""

import jax, jax.numpy as jnp
import numpy as np

B = 16384
F = 26
D = 16
NUM_INPUTS = 2600000
H1 = 400
H2 = 400
DEEP_IN = F * D

def setup_inputs(seed: int = 0) -> dict:
    key = jax.random.key(seed)
    ks = jax.random.split(key, 12)
    x = jax.random.randint(ks[0], (B, F), 0, NUM_INPUTS, dtype=jnp.int64)
    emb_table = jax.random.normal(ks[1], (NUM_INPUTS, D), dtype=jnp.float32) * 0.02
    fc_table = jax.random.normal(ks[2], (NUM_INPUTS, 1), dtype=jnp.float32) * 0.02
    W_lin = jax.random.normal(ks[3], (1, 1), dtype=jnp.float32) * 0.5
    b_lin = jnp.zeros((1,), dtype=jnp.float32)
    W1 = jax.random.normal(ks[4], (H1, DEEP_IN), dtype=jnp.float32) * (1.0 / np.sqrt(DEEP_IN))
    b1 = jnp.zeros((H1,), dtype=jnp.float32)
    W2 = jax.random.normal(ks[5], (H2, H1), dtype=jnp.float32) * (1.0 / np.sqrt(H1))
    b2 = jnp.zeros((H2,), dtype=jnp.float32)
    W3 = jax.random.normal(ks[6], (1, H2), dtype=jnp.float32) * (1.0 / np.sqrt(H2))
    b3 = jnp.zeros((1,), dtype=jnp.float32)
    return {"x": x, "emb_table": emb_table, "fc_table": fc_table, "W_lin": W_lin, "b_lin": b_lin, "W1": W1, "b1": b1, "W2": W2, "b2": b2, "W3": W3, "b3": b3}

def reference(x, emb_table, fc_table, W_lin, b_lin, W1, b1, W2, b2, W3, b3):
    # embedding lookup (SparseCore gather)
    emb = jnp.take(emb_table, x, axis=0)  # [B, F, D]
    square_of_sum = jnp.sum(emb, axis=1) ** 2          # [B, D]
    sum_of_square = jnp.sum(emb ** 2, axis=1)          # [B, D]
    # linear (first-order) term
    fc = jnp.take(fc_table, x, axis=0)                 # [B, F, 1]
    lin = jnp.sum(fc, axis=1) @ W_lin.T + b_lin        # [B, 1]
    out = lin + 0.5 * jnp.sum(square_of_sum - sum_of_square, axis=1, keepdims=True)
    # deep branch (dropout is identity at inference)
    h = emb.reshape((emb.shape[0], F * D))
    h = jax.nn.relu(h @ W1.T + b1)
    h = jax.nn.relu(h @ W2.T + b2)
    h = h @ W3.T + b3                                  # [B, 1]
    return out + h

if __name__ == "__main__":
    import jax
    _d = setup_inputs()
    print(jax.jit(kernel)(*tuple(_d.values())))

</pallas_src>

<mosaic_0001>
#map = affine_map<(d0, d1) -> (0, 0)>
#map1 = affine_map<(d0, d1) -> (0)>
module attributes {stable_mosaic.version = 14 : i64} {
  func.func @_sc_gather_body(%arg0: i32, %arg1: i32, %arg2: memref<832x128xi32, #tpu.memory_space<hbm>>, %arg3: memref<2600000x16xbf16, #tpu.memory_space<hbm>>, %arg4: memref<2600000xf32, #tpu.memory_space<hbm>>, %arg5: memref<106496x16xbf16, #tpu.memory_space<hbm>>, %arg6: memref<106496xf32, #tpu.memory_space<hbm>>, %arg7: memref<26x128xi32, #tpu.memory_space<vmem>>, %arg8: memref<2x128x16xbf16, #tpu.memory_space<vmem>>, %arg9: memref<2x128xf32, #tpu.memory_space<vmem>>, %arg10: memref<!tpu.dma_semaphore, #tpu.memory_space<semaphore_mem>>, %arg11: memref<!tpu.dma_semaphore, #tpu.memory_space<semaphore_mem>>, %arg12: memref<!tpu.dma_semaphore, #tpu.memory_space<semaphore_mem>>, %arg13: memref<!tpu.dma_semaphore, #tpu.memory_space<semaphore_mem>>) attributes {dimension_semantics = [#tpu.dimension_semantics<core_parallel>, #tpu.dimension_semantics<subcore_parallel>], iteration_bounds = array<i64: 2, 16>, scalar_prefetch = 0 : i64, scratch_operands = 7 : i64, tpu.core_type = #tpu.core_type<sc_vector_subcore>, window_params = [{transform_indices = #map}, {transform_indices = #map}, {transform_indices = #map1}, {transform_indices = #map}, {transform_indices = #map1}]} {
    %mul3A = arith.constant 2 : i32
    %mul3A_0 = arith.muli %arg1, %mul3A : i32
    %add3A = arith.addi %mul3A_0, %arg0 : i32
    %mul3A_1 = arith.constant 26 : i32
    %mul3A_2 = arith.muli %add3A, %mul3A_1 : i32
    "tpu.region"() ({
      %run_scoped3A = tpu.sem_alloc : memref<!tpu.dma_semaphore, #tpu.memory_space<semaphore_mem>>
      %dma_start3A_31 = arith.constant 0 : i32
      %dma_start3A_32 = tpu.memref_slice %arg2[%mul3A_2, %dma_start3A_31] : memref<832x128xi32, #tpu.memory_space<hbm>> -> memref<26x128xi32, #tpu.memory_space<hbm>>
      %dma_start3A_33 = arith.constant 0 : i32
      %dma_start3A_34 = tpu.memref_slice %arg2[%mul3A_2, %dma_start3A_33] : memref<832x128xi32, #tpu.memory_space<hbm>> -> memref<26x128xi32, #tpu.memory_space<hbm>>
      tpu.enqueue_dma source(%dma_start3A_34 : memref<26x128xi32, #tpu.memory_space<hbm>>) target(%arg7 : memref<26x128xi32, #tpu.memory_space<vmem>>) target_semaphore(%run_scoped3A : memref<!tpu.dma_semaphore, #tpu.memory_space<semaphore_mem>>)
      %dma_wait3A = arith.constant 0 : i32
      %dma_wait3A_35 = tpu.memref_slice %arg2[%mul3A_2, %dma_wait3A] : memref<832x128xi32, #tpu.memory_space<hbm>> -> memref<26x128xi32, #tpu.memory_space<hbm>>
      %dma_wait3A_36 = arith.constant 0 : i32
      %dma_wait3A_37 = tpu.memref_slice %arg2[%mul3A_2, %dma_wait3A_36] : memref<832x128xi32, #tpu.memory_space<hbm>> -> memref<26x128xi32, #tpu.memory_space<hbm>>
      tpu.wait_dma2 semaphore(%run_scoped3A : memref<!tpu.dma_semaphore, #tpu.memory_space<semaphore_mem>>) src(%dma_wait3A_37 : memref<26x128xi32, #tpu.memory_space<hbm>>) dst(%arg7 : memref<26x128xi32, #tpu.memory_space<vmem>>)
      tpu.yield
    }) : () -> ()
    %mul3A_3 = arith.constant 3328 : i32
    %mul3A_4 = arith.muli %add3A, %mul3A_3 : i32
    %dma_start3A = arith.constant 0 : i32
    %dma_start3A_5 = arith.constant 0 : i32
    %dma_start3A_6 = arith.constant 0 : i32
    %dma_start3A_7 = arith.constant 0 : i32
    %dma_start3A_8 = tpu.memref_slice %arg8[%dma_start3A_5, %dma_start3A_6, %dma_start3A_7] : memref<2x128x16xbf16, #tpu.memory_space<vmem>> -> memref<1x128x16xbf16, #tpu.memory_space<vmem>>
    %dma_start3A_9 = tpu.memref_squeeze %dma_start3A_8 : memref<1x128x16xbf16, #tpu.memory_space<vmem>> -> memref<128x16xbf16, #tpu.memory_space<vmem>>
    %dma_start3A_10 = arith.constant 0 : i32
    %dma_start3A_11 = tpu.memref_slice %arg7[%dma_start3A, %dma_start3A_10] : memref<26x128xi32, #tpu.memory_space<vmem>> -> memref<1x128xi32, #tpu.memory_space<vmem>>
    %dma_start3A_12 = tpu.memref_squeeze %dma_start3A_11 : memref<1x128xi32, #tpu.memory_space<vmem>> -> memref<128xi32, #tpu.memory_space<vmem>>
    %dma_start3A_13 = arith.constant 0 : i32
    %dma_start3A_14 = arith.constant 0 : i32
    %dma_start3A_15 = tpu.memref_slice %arg3[%dma_start3A_13, %dma_start3A_14] : memref<2600000x16xbf16, #tpu.memory_space<hbm>> -> memref<2600000x16xbf16, #tpu.memory_space<hbm>>
    tpu.enqueue_indirect_dma source(%dma_start3A_15 : memref<2600000x16xbf16, #tpu.memory_space<hbm>>) target(%dma_start3A_9 : memref<128x16xbf16, #tpu.memory_space<vmem>>) offsets(%dma_start3A_12 : memref<128xi32, #tpu.memory_space<vmem>>) semaphore(%arg10 : memref<!tpu.dma_semaphore, #tpu.memory_space<semaphore_mem>>)
    %dma_start3A_16 = arith.constant 0 : i32
    %dma_start3A_17 = arith.constant 0 : i32
    %dma_start3A_18 = arith.constant 0 : i32
    %dma_start3A_19 = tpu.memref_slice %arg9[%dma_start3A_17, %dma_start3A_18] : memref<2x128xf32, #tpu.memory_space<vmem>> -> memref<1x128xf32, #tpu.memory_space<vmem>>
    %dma_start3A_20 = tpu.memref_squeeze %dma_start3A_19 : memref<1x128xf32, #tpu.memory_space<vmem>> -> memref<128xf32, #tpu.memory_space<vmem>>
    %dma_start3A_21 = arith.constant 0 : i32
    %dma_start3A_22 = tpu.memref_slice %arg7[%dma_start3A_16, %dma_start3A_21] : memref<26x128xi32, #tpu.memory_space<vmem>> -> memref<1x128xi32, #tpu.memory_space<vmem>>
    %dma_start3A_23 = tpu.memref_squeeze %dma_start3A_22 : memref<1x128xi32, #tpu.memory_space<vmem>> -> memref<128xi32, #tpu.memory_space<vmem>>
    %dma_start3A_24 = arith.constant 0 : i32
    %dma_start3A_25 = tpu.memref_slice %arg4[%dma_start3A_24] : memref<2600000xf32, #tpu.memory_space<hbm>> -> memref<2600000xf32, #tpu.memory_space<hbm>>
    tpu.enqueue_indirect_dma source(%dma_start3A_25 : memref<2600000xf32, #tpu.memory_space<hbm>>) target(%dma_start3A_20 : memref<128xf32, #tpu.memory_space<vmem>>) offsets(%dma_start3A_23 : memref<128xi32, #tpu.memory_space<vmem>>) semaphore(%arg12 : memref<!tpu.dma_semaphore, #tpu.memory_space<semaphore_mem>>)
    %scan3A = arith.constant 0 : i32
    %scan3A_26 = arith.constant 0 : i32
    %scan3A_27 = arith.constant 13 : i32
    %scan3A_28 = arith.addi %scan3A_26, %scan3A_27 : i32
    %scan3A_29 = arith.constant 1 : i32
    scf.for %scan3A_31 = %scan3A_26 to %scan3A_28 step %scan3A_29  : i32 {
      %mul3A_32 = arith.constant 2 : i32
      %mul3A_33 = arith.muli %scan3A_31, %mul3A_32 : i32
      %add3A_34 = arith.constant 0 : i32
      %add3A_35 = arith.addi %mul3A_33, %add3A_34 : i32
      %add3A_36 = arith.constant 1 : i32
      %add3A_37 = arith.addi %add3A_35, %add3A_36 : i32
      %lt3A = arith.constant 26 : i32
      %lt3A_38 = arith.cmpi slt, %add3A_37, %lt3A : i32
      %convert_element_type3A = arith.extui %lt3A_38 : i1 to i32
      %cond3A = arith.constant 0 : i32
      %cond3A_39 = arith.cmpi ne, %convert_element_type3A, %cond3A : i32
      scf.if %cond3A_39 {
        %dma_start3A_105 = arith.constant 1 : i32
        %dma_start3A_106 = arith.constant 0 : i32
        %dma_start3A_107 = arith.constant 0 : i32
        %dma_start3A_108 = tpu.memref_slice %arg8[%dma_start3A_105, %dma_start3A_106, %dma_start3A_107] : memref<2x128x16xbf16, #tpu.memory_space<vmem>> -> memref<1x128x16xbf16, #tpu.memory_space<vmem>>
        %dma_start3A_109 = tpu.memref_squeeze %dma_start3A_108 : memref<1x128x16xbf16, #tpu.memory_space<vmem>> -> memref<128x16xbf16, #tpu.memory_space<vmem>>
        %dma_start3A_110 = arith.constant 0 : i32
        %dma_start3A_111 = tpu.memref_slice %arg7[%add3A_37, %dma_start3A_110] : memref<26x128xi32, #tpu.memory_space<vmem>> -> memref<1x128xi32, #tpu.memory_space<vmem>>
        %dma_start3A_112 = tpu.memref_squeeze %dma_start3A_111 : memref<1x128xi32, #tpu.memory_space<vmem>> -> memref<128xi32, #tpu.memory_space<vmem>>
        %dma_start3A_113 = arith.constant 0 : i32
        %dma_start3A_114 = arith.constant 0 : i32
        %dma_start3A_115 = tpu.memref_slice %arg3[%dma_start3A_113, %dma_start3A_114] : memref<2600000x16xbf16, #tpu.memory_space<hbm>> -> memref<2600000x16xbf16, #tpu.memory_space<hbm>>
        tpu.enqueue_indirect_dma source(%dma_start3A_115 : memref<2600000x16xbf16, #tpu.memory_space<hbm>>) target(%dma_start3A_109 : memref<128x16xbf16, #tpu.memory_space<vmem>>) offsets(%dma_start3A_112 : memref<128xi32, #tpu.memory_space<vmem>>) semaphore(%arg11 : memref<!tpu.dma_semaphore, #tpu.memory_space<semaphore_mem>>)
        %dma_start3A_116 = arith.constant 1 : i32
        %dma_start3A_117 = arith.constant 0 : i32
        %dma_start3A_118 = tpu.memref_slice %arg9[%dma_start3A_116, %dma_start3A_117] : memref<2x128xf32, #tpu.memory_space<vmem>> -> memref<1x128xf32, #tpu.memory_space<vmem>>
        %dma_start3A_119 = tpu.memref_squeeze %dma_start3A_118 : memref<1x128xf32, #tpu.memory_space<vmem>> -> memref<128xf32, #tpu.memory_space<vmem>>
        %dma_start3A_120 = arith.constant 0 : i32
        %dma_start3A_121 = tpu.memref_slice %arg7[%add3A_37, %dma_start3A_120] : memref<26x128xi32, #tpu.memory_space<vmem>> -> memref<1x128xi32, #tpu.memory_space<vmem>>
        %dma_start3A_122 = tpu.memref_squeeze %dma_start3A_121 : memref<1x128xi32, #tpu.memory_space<vmem>> -> memref<128xi32, #tpu.memory_space<vmem>>
        %dma_start3A_123 = arith.constant 0 : i32
        %dma_start3A_124 = tpu.memref_slice %arg4[%dma_start3A_123] : memref<2600000xf32, #tpu.memory_space<hbm>> -> memref<2600000xf32, #tpu.memory_space<hbm>>
        tpu.enqueue_indirect_dma source(%dma_start3A_124 : memref<2600000xf32, #tpu.memory_space<hbm>>) target(%dma_start3A_119 : memref<128xf32, #tpu.memory_space<vmem>>) offsets(%dma_start3A_122 : memref<128xi32, #tpu.memory_space<vmem>>) semaphore(%arg13 : memref<!tpu.dma_semaphore, #tpu.memory_space<semaphore_mem>>)
      } else {
      }
      %dma_wait3A = arith.constant 0 : i32
      %dma_wait3A_40 = arith.constant 0 : i32
      %dma_wait3A_41 = arith.constant 0 : i32
      %dma_wait3A_42 = tpu.memref_slice %arg8[%dma_wait3A, %dma_wait3A_40, %dma_wait3A_41] : memref<2x128x16xbf16, #tpu.memory_space<vmem>> -> memref<1x128x16xbf16, #tpu.memory_space<vmem>>
      %dma_wait3A_43 = tpu.memref_squeeze %dma_wait3A_42 : memref<1x128x16xbf16, #tpu.memory_space<vmem>> -> memref<128x16xbf16, #tpu.memory_space<vmem>>
      %dma_wait3A_44 = arith.constant 0 : i32
      %dma_wait3A_45 = tpu.memref_slice %arg7[%add3A_35, %dma_wait3A_44] : memref<26x128xi32, #tpu.memory_space<vmem>> -> memref<1x128xi32, #tpu.memory_space<vmem>>
      %dma_wait3A_46 = tpu.memref_squeeze %dma_wait3A_45 : memref<1x128xi32, #tpu.memory_space<vmem>> -> memref<128xi32, #tpu.memory_space<vmem>>
      %dma_wait3A_47 = arith.constant 0 : i32
      %dma_wait3A_48 = arith.constant 0 : i32
      %dma_wait3A_49 = tpu.memref_slice %arg3[%dma_wait3A_47, %dma_wait3A_48] : memref<2600000x16xbf16, #tpu.memory_space<hbm>> -> memref<2600000x16xbf16, #tpu.memory_space<hbm>>
      tpu.wait_indirect_dma semaphore(%arg10 : memref<!tpu.dma_semaphore, #tpu.memory_space<semaphore_mem>>) src(%dma_wait3A_49 : memref<2600000x16xbf16, #tpu.memory_space<hbm>>) dst(%dma_wait3A_43 : memref<128x16xbf16, #tpu.memory_space<vmem>>)
      %dma_wait3A_50 = arith.constant 0 : i32
      %dma_wait3A_51 = arith.constant 0 : i32
      %dma_wait3A_52 = tpu.memref_slice %arg9[%dma_wait3A_50, %dma_wait3A_51] : memref<2x128xf32, #tpu.memory_space<vmem>> -> memref<1x128xf32, #tpu.memory_space<vmem>>
      %dma_wait3A_53 = tpu.memref_squeeze %dma_wait3A_52 : memref<1x128xf32, #tpu.memory_space<vmem>> -> memref<128xf32, #tpu.memory_space<vmem>>
      %dma_wait3A_54 = arith.constant 0 : i32
      %dma_wait3A_55 = tpu.memref_slice %arg7[%add3A_35, %dma_wait3A_54] : memref<26x128xi32, #tpu.memory_space<vmem>> -> memref<1x128xi32, #tpu.memory_space<vmem>>
      %dma_wait3A_56 = tpu.memref_squeeze %dma_wait3A_55 : memref<1x128xi32, #tpu.memory_space<vmem>> -> memref<128xi32, #tpu.memory_space<vmem>>
      %dma_wait3A_57 = arith.constant 0 : i32
      %dma_wait3A_58 = tpu.memref_slice %arg4[%dma_wait3A_57] : memref<2600000xf32, #tpu.memory_space<hbm>> -> memref<2600000xf32, #tpu.memory_space<hbm>>
      tpu.wait_indirect_dma semaphore(%arg12 : memref<!tpu.dma_semaphore, #tpu.memory_space<semaphore_mem>>) src(%dma_wait3A_58 : memref<2600000xf32, #tpu.memory_space<hbm>>) dst(%dma_wait3A_53 : memref<128xf32, #tpu.memory_space<vmem>>)
      %mul3A_59 = arith.constant 128 : i32
      %mul3A_60 = arith.muli %add3A_35, %mul3A_59 : i32
      %add3A_61 = arith.addi %mul3A_4, %mul3A_60 : i32
      %run_scoped3A = arith.constant 0 : i32
      "tpu.region"() ({
        %run_scoped3A_105 = tpu.sem_alloc : memref<!tpu.dma_semaphore, #tpu.memory_space<semaphore_mem>>
        %dma_start3A_106 = arith.constant 0 : i32
        %dma_start3A_107 = arith.constant 0 : i32
        %dma_start3A_108 = tpu.memref_slice %arg8[%run_scoped3A, %dma_start3A_106, %dma_start3A_107] : memref<2x128x16xbf16, #tpu.memory_space<vmem>> -> memref<1x128x16xbf16, #tpu.memory_space<vmem>>
        %dma_start3A_109 = tpu.memref_squeeze %dma_start3A_108 : memref<1x128x16xbf16, #tpu.memory_space<vmem>> -> memref<128x16xbf16, #tpu.memory_space<vmem>>
        %dma_start3A_110 = arith.constant 0 : i32
        %dma_start3A_111 = tpu.memref_slice %arg5[%add3A_61, %dma_start3A_110] : memref<106496x16xbf16, #tpu.memory_space<hbm>> -> memref<128x16xbf16, #tpu.memory_space<hbm>>
        %dma_start3A_112 = arith.constant 0 : i32
        %dma_start3A_113 = tpu.memref_slice %arg5[%add3A_61, %dma_start3A_112] : memref<106496x16xbf16, #tpu.memory_space<hbm>> -> memref<128x16xbf16, #tpu.memory_space<hbm>>
        %dma_start3A_114 = arith.constant 0 : i32
        %dma_start3A_115 = arith.constant 0 : i32
        %dma_start3A_116 = tpu.memref_slice %arg8[%run_scoped3A, %dma_start3A_114, %dma_start3A_115] : memref<2x128x16xbf16, #tpu.memory_space<vmem>> -> memref<1x128x16xbf16, #tpu.memory_space<vmem>>
        %dma_start3A_117 = tpu.memref_squeeze %dma_start3A_116 : memref<1x128x16xbf16, #tpu.memory_space<vmem>> -> memref<128x16xbf16, #tpu.memory_space<vmem>>
        tpu.enqueue_dma source(%dma_start3A_117 : memref<128x16xbf16, #tpu.memory_space<vmem>>) target(%dma_start3A_113 : memref<128x16xbf16, #tpu.memory_space<hbm>>) target_semaphore(%run_scoped3A_105 : memref<!tpu.dma_semaphore, #tpu.memory_space<semaphore_mem>>)
        %dma_wait3A_118 = arith.constant 0 : i32
        %dma_wait3A_119 = arith.constant 0 : i32
        %dma_wait3A_120 = tpu.memref_slice %arg8[%run_scoped3A, %dma_wait3A_118, %dma_wait3A_119] : memref<2x128x16xbf16, #tpu.memory_space<vmem>> -> memref<1x128x16xbf16, #tpu.memory_space<vmem>>
        %dma_wait3A_121 = tpu.memref_squeeze %dma_wait3A_120 : memref<1x128x16xbf16, #tpu.memory_space<vmem>> -> memref<128x16xbf16, #tpu.memory_space<vmem>>
        %dma_wait3A_122 = arith.constant 0 : i32
        %dma_wait3A_123 = tpu.memref_slice %arg5[%add3A_61, %dma_wait3A_122] : memref<106496x16xbf16, #tpu.memory_space<hbm>> -> memref<128x16xbf16, #tpu.memory_space<hbm>>
        %dma_wait3A_124 = arith.constant 0 : i32
        %dma_wait3A_125 = tpu.memref_slice %arg5[%add3A_61, %dma_wait3A_124] : memref<106496x16xbf16, #tpu.memory_space<hbm>> -> memref<128x16xbf16, #tpu.memory_space<hbm>>
        %dma_wait3A_126 = arith.constant 0 : i32
        %dma_wait3A_127 = arith.constant 0 : i32
        %dma_wait3A_128 = tpu.memref_slice %arg8[%run_scoped3A, %dma_wait3A_126, %dma_wait3A_127] : memref<2x128x16xbf16, #tpu.memory_space<vmem>> -> memref<1x128x16xbf16, #tpu.memory_space<vmem>>
        %dma_wait3A_129 = tpu.memref_squeeze %dma_wait3A_128 : memref<1x128x16xbf16, #tpu.memory_space<vmem>> -> memref<128x16xbf16, #tpu.memory_space<vmem>>
        tpu.wait_dma2 semaphore(%run_scoped3A_105 : memref<!tpu.dma_semaphore, #tpu.memory_space<semaphore_mem>>) src(%dma_wait3A_129 : memref<128x16xbf16, #tpu.memory_space<vmem>>) dst(%dma_wait3A_125 : memref<128x16xbf16, #tpu.memory_space<hbm>>)
        tpu.yield
      }) : () -> ()
      %mul3A_62 = arith.constant 128 : i32
      %mul3A_63 = arith.muli %add3A_35, %mul3A_62 : i32
      %add3A_64 = arith.addi %mul3A_4, %mul3A_63 : i32
      %run_scoped3A_65 = arith.constant 0 : i32
      "tpu.region"() ({
        %run_scoped3A_105 = tpu.sem_alloc : memref<!tpu.dma_semaphore, #tpu.memory_space<semaphore_mem>>
        %dma_start3A_106 = arith.constant 0 : i32
        %dma_start3A_107 = tpu.memref_slice %arg9[%run_scoped3A_65, %dma_start3A_106] : memref<2x128xf32, #tpu.memory_space<vmem>> -> memref<1x128xf32, #tpu.memory_space<vmem>>
        %dma_start3A_108 = tpu.memref_squeeze %dma_start3A_107 : memref<1x128xf32, #tpu.memory_space<vmem>> -> memref<128xf32, #tpu.memory_space<vmem>>
        %dma_start3A_109 = tpu.memref_slice %arg6[%add3A_64] : memref<106496xf32, #tpu.memory_space<hbm>> -> memref<128xf32, #tpu.memory_space<hbm>>
        %dma_start3A_110 = tpu.memref_slice %arg6[%add3A_64] : memref<106496xf32, #tpu.memory_space<hbm>> -> memref<128xf32, #tpu.memory_space<hbm>>
        %dma_start3A_111 = arith.constant 0 : i32
        %dma_start3A_112 = tpu.memref_slice %arg9[%run_scoped3A_65, %dma_start3A_111] : memref<2x128xf32, #tpu.memory_space<vmem>> -> memref<1x128xf32, #tpu.memory_space<vmem>>
        %dma_start3A_113 = tpu.memref_squeeze %dma_start3A_112 : memref<1x128xf32, #tpu.memory_space<vmem>> -> memref<128xf32, #tpu.memory_space<vmem>>
        tpu.enqueue_dma source(%dma_start3A_113 : memref<128xf32, #tpu.memory_space<vmem>>) target(%dma_start3A_110 : memref<128xf32, #tpu.memory_space<hbm>>) target_semaphore(%run_scoped3A_105 : memref<!tpu.dma_semaphore, #tpu.memory_space<semaphore_mem>>)
        %dma_wait3A_114 = arith.constant 0 : i32
        %dma_wait3A_115 = tpu.memref_slice %arg9[%run_scoped3A_65, %dma_wait3A_114] : memref<2x128xf32, #tpu.memory_space<vmem>> -> memref<1x128xf32, #tpu.memory_space<vmem>>
        %dma_wait3A_116 = tpu.memref_squeeze %dma_wait3A_115 : memref<1x128xf32, #tpu.memory_space<vmem>> -> memref<128xf32, #tpu.memory_space<vmem>>
        %dma_wait3A_117 = tpu.memref_slice %arg6[%add3A_64] : memref<106496xf32, #tpu.memory_space<hbm>> -> memref<128xf32, #tpu.memory_space<hbm>>
        %dma_wait3A_118 = tpu.memref_slice %arg6[%add3A_64] : memref<106496xf32, #tpu.memory_space<hbm>> -> memref<128xf32, #tpu.memory_space<hbm>>
        %dma_wait3A_119 = arith.constant 0 : i32
        %dma_wait3A_120 = tpu.memref_slice %arg9[%run_scoped3A_65, %dma_wait3A_119] : memref<2x128xf32, #tpu.memory_space<vmem>> -> memref<1x128xf32, #tpu.memory_space<vmem>>
        %dma_wait3A_121 = tpu.memref_squeeze %dma_wait3A_120 : memref<1x128xf32, #tpu.memory_space<vmem>> -> memref<128xf32, #tpu.memory_space<vmem>>
        tpu.wait_dma2 semaphore(%run_scoped3A_105 : memref<!tpu.dma_semaphore, #tpu.memory_space<semaphore_mem>>) src(%dma_wait3A_121 : memref<128xf32, #tpu.memory_space<vmem>>) dst(%dma_wait3A_118 : memref<128xf32, #tpu.memory_space<hbm>>)
        tpu.yield
      }) : () -> ()
      %mul3A_66 = arith.constant 2 : i32
      %mul3A_67 = arith.muli %scan3A_31, %mul3A_66 : i32
      %add3A_68 = arith.constant 1 : i32
      %add3A_69 = arith.addi %mul3A_67, %add3A_68 : i32
      %add3A_70 = arith.constant 1 : i32
      %add3A_71 = arith.addi %add3A_69, %add3A_70 : i32
      %lt3A_72 = arith.constant 26 : i32
      %lt3A_73 = arith.cmpi slt, %add3A_71, %lt3A_72 : i32
      %convert_element_type3A_74 = arith.extui %lt3A_73 : i1 to i32
      %cond3A_75 = arith.constant 0 : i32
      %cond3A_76 = arith.cmpi ne, %convert_element_type3A_74, %cond3A_75 : i32
      scf.if %cond3A_76 {
        %dma_start3A_105 = arith.constant 0 : i32
        %dma_start3A_106 = arith.constant 0 : i32
        %dma_start3A_107 = arith.constant 0 : i32
        %dma_start3A_108 = tpu.memref_slice %arg8[%dma_start3A_105, %dma_start3A_106, %dma_start3A_107] : memref<2x128x16xbf16, #tpu.memory_space<vmem>> -> memref<1x128x16xbf16, #tpu.memory_space<vmem>>
        %dma_start3A_109 = tpu.memref_squeeze %dma_start3A_108 : memref<1x128x16xbf16, #tpu.memory_space<vmem>> -> memref<128x16xbf16, #tpu.memory_space<vmem>>
        %dma_start3A_110 = arith.constant 0 : i32
        %dma_start3A_111 = tpu.memref_slice %arg7[%add3A_71, %dma_start3A_110] : memref<26x128xi32, #tpu.memory_space<vmem>> -> memref<1x128xi32, #tpu.memory_space<vmem>>
        %dma_start3A_112 = tpu.memref_squeeze %dma_start3A_111 : memref<1x128xi32, #tpu.memory_space<vmem>> -> memref<128xi32, #tpu.memory_space<vmem>>
        %dma_start3A_113 = arith.constant 0 : i32
        %dma_start3A_114 = arith.constant 0 : i32
        %dma_start3A_115 = tpu.memref_slice %arg3[%dma_start3A_113, %dma_start3A_114] : memref<2600000x16xbf16, #tpu.memory_space<hbm>> -> memref<2600000x16xbf16, #tpu.memory_space<hbm>>
        tpu.enqueue_indirect_dma source(%dma_start3A_115 : memref<2600000x16xbf16, #tpu.memory_space<hbm>>) target(%dma_start3A_109 : memref<128x16xbf16, #tpu.memory_space<vmem>>) offsets(%dma_start3A_112 : memref<128xi32, #tpu.memory_space<vmem>>) semaphore(%arg10 : memref<!tpu.dma_semaphore, #tpu.memory_space<semaphore_mem>>)
        %dma_start3A_116 = arith.constant 0 : i32
        %dma_start3A_117 = arith.constant 0 : i32
        %dma_start3A_118 = tpu.memref_slice %arg9[%dma_start3A_116, %dma_start3A_117] : memref<2x128xf32, #tpu.memory_space<vmem>> -> memref<1x128xf32, #tpu.memory_space<vmem>>
        %dma_start3A_119 = tpu.memref_squeeze %dma_start3A_118 : memref<1x128xf32, #tpu.memory_space<vmem>> -> memref<128xf32, #tpu.memory_space<vmem>>
        %dma_start3A_120 = arith.constant 0 : i32
        %dma_start3A_121 = tpu.memref_slice %arg7[%add3A_71, %dma_start3A_120] : memref<26x128xi32, #tpu.memory_space<vmem>> -> memref<1x128xi32, #tpu.memory_space<vmem>>
        %dma_start3A_122 = tpu.memref_squeeze %dma_start3A_121 : memref<1x128xi32, #tpu.memory_space<vmem>> -> memref<128xi32, #tpu.memory_space<vmem>>
        %dma_start3A_123 = arith.constant 0 : i32
        %dma_start3A_124 = tpu.memref_slice %arg4[%dma_start3A_123] : memref<2600000xf32, #tpu.memory_space<hbm>> -> memref<2600000xf32, #tpu.memory_space<hbm>>
        tpu.enqueue_indirect_dma source(%dma_start3A_124 : memref<2600000xf32, #tpu.memory_space<hbm>>) target(%dma_start3A_119 : memref<128xf32, #tpu.memory_space<vmem>>) offsets(%dma_start3A_122 : memref<128xi32, #tpu.memory_space<vmem>>) semaphore(%arg12 : memref<!tpu.dma_semaphore, #tpu.memory_space<semaphore_mem>>)
      } else {
      }
      %dma_wait3A_77 = arith.constant 1 : i32
      %dma_wait3A_78 = arith.constant 0 : i32
      %dma_wait3A_79 = arith.constant 0 : i32
      %dma_wait3A_80 = tpu.memref_slice %arg8[%dma_wait3A_77, %dma_wait3A_78, %dma_wait3A_79] : memref<2x128x16xbf16, #tpu.memory_space<vmem>> -> memref<1x128x16xbf16, #tpu.memory_space<vmem>>
      %dma_wait3A_81 = tpu.memref_squeeze %dma_wait3A_80 : memref<1x128x16xbf16, #tpu.memory_space<vmem>> -> memref<128x16xbf16, #tpu.memory_space<vmem>>
      %dma_wait3A_82 = arith.constant 0 : i32
      %dma_wait3A_83 = tpu.memref_slice %arg7[%add3A_69, %dma_wait3A_82] : memref<26x128xi32, #tpu.memory_space<vmem>> -> memref<1x128xi32, #tpu.memory_space<vmem>>
      %dma_wait3A_84 = tpu.memref_squeeze %dma_wait3A_83 : memref<1x128xi32, #tpu.memory_space<vmem>> -> memref<128xi32, #tpu.memory_space<vmem>>
      %dma_wait3A_85 = arith.constant 0 : i32
      %dma_wait3A_86 = arith.constant 0 : i32
      %dma_wait3A_87 = tpu.memref_slice %arg3[%dma_wait3A_85, %dma_wait3A_86] : memref<2600000x16xbf16, #tpu.memory_space<hbm>> -> memref<2600000x16xbf16, #tpu.memory_space<hbm>>
      tpu.wait_indirect_dma semaphore(%arg11 : memref<!tpu.dma_semaphore, #tpu.memory_space<semaphore_mem>>) src(%dma_wait3A_87 : memref<2600000x16xbf16, #tpu.memory_space<hbm>>) dst(%dma_wait3A_81 : memref<128x16xbf16, #tpu.memory_space<vmem>>)
      %dma_wait3A_88 = arith.constant 1 : i32
      %dma_wait3A_89 = arith.constant 0 : i32
      %dma_wait3A_90 = tpu.memref_slice %arg9[%dma_wait3A_88, %dma_wait3A_89] : memref<2x128xf32, #tpu.memory_space<vmem>> -> memref<1x128xf32, #tpu.memory_space<vmem>>
      %dma_wait3A_91 = tpu.memref_squeeze %dma_wait3A_90 : memref<1x128xf32, #tpu.memory_space<vmem>> -> memref<128xf32, #tpu.memory_space<vmem>>
      %dma_wait3A_92 = arith.constant 0 : i32
      %dma_wait3A_93 = tpu.memref_slice %arg7[%add3A_69, %dma_wait3A_92] : memref<26x128xi32, #tpu.memory_space<vmem>> -> memref<1x128xi32, #tpu.memory_space<vmem>>
      %dma_wait3A_94 = tpu.memref_squeeze %dma_wait3A_93 : memref<1x128xi32, #tpu.memory_space<vmem>> -> memref<128xi32, #tpu.memory_space<vmem>>
      %dma_wait3A_95 = arith.constant 0 : i32
      %dma_wait3A_96 = tpu.memref_slice %arg4[%dma_wait3A_95] : memref<2600000xf32, #tpu.memory_space<hbm>> -> memref<2600000xf32, #tpu.memory_space<hbm>>
      tpu.wait_indirect_dma semaphore(%arg13 : memref<!tpu.dma_semaphore, #tpu.memory_space<semaphore_mem>>) src(%dma_wait3A_96 : memref<2600000xf32, #tpu.memory_space<hbm>>) dst(%dma_wait3A_91 : memref<128xf32, #tpu.memory_space<vmem>>)
      %mul3A_97 = arith.constant 128 : i32
      %mul3A_98 = arith.muli %add3A_69, %mul3A_97 : i32
      %add3A_99 = arith.addi %mul3A_4, %mul3A_98 : i32
      %run_scoped3A_100 = arith.constant 1 : i32
      "tpu.region"() ({
        %run_scoped3A_105 = tpu.sem_alloc : memref<!tpu.dma_semaphore, #tpu.memory_space<semaphore_mem>>
        %dma_start3A_106 = arith.constant 0 : i32
        %dma_start3A_107 = arith.constant 0 : i32
        %dma_start3A_108 = tpu.memref_slice %arg8[%run_scoped3A_100, %dma_start3A_106, %dma_start3A_107] : memref<2x128x16xbf16, #tpu.memory_space<vmem>> -> memref<1x128x16xbf16, #tpu.memory_space<vmem>>
        %dma_start3A_109 = tpu.memref_squeeze %dma_start3A_108 : memref<1x128x16xbf16, #tpu.memory_space<vmem>> -> memref<128x16xbf16, #tpu.memory_space<vmem>>
        %dma_start3A_110 = arith.constant 0 : i32
        %dma_start3A_111 = tpu.memref_slice %arg5[%add3A_99, %dma_start3A_110] : memref<106496x16xbf16, #tpu.memory_space<hbm>> -> memref<128x16xbf16, #tpu.memory_space<hbm>>
        %dma_start3A_112 = arith.constant 0 : i32
        %dma_start3A_113 = tpu.memref_slice %arg5[%add3A_99, %dma_start3A_112] : memref<106496x16xbf16, #tpu.memory_space<hbm>> -> memref<128x16xbf16, #tpu.memory_space<hbm>>
        %dma_start3A_114 = arith.constant 0 : i32
        %dma_start3A_115 = arith.constant 0 : i32
        %dma_start3A_116 = tpu.memref_slice %arg8[%run_scoped3A_100, %dma_start3A_114, %dma_start3A_115] : memref<2x128x16xbf16, #tpu.memory_space<vmem>> -> memref<1x128x16xbf16, #tpu.memory_space<vmem>>
        %dma_start3A_117 = tpu.memref_squeeze %dma_start3A_116 : memref<1x128x16xbf16, #tpu.memory_space<vmem>> -> memref<128x16xbf16, #tpu.memory_space<vmem>>
        tpu.enqueue_dma source(%dma_start3A_117 : memref<128x16xbf16, #tpu.memory_space<vmem>>) target(%dma_start3A_113 : memref<128x16xbf16, #tpu.memory_space<hbm>>) target_semaphore(%run_scoped3A_105 : memref<!tpu.dma_semaphore, #tpu.memory_space<semaphore_mem>>)
        %dma_wait3A_118 = arith.constant 0 : i32
        %dma_wait3A_119 = arith.constant 0 : i32
        %dma_wait3A_120 = tpu.memref_slice %arg8[%run_scoped3A_100, %dma_wait3A_118, %dma_wait3A_119] : memref<2x128x16xbf16, #tpu.memory_space<vmem>> -> memref<1x128x16xbf16, #tpu.memory_space<vmem>>
        %dma_wait3A_121 = tpu.memref_squeeze %dma_wait3A_120 : memref<1x128x16xbf16, #tpu.memory_space<vmem>> -> memref<128x16xbf16, #tpu.memory_space<vmem>>
        %dma_wait3A_122 = arith.constant 0 : i32
        %dma_wait3A_123 = tpu.memref_slice %arg5[%add3A_99, %dma_wait3A_122] : memref<106496x16xbf16, #tpu.memory_space<hbm>> -> memref<128x16xbf16, #tpu.memory_space<hbm>>
        %dma_wait3A_124 = arith.constant 0 : i32
        %dma_wait3A_125 = tpu.memref_slice %arg5[%add3A_99, %dma_wait3A_124] : memref<106496x16xbf16, #tpu.memory_space<hbm>> -> memref<128x16xbf16, #tpu.memory_space<hbm>>
        %dma_wait3A_126 = arith.constant 0 : i32
        %dma_wait3A_127 = arith.constant 0 : i32
        %dma_wait3A_128 = tpu.memref_slice %arg8[%run_scoped3A_100, %dma_wait3A_126, %dma_wait3A_127] : memref<2x128x16xbf16, #tpu.memory_space<vmem>> -> memref<1x128x16xbf16, #tpu.memory_space<vmem>>
        %dma_wait3A_129 = tpu.memref_squeeze %dma_wait3A_128 : memref<1x128x16xbf16, #tpu.memory_space<vmem>> -> memref<128x16xbf16, #tpu.memory_space<vmem>>
        tpu.wait_dma2 semaphore(%run_scoped3A_105 : memref<!tpu.dma_semaphore, #tpu.memory_space<semaphore_mem>>) src(%dma_wait3A_129 : memref<128x16xbf16, #tpu.memory_space<vmem>>) dst(%dma_wait3A_125 : memref<128x16xbf16, #tpu.memory_space<hbm>>)
        tpu.yield
      }) : () -> ()
      %mul3A_101 = arith.constant 128 : i32
      %mul3A_102 = arith.muli %add3A_69, %mul3A_101 : i32
      %add3A_103 = arith.addi %mul3A_4, %mul3A_102 : i32
      %run_scoped3A_104 = arith.constant 1 : i32
      "tpu.region"() ({
        %run_scoped3A_105 = tpu.sem_alloc : memref<!tpu.dma_semaphore, #tpu.memory_space<semaphore_mem>>
        %dma_start3A_106 = arith.constant 0 : i32
        %dma_start3A_107 = tpu.memref_slice %arg9[%run_scoped3A_104, %dma_start3A_106] : memref<2x128xf32, #tpu.memory_space<vmem>> -> memref<1x128xf32, #tpu.memory_space<vmem>>
        %dma_start3A_108 = tpu.memref_squeeze %dma_start3A_107 : memref<1x128xf32, #tpu.memory_space<vmem>> -> memref<128xf32, #tpu.memory_space<vmem>>
        %dma_start3A_109 = tpu.memref_slice %arg6[%add3A_103] : memref<106496xf32, #tpu.memory_space<hbm>> -> memref<128xf32, #tpu.memory_space<hbm>>
        %dma_start3A_110 = tpu.memref_slice %arg6[%add3A_103] : memref<106496xf32, #tpu.memory_space<hbm>> -> memref<128xf32, #tpu.memory_space<hbm>>
        %dma_start3A_111 = arith.constant 0 : i32
        %dma_start3A_112 = tpu.memref_slice %arg9[%run_scoped3A_104, %dma_start3A_111] : memref<2x128xf32, #tpu.memory_space<vmem>> -> memref<1x128xf32, #tpu.memory_space<vmem>>
        %dma_start3A_113 = tpu.memref_squeeze %dma_start3A_112 : memref<1x128xf32, #tpu.memory_space<vmem>> -> memref<128xf32, #tpu.memory_space<vmem>>
        tpu.enqueue_dma source(%dma_start3A_113 : memref<128xf32, #tpu.memory_space<vmem>>) target(%dma_start3A_110 : memref<128xf32, #tpu.memory_space<hbm>>) target_semaphore(%run_scoped3A_105 : memref<!tpu.dma_semaphore, #tpu.memory_space<semaphore_mem>>)
        %dma_wait3A_114 = arith.constant 0 : i32
        %dma_wait3A_115 = tpu.memref_slice %arg9[%run_scoped3A_104, %dma_wait3A_114] : memref<2x128xf32, #tpu.memory_space<vmem>> -> memref<1x128xf32, #tpu.memory_space<vmem>>
        %dma_wait3A_116 = tpu.memref_squeeze %dma_wait3A_115 : memref<1x128xf32, #tpu.memory_space<vmem>> -> memref<128xf32, #tpu.memory_space<vmem>>
        %dma_wait3A_117 = tpu.memref_slice %arg6[%add3A_103] : memref<106496xf32, #tpu.memory_space<hbm>> -> memref<128xf32, #tpu.memory_space<hbm>>
        %dma_wait3A_118 = tpu.memref_slice %arg6[%add3A_103] : memref<106496xf32, #tpu.memory_space<hbm>> -> memref<128xf32, #tpu.memory_space<hbm>>
        %dma_wait3A_119 = arith.constant 0 : i32
        %dma_wait3A_120 = tpu.memref_slice %arg9[%run_scoped3A_104, %dma_wait3A_119] : memref<2x128xf32, #tpu.memory_space<vmem>> -> memref<1x128xf32, #tpu.memory_space<vmem>>
        %dma_wait3A_121 = tpu.memref_squeeze %dma_wait3A_120 : memref<1x128xf32, #tpu.memory_space<vmem>> -> memref<128xf32, #tpu.memory_space<vmem>>
        tpu.wait_dma2 semaphore(%run_scoped3A_105 : memref<!tpu.dma_semaphore, #tpu.memory_space<semaphore_mem>>) src(%dma_wait3A_121 : memref<128xf32, #tpu.memory_space<vmem>>) dst(%dma_wait3A_118 : memref<128xf32, #tpu.memory_space<hbm>>)
        tpu.yield
      }) : () -> ()
    }
    %scan3A_30 = arith.constant 13 : i32
    return
  }
}

#map = affine_map<(d0, d1) -> (0, 0)>
#map1 = affine_map<(d0, d1) -> (0)>
module attributes {stable_mosaic.version = 14 : i64} {
  func.func @_sc_gather_body(%arg0: i32, %arg1: i32, %arg2: memref<832x128xi32, #tpu.memory_space<hbm>>, %arg3: memref<2600000x16xbf16, #tpu.memory_space<hbm>>, %arg4: memref<2600000xf32, #tpu.memory_space<hbm>>, %arg5: memref<106496x16xbf16, #tpu.memory_space<hbm>>, %arg6: memref<106496xf32, #tpu.memory_space<hbm>>, %arg7: memref<26x128xi32, #tpu.memory_space<vmem>>, %arg8: memref<2x128x16xbf16, #tpu.memory_space<vmem>>, %arg9: memref<2x128xf32, #tpu.memory_space<vmem>>, %arg10: memref<!tpu.dma_semaphore, #tpu.memory_space<semaphore_mem>>, %arg11: memref<!tpu.dma_semaphore, #tpu.memory_space<semaphore_mem>>, %arg12: memref<!tpu.dma_semaphore, #tpu.memory_space<semaphore_mem>>, %arg13: memref<!tpu.dma_semaphore, #tpu.memory_space<semaphore_mem>>) attributes {dimension_semantics = [#tpu.dimension_semantics<core_parallel>, #tpu.dimension_semantics<subcore_parallel>], iteration_bounds = array<i64: 2, 16>, scalar_prefetch = 0 : i64, scratch_operands = 7 : i64, tpu.core_type = #tpu.core_type<sc_vector_subcore>, window_params = [{transform_indices = #map}, {transform_indices = #map}, {transform_indices = #map1}, {transform_indices = #map}, {transform_indices = #map1}]} {
    %mul3A = arith.constant 2 : i32
    %mul3A_0 = arith.muli %arg1, %mul3A : i32
    %add3A = arith.addi %mul3A_0, %arg0 : i32
    %mul3A_1 = arith.constant 26 : i32
    %mul3A_2 = arith.muli %add3A, %mul3A_1 : i32
    "tpu.region"() ({
      %run_scoped3A = tpu.sem_alloc : memref<!tpu.dma_semaphore, #tpu.memory_space<semaphore_mem>>
      %dma_start3A_31 = arith.constant 0 : i32
      %dma_start3A_32 = tpu.memref_slice %arg2[%mul3A_2, %dma_start3A_31] : memref<832x128xi32, #tpu.memory_space<hbm>> -> memref<26x128xi32, #tpu.memory_space<hbm>>
      %dma_start3A_33 = arith.constant 0 : i32
      %dma_start3A_34 = tpu.memref_slice %arg2[%mul3A_2, %dma_start3A_33] : memref<832x128xi32, #tpu.memory_space<hbm>> -> memref<26x128xi32, #tpu.memory_space<hbm>>
      tpu.enqueue_dma source(%dma_start3A_34 : memref<26x128xi32, #tpu.memory_space<hbm>>) target(%arg7 : memref<26x128xi32, #tpu.memory_space<vmem>>) target_semaphore(%run_scoped3A : memref<!tpu.dma_semaphore, #tpu.memory_space<semaphore_mem>>)
      %dma_wait3A = arith.constant 0 : i32
      %dma_wait3A_35 = tpu.memref_slice %arg2[%mul3A_2, %dma_wait3A] : memref<832x128xi32, #tpu.memory_space<hbm>> -> memref<26x128xi32, #tpu.memory_space<hbm>>
      %dma_wait3A_36 = arith.constant 0 : i32
      %dma_wait3A_37 = tpu.memref_slice %arg2[%mul3A_2, %dma_wait3A_36] : memref<832x128xi32, #tpu.memory_space<hbm>> -> memref<26x128xi32, #tpu.memory_space<hbm>>
      tpu.wait_dma2 semaphore(%run_scoped3A : memref<!tpu.dma_semaphore, #tpu.memory_space<semaphore_mem>>) src(%dma_wait3A_37 : memref<26x128xi32, #tpu.memory_space<hbm>>) dst(%arg7 : memref<26x128xi32, #tpu.memory_space<vmem>>)
      tpu.yield
    }) : () -> ()
    %mul3A_3 = arith.constant 3328 : i32
    %mul3A_4 = arith.muli %add3A, %mul3A_3 : i32
    %dma_start3A = arith.constant 0 : i32
    %dma_start3A_5 = arith.constant 0 : i32
    %dma_start3A_6 = arith.constant 0 : i32
    %dma_start3A_7 = arith.constant 0 : i32
    %dma_start3A_8 = tpu.memref_slice %arg8[%dma_start3A_5, %dma_start3A_6, %dma_start3A_7] : memref<2x128x16xbf16, #tpu.memory_space<vmem>> -> memref<1x128x16xbf16, #tpu.memory_space<vmem>>
    %dma_start3A_9 = tpu.memref_squeeze %dma_start3A_8 : memref<1x128x16xbf16, #tpu.memory_space<vmem>> -> memref<128x16xbf16, #tpu.memory_space<vmem>>
    %dma_start3A_10 = arith.constant 0 : i32
    %dma_start3A_11 = tpu.memref_slice %arg7[%dma_start3A, %dma_start3A_10] : memref<26x128xi32, #tpu.memory_space<vmem>> -> memref<1x128xi32, #tpu.memory_space<vmem>>
    %dma_start3A_12 = tpu.memref_squeeze %dma_start3A_11 : memref<1x128xi32, #tpu.memory_space<vmem>> -> memref<128xi32, #tpu.memory_space<vmem>>
    %dma_start3A_13 = arith.constant 0 : i32
    %dma_start3A_14 = arith.constant 0 : i32
    %dma_start3A_15 = tpu.memref_slice %arg3[%dma_start3A_13, %dma_start3A_14] : memref<2600000x16xbf16, #tpu.memory_space<hbm>> -> memref<2600000x16xbf16, #tpu.memory_space<hbm>>
    tpu.enqueue_indirect_dma source(%dma_start3A_15 : memref<2600000x16xbf16, #tpu.memory_space<hbm>>) target(%dma_start3A_9 : memref<128x16xbf16, #tpu.memory_space<vmem>>) offsets(%dma_start3A_12 : memref<128xi32, #tpu.memory_space<vmem>>) semaphore(%arg10 : memref<!tpu.dma_semaphore, #tpu.memory_space<semaphore_mem>>)
    %dma_start3A_16 = arith.constant 0 : i32
    %dma_start3A_17 = arith.constant 0 : i32
    %dma_start3A_18 = arith.constant 0 : i32
    %dma_start3A_19 = tpu.memref_slice %arg9[%dma_start3A_17, %dma_start3A_18] : memref<2x128xf32, #tpu.memory_space<vmem>> -> memref<1x128xf32, #tpu.memory_space<vmem>>
    %dma_start3A_20 = tpu.memref_squeeze %dma_start3A_19 : memref<1x128xf32, #tpu.memory_space<vmem>> -> memref<128xf32, #tpu.memory_space<vmem>>
    %dma_start3A_21 = arith.constant 0 : i32
    %dma_start3A_22 = tpu.memref_slice %arg7[%dma_start3A_16, %dma_start3A_21] : memref<26x128xi32, #tpu.memory_space<vmem>> -> memref<1x128xi32, #tpu.memory_space<vmem>>
    %dma_start3A_23 = tpu.memref_squeeze %dma_start3A_22 : memref<1x128xi32, #tpu.memory_space<vmem>> -> memref<128xi32, #tpu.memory_space<vmem>>
    %dma_start3A_24 = arith.constant 0 : i32
    %dma_start3A_25 = tpu.memref_slice %arg4[%dma_start3A_24] : memref<2600000xf32, #tpu.memory_space<hbm>> -> memref<2600000xf32, #tpu.memory_space<hbm>>
    tpu.enqueue_indirect_dma source(%dma_start3A_25 : memref<2600000xf32, #tpu.memory_space<hbm>>) target(%dma_start3A_20 : memref<128xf32, #tpu.memory_space<vmem>>) offsets(%dma_start3A_23 : memref<128xi32, #tpu.memory_space<vmem>>) semaphore(%arg12 : memref<!tpu.dma_semaphore, #tpu.memory_space<semaphore_mem>>)
    %scan3A = arith.constant 0 : i32
    %scan3A_26 = arith.constant 0 : i32
    %scan3A_27 = arith.constant 13 : i32
    %scan3A_28 = arith.addi %scan3A_26, %scan3A_27 : i32
    %scan3A_29 = arith.constant 1 : i32
    scf.for %scan3A_31 = %scan3A_26 to %scan3A_28 step %scan3A_29  : i32 {
      %mul3A_32 = arith.constant 2 : i32
      %mul3A_33 = arith.muli %scan3A_31, %mul3A_32 : i32
      %add3A_34 = arith.constant 0 : i32
      %add3A_35 = arith.addi %mul3A_33, %add3A_34 : i32
      %add3A_36 = arith.constant 1 : i32
      %add3A_37 = arith.addi %add3A_35, %add3A_36 : i32
      %lt3A = arith.constant 26 : i32
      %lt3A_38 = arith.cmpi slt, %add3A_37, %lt3A : i32
      %convert_element_type3A = arith.extui %lt3A_38 : i1 to i32
      %cond3A = arith.constant 0 : i32
      %cond3A_39 = arith.cmpi ne, %convert_element_type3A, %cond3A : i32
      scf.if %cond3A_39 {
        %dma_start3A_105 = arith.constant 1 : i32
        %dma_start3A_106 = arith.constant 0 : i32
        %dma_start3A_107 = arith.constant 0 : i32
        %dma_start3A_108 = tpu.memref_slice %arg8[%dma_start3A_105, %dma_start3A_106, %dma_start3A_107] : memref<2x128x16xbf16, #tpu.memory_space<vmem>> -> memref<1x128x16xbf16, #tpu.memory_space<vmem>>
        %dma_start3A_109 = tpu.memref_squeeze %dma_start3A_108 : memref<1x128x16xbf16, #tpu.memory_space<vmem>> -> memref<128x16xbf16, #tpu.memory_space<vmem>>
        %dma_start3A_110 = arith.constant 0 : i32
        %dma_start3A_111 = tpu.memref_slice %arg7[%add3A_37, %dma_start3A_110] : memref<26x128xi32, #tpu.memory_space<vmem>> -> memref<1x128xi32, #tpu.memory_space<vmem>>
        %dma_start3A_112 = tpu.memref_squeeze %dma_start3A_111 : memref<1x128xi32, #tpu.memory_space<vmem>> -> memref<128xi32, #tpu.memory_space<vmem>>
        %dma_start3A_113 = arith.constant 0 : i32
        %dma_start3A_114 = arith.constant 0 : i32
        %dma_start3A_115 = tpu.memref_slice %arg3[%dma_start3A_113, %dma_start3A_114] : memref<2600000x16xbf16, #tpu.memory_space<hbm>> -> memref<2600000x16xbf16, #tpu.memory_space<hbm>>
        tpu.enqueue_indirect_dma source(%dma_start3A_115 : memref<2600000x16xbf16, #tpu.memory_space<hbm>>) target(%dma_start3A_109 : memref<128x16xbf16, #tpu.memory_space<vmem>>) offsets(%dma_start3A_112 : memref<128xi32, #tpu.memory_space<vmem>>) semaphore(%arg11 : memref<!tpu.dma_semaphore, #tpu.memory_space<semaphore_mem>>)
        %dma_start3A_116 = arith.constant 1 : i32
        %dma_start3A_117 = arith.constant 0 : i32
        %dma_start3A_118 = tpu.memref_slice %arg9[%dma_start3A_116, %dma_start3A_117] : memref<2x128xf32, #tpu.memory_space<vmem>> -> memref<1x128xf32, #tpu.memory_space<vmem>>
        %dma_start3A_119 = tpu.memref_squeeze %dma_start3A_118 : memref<1x128xf32, #tpu.memory_space<vmem>> -> memref<128xf32, #tpu.memory_space<vmem>>
        %dma_start3A_120 = arith.constant 0 : i32
        %dma_start3A_121 = tpu.memref_slice %arg7[%add3A_37, %dma_start3A_120] : memref<26x128xi32, #tpu.memory_space<vmem>> -> memref<1x128xi32, #tpu.memory_space<vmem>>
        %dma_start3A_122 = tpu.memref_squeeze %dma_start3A_121 : memref<1x128xi32, #tpu.memory_space<vmem>> -> memref<128xi32, #tpu.memory_space<vmem>>
        %dma_start3A_123 = arith.constant 0 : i32
        %dma_start3A_124 = tpu.memref_slice %arg4[%dma_start3A_123] : memref<2600000xf32, #tpu.memory_space<hbm>> -> memref<2600000xf32, #tpu.memory_space<hbm>>
        tpu.enqueue_indirect_dma source(%dma_start3A_124 : memref<2600000xf32, #tpu.memory_space<hbm>>) target(%dma_start3A_119 : memref<128xf32, #tpu.memory_space<vmem>>) offsets(%dma_start3A_122 : memref<128xi32, #tpu.memory_space<vmem>>) semaphore(%arg13 : memref<!tpu.dma_semaphore, #tpu.memory_space<semaphore_mem>>)
      } else {
      }
      %dma_wait3A = arith.constant 0 : i32
      %dma_wait3A_40 = arith.constant 0 : i32
      %dma_wait3A_41 = arith.constant 0 : i32
      %dma_wait3A_42 = tpu.memref_slice %arg8[%dma_wait3A, %dma_wait3A_40, %dma_wait3A_41] : memref<2x128x16xbf16, #tpu.memory_space<vmem>> -> memref<1x128x16xbf16, #tpu.memory_space<vmem>>
      %dma_wait3A_43 = tpu.memref_squeeze %dma_wait3A_42 : memref<1x128x16xbf16, #tpu.memory_space<vmem>> -> memref<128x16xbf16, #tpu.memory_space<vmem>>
      %dma_wait3A_44 = arith.constant 0 : i32
      %dma_wait3A_45 = tpu.memref_slice %arg7[%add3A_35, %dma_wait3A_44] : memref<26x128xi32, #tpu.memory_space<vmem>> -> memref<1x128xi32, #tpu.memory_space<vmem>>
      %dma_wait3A_46 = tpu.memref_squeeze %dma_wait3A_45 : memref<1x128xi32, #tpu.memory_space<vmem>> -> memref<128xi32, #tpu.memory_space<vmem>>
      %dma_wait3A_47 = arith.constant 0 : i32
      %dma_wait3A_48 = arith.constant 0 : i32
      %dma_wait3A_49 = tpu.memref_slice %arg3[%dma_wait3A_47, %dma_wait3A_48] : memref<2600000x16xbf16, #tpu.memory_space<hbm>> -> memref<2600000x16xbf16, #tpu.memory_space<hbm>>
      tpu.wait_indirect_dma semaphore(%arg10 : memref<!tpu.dma_semaphore, #tpu.memory_space<semaphore_mem>>) src(%dma_wait3A_49 : memref<2600000x16xbf16, #tpu.memory_space<hbm>>) dst(%dma_wait3A_43 : memref<128x16xbf16, #tpu.memory_space<vmem>>)
      %dma_wait3A_50 = arith.constant 0 : i32
      %dma_wait3A_51 = arith.constant 0 : i32
      %dma_wait3A_52 = tpu.memref_slice %arg9[%dma_wait3A_50, %dma_wait3A_51] : memref<2x128xf32, #tpu.memory_space<vmem>> -> memref<1x128xf32, #tpu.memory_space<vmem>>
      %dma_wait3A_53 = tpu.memref_squeeze %dma_wait3A_52 : memref<1x128xf32, #tpu.memory_space<vmem>> -> memref<128xf32, #tpu.memory_space<vmem>>
      %dma_wait3A_54 = arith.constant 0 : i32
      %dma_wait3A_55 = tpu.memref_slice %arg7[%add3A_35, %dma_wait3A_54] : memref<26x128xi32, #tpu.memory_space<vmem>> -> memref<1x128xi32, #tpu.memory_space<vmem>>
      %dma_wait3A_56 = tpu.memref_squeeze %dma_wait3A_55 : memref<1x128xi32, #tpu.memory_space<vmem>> -> memref<128xi32, #tpu.memory_space<vmem>>
      %dma_wait3A_57 = arith.constant 0 : i32
      %dma_wait3A_58 = tpu.memref_slice %arg4[%dma_wait3A_57] : memref<2600000xf32, #tpu.memory_space<hbm>> -> memref<2600000xf32, #tpu.memory_space<hbm>>
      tpu.wait_indirect_dma semaphore(%arg12 : memref<!tpu.dma_semaphore, #tpu.memory_space<semaphore_mem>>) src(%dma_wait3A_58 : memref<2600000xf32, #tpu.memory_space<hbm>>) dst(%dma_wait3A_53 : memref<128xf32, #tpu.memory_space<vmem>>)
      %mul3A_59 = arith.constant 128 : i32
      %mul3A_60 = arith.muli %add3A_35, %mul3A_59 : i32
      %add3A_61 = arith.addi %mul3A_4, %mul3A_60 : i32
      %run_scoped3A = arith.constant 0 : i32
      "tpu.region"() ({
        %run_scoped3A_105 = tpu.sem_alloc : memref<!tpu.dma_semaphore, #tpu.memory_space<semaphore_mem>>
        %dma_start3A_106 = arith.constant 0 : i32
        %dma_start3A_107 = arith.constant 0 : i32
        %dma_start3A_108 = tpu.memref_slice %arg8[%run_scoped3A, %dma_start3A_106, %dma_start3A_107] : memref<2x128x16xbf16, #tpu.memory_space<vmem>> -> memref<1x128x16xbf16, #tpu.memory_space<vmem>>
        %dma_start3A_109 = tpu.memref_squeeze %dma_start3A_108 : memref<1x128x16xbf16, #tpu.memory_space<vmem>> -> memref<128x16xbf16, #tpu.memory_space<vmem>>
        %dma_start3A_110 = arith.constant 0 : i32
        %dma_start3A_111 = tpu.memref_slice %arg5[%add3A_61, %dma_start3A_110] : memref<106496x16xbf16, #tpu.memory_space<hbm>> -> memref<128x16xbf16, #tpu.memory_space<hbm>>
        %dma_start3A_112 = arith.constant 0 : i32
        %dma_start3A_113 = tpu.memref_slice %arg5[%add3A_61, %dma_start3A_112] : memref<106496x16xbf16, #tpu.memory_space<hbm>> -> memref<128x16xbf16, #tpu.memory_space<hbm>>
        %dma_start3A_114 = arith.constant 0 : i32
        %dma_start3A_115 = arith.constant 0 : i32
        %dma_start3A_116 = tpu.memref_slice %arg8[%run_scoped3A, %dma_start3A_114, %dma_start3A_115] : memref<2x128x16xbf16, #tpu.memory_space<vmem>> -> memref<1x128x16xbf16, #tpu.memory_space<vmem>>
        %dma_start3A_117 = tpu.memref_squeeze %dma_start3A_116 : memref<1x128x16xbf16, #tpu.memory_space<vmem>> -> memref<128x16xbf16, #tpu.memory_space<vmem>>
        tpu.enqueue_dma source(%dma_start3A_117 : memref<128x16xbf16, #tpu.memory_space<vmem>>) target(%dma_start3A_113 : memref<128x16xbf16, #tpu.memory_space<hbm>>) target_semaphore(%run_scoped3A_105 : memref<!tpu.dma_semaphore, #tpu.memory_space<semaphore_mem>>)
        %dma_wait3A_118 = arith.constant 0 : i32
        %dma_wait3A_119 = arith.constant 0 : i32
        %dma_wait3A_120 = tpu.memref_slice %arg8[%run_scoped3A, %dma_wait3A_118, %dma_wait3A_119] : memref<2x128x16xbf16, #tpu.memory_space<vmem>> -> memref<1x128x16xbf16, #tpu.memory_space<vmem>>
        %dma_wait3A_121 = tpu.memref_squeeze %dma_wait3A_120 : memref<1x128x16xbf16, #tpu.memory_space<vmem>> -> memref<128x16xbf16, #tpu.memory_space<vmem>>
        %dma_wait3A_122 = arith.constant 0 : i32
        %dma_wait3A_123 = tpu.memref_slice %arg5[%add3A_61, %dma_wait3A_122] : memref<106496x16xbf16, #tpu.memory_space<hbm>> -> memref<128x16xbf16, #tpu.memory_space<hbm>>
        %dma_wait3A_124 = arith.constant 0 : i32
        %dma_wait3A_125 = tpu.memref_slice %arg5[%add3A_61, %dma_wait3A_124] : memref<106496x16xbf16, #tpu.memory_space<hbm>> -> memref<128x16xbf16, #tpu.memory_space<hbm>>
        %dma_wait3A_126 = arith.constant 0 : i32
        %dma_wait3A_127 = arith.constant 0 : i32
        %dma_wait3A_128 = tpu.memref_slice %arg8[%run_scoped3A, %dma_wait3A_126, %dma_wait3A_127] : memref<2x128x16xbf16, #tpu.memory_space<vmem>> -> memref<1x128x16xbf16, #tpu.memory_space<vmem>>
        %dma_wait3A_129 = tpu.memref_squeeze %dma_wait3A_128 : memref<1x128x16xbf16, #tpu.memory_space<vmem>> -> memref<128x16xbf16, #tpu.memory_space<vmem>>
        tpu.wait_dma2 semaphore(%run_scoped3A_105 : memref<!tpu.dma_semaphore, #tpu.memory_space<semaphore_mem>>) src(%dma_wait3A_129 : memref<128x16xbf16, #tpu.memory_space<vmem>>) dst(%dma_wait3A_125 : memref<128x16xbf16, #tpu.memory_space<hbm>>)
        tpu.yield
      }) : () -> ()
      %mul3A_62 = arith.constant 128 : i32
      %mul3A_63 = arith.muli %add3A_35, %mul3A_62 : i32
      %add3A_64 = arith.addi %mul3A_4, %mul3A_63 : i32
      %run_scoped3A_65 = arith.constant 0 : i32
      "tpu.region"() ({
        %run_scoped3A_105 = tpu.sem_alloc : memref<!tpu.dma_semaphore, #tpu.memory_space<semaphore_mem>>
        %dma_start3A_106 = arith.constant 0 : i32
        %dma_start3A_107 = tpu.memref_slice %arg9[%run_scoped3A_65, %dma_start3A_106] : memref<2x128xf32, #tpu.memory_space<vmem>> -> memref<1x128xf32, #tpu.memory_space<vmem>>
        %dma_start3A_108 = tpu.memref_squeeze %dma_start3A_107 : memref<1x128xf32, #tpu.memory_space<vmem>> -> memref<128xf32, #tpu.memory_space<vmem>>
        %dma_start3A_109 = tpu.memref_slice %arg6[%add3A_64] : memref<106496xf32, #tpu.memory_space<hbm>> -> memref<128xf32, #tpu.memory_space<hbm>>
        %dma_start3A_110 = tpu.memref_slice %arg6[%add3A_64] : memref<106496xf32, #tpu.memory_space<hbm>> -> memref<128xf32, #tpu.memory_space<hbm>>
        %dma_start3A_111 = arith.constant 0 : i32
        %dma_start3A_112 = tpu.memref_slice %arg9[%run_scoped3A_65, %dma_start3A_111] : memref<2x128xf32, #tpu.memory_space<vmem>> -> memref<1x128xf32, #tpu.memory_space<vmem>>
        %dma_start3A_113 = tpu.memref_squeeze %dma_start3A_112 : memref<1x128xf32, #tpu.memory_space<vmem>> -> memref<128xf32, #tpu.memory_space<vmem>>
        tpu.enqueue_dma source(%dma_start3A_113 : memref<128xf32, #tpu.memory_space<vmem>>) target(%dma_start3A_110 : memref<128xf32, #tpu.memory_space<hbm>>) target_semaphore(%run_scoped3A_105 : memref<!tpu.dma_semaphore, #tpu.memory_space<semaphore_mem>>)
        %dma_wait3A_114 = arith.constant 0 : i32
        %dma_wait3A_115 = tpu.memref_slice %arg9[%run_scoped3A_65, %dma_wait3A_114] : memref<2x128xf32, #tpu.memory_space<vmem>> -> memref<1x128xf32, #tpu.memory_space<vmem>>
        %dma_wait3A_116 = tpu.memref_squeeze %dma_wait3A_115 : memref<1x128xf32, #tpu.memory_space<vmem>> -> memref<128xf32, #tpu.memory_space<vmem>>
        %dma_wait3A_117 = tpu.memref_slice %arg6[%add3A_64] : memref<106496xf32, #tpu.memory_space<hbm>> -> memref<128xf32, #tpu.memory_space<hbm>>
        %dma_wait3A_118 = tpu.memref_slice %arg6[%add3A_64] : memref<106496xf32, #tpu.memory_space<hbm>> -> memref<128xf32, #tpu.memory_space<hbm>>
        %dma_wait3A_119 = arith.constant 0 : i32
        %dma_wait3A_120 = tpu.memref_slice %arg9[%run_scoped3A_65, %dma_wait3A_119] : memref<2x128xf32, #tpu.memory_space<vmem>> -> memref<1x128xf32, #tpu.memory_space<vmem>>
        %dma_wait3A_121 = tpu.memref_squeeze %dma_wait3A_120 : memref<1x128xf32, #tpu.memory_space<vmem>> -> memref<128xf32, #tpu.memory_space<vmem>>
        tpu.wait_dma2 semaphore(%run_scoped3A_105 : memref<!tpu.dma_semaphore, #tpu.memory_space<semaphore_mem>>) src(%dma_wait3A_121 : memref<128xf32, #tpu.memory_space<vmem>>) dst(%dma_wait3A_118 : memref<128xf32, #tpu.memory_space<hbm>>)
        tpu.yield
      }) : () -> ()
      %mul3A_66 = arith.constant 2 : i32
      %mul3A_67 = arith.muli %scan3A_31, %mul3A_66 : i32
      %add3A_68 = arith.constant 1 : i32
      %add3A_69 = arith.addi %mul3A_67, %add3A_68 : i32
      %add3A_70 = arith.constant 1 : i32
      %add3A_71 = arith.addi %add3A_69, %add3A_70 : i32
      %lt3A_72 = arith.constant 26 : i32
      %lt3A_73 = arith.cmpi slt, %add3A_71, %lt3A_72 : i32
      %convert_element_type3A_74 = arith.extui %lt3A_73 : i1 to i32
      %cond3A_75 = arith.constant 0 : i32
      %cond3A_76 = arith.cmpi ne, %convert_element_type3A_74, %cond3A_75 : i32
      scf.if %cond3A_76 {
        %dma_start3A_105 = arith.constant 0 : i32
        %dma_start3A_106 = arith.constant 0 : i32
        %dma_start3A_107 = arith.constant 0 : i32
        %dma_start3A_108 = tpu.memref_slice %arg8[%dma_start3A_105, %dma_start3A_106, %dma_start3A_107] : memref<2x128x16xbf16, #tpu.memory_space<vmem>> -> memref<1x128x16xbf16, #tpu.memory_space<vmem>>
        %dma_start3A_109 = tpu.memref_squeeze %dma_start3A_108 : memref<1x128x16xbf16, #tpu.memory_space<vmem>> -> memref<128x16xbf16, #tpu.memory_space<vmem>>
        %dma_start3A_110 = arith.constant 0 : i32
        %dma_start3A_111 = tpu.memref_slice %arg7[%add3A_71, %dma_start3A_110] : memref<26x128xi32, #tpu.memory_space<vmem>> -> memref<1x128xi32, #tpu.memory_space<vmem>>
        %dma_start3A_112 = tpu.memref_squeeze %dma_start3A_111 : memref<1x128xi32, #tpu.memory_space<vmem>> -> memref<128xi32, #tpu.memory_space<vmem>>
        %dma_start3A_113 = arith.constant 0 : i32
        %dma_start3A_114 = arith.constant 0 : i32
        %dma_start3A_115 = tpu.memref_slice %arg3[%dma_start3A_113, %dma_start3A_114] : memref<2600000x16xbf16, #tpu.memory_space<hbm>> -> memref<2600000x16xbf16, #tpu.memory_space<hbm>>
        tpu.enqueue_indirect_dma source(%dma_start3A_115 : memref<2600000x16xbf16, #tpu.memory_space<hbm>>) target(%dma_start3A_109 : memref<128x16xbf16, #tpu.memory_space<vmem>>) offsets(%dma_start3A_112 : memref<128xi32, #tpu.memory_space<vmem>>) semaphore(%arg10 : memref<!tpu.dma_semaphore, #tpu.memory_space<semaphore_mem>>)
        %dma_start3A_116 = arith.constant 0 : i32
        %dma_start3A_117 = arith.constant 0 : i32
        %dma_start3A_118 = tpu.memref_slice %arg9[%dma_start3A_116, %dma_start3A_117] : memref<2x128xf32, #tpu.memory_space<vmem>> -> memref<1x128xf32, #tpu.memory_space<vmem>>
        %dma_start3A_119 = tpu.memref_squeeze %dma_start3A_118 : memref<1x128xf32, #tpu.memory_space<vmem>> -> memref<128xf32, #tpu.memory_space<vmem>>
        %dma_start3A_120 = arith.constant 0 : i32
        %dma_start3A_121 = tpu.memref_slice %arg7[%add3A_71, %dma_start3A_120] : memref<26x128xi32, #tpu.memory_space<vmem>> -> memref<1x128xi32, #tpu.memory_space<vmem>>
        %dma_start3A_122 = tpu.memref_squeeze %dma_start3A_121 : memref<1x128xi32, #tpu.memory_space<vmem>> -> memref<128xi32, #tpu.memory_space<vmem>>
        %dma_start3A_123 = arith.constant 0 : i32
        %dma_start3A_124 = tpu.memref_slice %arg4[%dma_start3A_123] : memref<2600000xf32, #tpu.memory_space<hbm>> -> memref<2600000xf32, #tpu.memory_space<hbm>>
        tpu.enqueue_indirect_dma source(%dma_start3A_124 : memref<2600000xf32, #tpu.memory_space<hbm>>) target(%dma_start3A_119 : memref<128xf32, #tpu.memory_space<vmem>>) offsets(%dma_start3A_122 : memref<128xi32, #tpu.memory_space<vmem>>) semaphore(%arg12 : memref<!tpu.dma_semaphore, #tpu.memory_space<semaphore_mem>>)
      } else {
      }
      %dma_wait3A_77 = arith.constant 1 : i32
      %dma_wait3A_78 = arith.constant 0 : i32
      %dma_wait3A_79 = arith.constant 0 : i32
      %dma_wait3A_80 = tpu.memref_slice %arg8[%dma_wait3A_77, %dma_wait3A_78, %dma_wait3A_79] : memref<2x128x16xbf16, #tpu.memory_space<vmem>> -> memref<1x128x16xbf16, #tpu.memory_space<vmem>>
      %dma_wait3A_81 = tpu.memref_squeeze %dma_wait3A_80 : memref<1x128x16xbf16, #tpu.memory_space<vmem>> -> memref<128x16xbf16, #tpu.memory_space<vmem>>
      %dma_wait3A_82 = arith.constant 0 : i32
      %dma_wait3A_83 = tpu.memref_slice %arg7[%add3A_69, %dma_wait3A_82] : memref<26x128xi32, #tpu.memory_space<vmem>> -> memref<1x128xi32, #tpu.memory_space<vmem>>
      %dma_wait3A_84 = tpu.memref_squeeze %dma_wait3A_83 : memref<1x128xi32, #tpu.memory_space<vmem>> -> memref<128xi32, #tpu.memory_space<vmem>>
      %dma_wait3A_85 = arith.constant 0 : i32
      %dma_wait3A_86 = arith.constant 0 : i32
      %dma_wait3A_87 = tpu.memref_slice %arg3[%dma_wait3A_85, %dma_wait3A_86] : memref<2600000x16xbf16, #tpu.memory_space<hbm>> -> memref<2600000x16xbf16, #tpu.memory_space<hbm>>
      tpu.wait_indirect_dma semaphore(%arg11 : memref<!tpu.dma_semaphore, #tpu.memory_space<semaphore_mem>>) src(%dma_wait3A_87 : memref<2600000x16xbf16, #tpu.memory_space<hbm>>) dst(%dma_wait3A_81 : memref<128x16xbf16, #tpu.memory_space<vmem>>)
      %dma_wait3A_88 = arith.constant 1 : i32
      %dma_wait3A_89 = arith.constant 0 : i32
      %dma_wait3A_90 = tpu.memref_slice %arg9[%dma_wait3A_88, %dma_wait3A_89] : memref<2x128xf32, #tpu.memory_space<vmem>> -> memref<1x128xf32, #tpu.memory_space<vmem>>
      %dma_wait3A_91 = tpu.memref_squeeze %dma_wait3A_90 : memref<1x128xf32, #tpu.memory_space<vmem>> -> memref<128xf32, #tpu.memory_space<vmem>>
      %dma_wait3A_92 = arith.constant 0 : i32
      %dma_wait3A_93 = tpu.memref_slice %arg7[%add3A_69, %dma_wait3A_92] : memref<26x128xi32, #tpu.memory_space<vmem>> -> memref<1x128xi32, #tpu.memory_space<vmem>>
      %dma_wait3A_94 = tpu.memref_squeeze %dma_wait3A_93 : memref<1x128xi32, #tpu.memory_space<vmem>> -> memref<128xi32, #tpu.memory_space<vmem>>
      %dma_wait3A_95 = arith.constant 0 : i32
      %dma_wait3A_96 = tpu.memref_slice %arg4[%dma_wait3A_95] : memref<2600000xf32, #tpu.memory_space<hbm>> -> memref<2600000xf32, #tpu.memory_space<hbm>>
      tpu.wait_indirect_dma semaphore(%arg13 : memref<!tpu.dma_semaphore, #tpu.memory_space<semaphore_mem>>) src(%dma_wait3A_96 : memref<2600000xf32, #tpu.memory_space<hbm>>) dst(%dma_wait3A_91 : memref<128xf32, #tpu.memory_space<vmem>>)
      %mul3A_97 = arith.constant 128 : i32
      %mul3A_98 = arith.muli %add3A_69, %mul3A_97 : i32
      %add3A_99 = arith.addi %mul3A_4, %mul3A_98 : i32
      %run_scoped3A_100 = arith.constant 1 : i32
      "tpu.region"() ({
        %run_scoped3A_105 = tpu.sem_alloc : memref<!tpu.dma_semaphore, #tpu.memory_space<semaphore_mem>>
        %dma_start3A_106 = arith.constant 0 : i32
        %dma_start3A_107 = arith.constant 0 : i32
        %dma_start3A_108 = tpu.memref_slice %arg8[%run_scoped3A_100, %dma_start3A_106, %dma_start3A_107] : memref<2x128x16xbf16, #tpu.memory_space<vmem>> -> memref<1x128x16xbf16, #tpu.memory_space<vmem>>
        %dma_start3A_109 = tpu.memref_squeeze %dma_start3A_108 : memref<1x128x16xbf16, #tpu.memory_space<vmem>> -> memref<128x16xbf16, #tpu.memory_space<vmem>>
        %dma_start3A_110 = arith.constant 0 : i32
        %dma_start3A_111 = tpu.memref_slice %arg5[%add3A_99, %dma_start3A_110] : memref<106496x16xbf16, #tpu.memory_space<hbm>> -> memref<128x16xbf16, #tpu.memory_space<hbm>>
        %dma_start3A_112 = arith.constant 0 : i32
        %dma_start3A_113 = tpu.memref_slice %arg5[%add3A_99, %dma_start3A_112] : memref<106496x16xbf16, #tpu.memory_space<hbm>> -> memref<128x16xbf16, #tpu.memory_space<hbm>>
        %dma_start3A_114 = arith.constant 0 : i32
        %dma_start3A_115 = arith.constant 0 : i32
        %dma_start3A_116 = tpu.memref_slice %arg8[%run_scoped3A_100, %dma_start3A_114, %dma_start3A_115] : memref<2x128x16xbf16, #tpu.memory_space<vmem>> -> memref<1x128x16xbf16, #tpu.memory_space<vmem>>
        %dma_start3A_117 = tpu.memref_squeeze %dma_start3A_116 : memref<1x128x16xbf16, #tpu.memory_space<vmem>> -> memref<128x16xbf16, #tpu.memory_space<vmem>>
        tpu.enqueue_dma source(%dma_start3A_117 : memref<128x16xbf16, #tpu.memory_space<vmem>>) target(%dma_start3A_113 : memref<128x16xbf16, #tpu.memory_space<hbm>>) target_semaphore(%run_scoped3A_105 : memref<!tpu.dma_semaphore, #tpu.memory_space<semaphore_mem>>)
        %dma_wait3A_118 = arith.constant 0 : i32
        %dma_wait3A_119 = arith.constant 0 : i32
        %dma_wait3A_120 = tpu.memref_slice %arg8[%run_scoped3A_100, %dma_wait3A_118, %dma_wait3A_119] : memref<2x128x16xbf16, #tpu.memory_space<vmem>> -> memref<1x128x16xbf16, #tpu.memory_space<vmem>>
        %dma_wait3A_121 = tpu.memref_squeeze %dma_wait3A_120 : memref<1x128x16xbf16, #tpu.memory_space<vmem>> -> memref<128x16xbf16, #tpu.memory_space<vmem>>
        %dma_wait3A_122 = arith.constant 0 : i32
        %dma_wait3A_123 = tpu.memref_slice %arg5[%add3A_99, %dma_wait3A_122] : memref<106496x16xbf16, #tpu.memory_space<hbm>> -> memref<128x16xbf16, #tpu.memory_space<hbm>>
        %dma_wait3A_124 = arith.constant 0 : i32
        %dma_wait3A_125 = tpu.memref_slice %arg5[%add3A_99, %dma_wait3A_124] : memref<106496x16xbf16, #tpu.memory_space<hbm>> -> memref<128x16xbf16, #tpu.memory_space<hbm>>
        %dma_wait3A_126 = arith.constant 0 : i32
        %dma_wait3A_127 = arith.constant 0 : i32
        %dma_wait3A_128 = tpu.memref_slice %arg8[%run_scoped3A_100, %dma_wait3A_126, %dma_wait3A_127] : memref<2x128x16xbf16, #tpu.memory_space<vmem>> -> memref<1x128x16xbf16, #tpu.memory_space<vmem>>
        %dma_wait3A_129 = tpu.memref_squeeze %dma_wait3A_128 : memref<1x128x16xbf16, #tpu.memory_space<vmem>> -> memref<128x16xbf16, #tpu.memory_space<vmem>>
        tpu.wait_dma2 semaphore(%run_scoped3A_105 : memref<!tpu.dma_semaphore, #tpu.memory_space<semaphore_mem>>) src(%dma_wait3A_129 : memref<128x16xbf16, #tpu.memory_space<vmem>>) dst(%dma_wait3A_125 : memref<128x16xbf16, #tpu.memory_space<hbm>>)
        tpu.yield
      }) : () -> ()
      %mul3A_101 = arith.constant 128 : i32
      %mul3A_102 = arith.muli %add3A_69, %mul3A_101 : i32
      %add3A_103 = arith.addi %mul3A_4, %mul3A_102 : i32
      %run_scoped3A_104 = arith.constant 1 : i32
      "tpu.region"() ({
        %run_scoped3A_105 = tpu.sem_alloc : memref<!tpu.dma_semaphore, #tpu.memory_space<semaphore_mem>>
        %dma_start3A_106 = arith.constant 0 : i32
        %dma_start3A_107 = tpu.memref_slice %arg9[%run_scoped3A_104, %dma_start3A_106] : memref<2x128xf32, #tpu.memory_space<vmem>> -> memref<1x128xf32, #tpu.memory_space<vmem>>
        %dma_start3A_108 = tpu.memref_squeeze %dma_start3A_107 : memref<1x128xf32, #tpu.memory_space<vmem>> -> memref<128xf32, #tpu.memory_space<vmem>>
        %dma_start3A_109 = tpu.memref_slice %arg6[%add3A_103] : memref<106496xf32, #tpu.memory_space<hbm>> -> memref<128xf32, #tpu.memory_space<hbm>>
        %dma_start3A_110 = tpu.memref_slice %arg6[%add3A_103] : memref<106496xf32, #tpu.memory_space<hbm>> -> memref<128xf32, #tpu.memory_space<hbm>>
        %dma_start3A_111 = arith.constant 0 : i32
        %dma_start3A_112 = tpu.memref_slice %arg9[%run_scoped3A_104, %dma_start3A_111] : memref<2x128xf32, #tpu.memory_space<vmem>> -> memref<1x128xf32, #tpu.memory_space<vmem>>
        %dma_start3A_113 = tpu.memref_squeeze %dma_start3A_112 : memref<1x128xf32, #tpu.memory_space<vmem>> -> memref<128xf32, #tpu.memory_space<vmem>>
        tpu.enqueue_dma source(%dma_start3A_113 : memref<128xf32, #tpu.memory_space<vmem>>) target(%dma_start3A_110 : memref<128xf32, #tpu.memory_space<hbm>>) target_semaphore(%run_scoped3A_105 : memref<!tpu.dma_semaphore, #tpu.memory_space<semaphore_mem>>)
        %dma_wait3A_114 = arith.constant 0 : i32
        %dma_wait3A_115 = tpu.memref_slice %arg9[%run_scoped3A_104, %dma_wait3A_114] : memref<2x128xf32, #tpu.memory_space<vmem>> -> memref<1x128xf32, #tpu.memory_space<vmem>>
        %dma_wait3A_116 = tpu.memref_squeeze %dma_wait3A_115 : memref<1x128xf32, #tpu.memory_space<vmem>> -> memref<128xf32, #tpu.memory_space<vmem>>
        %dma_wait3A_117 = tpu.memref_slice %arg6[%add3A_103] : memref<106496xf32, #tpu.memory_space<hbm>> -> memref<128xf32, #tpu.memory_space<hbm>>
        %dma_wait3A_118 = tpu.memref_slice %arg6[%add3A_103] : memref<106496xf32, #tpu.memory_space<hbm>> -> memref<128xf32, #tpu.memory_space<hbm>>
        %dma_wait3A_119 = arith.constant 0 : i32
        %dma_wait3A_120 = tpu.memref_slice %arg9[%run_scoped3A_104, %dma_wait3A_119] : memref<2x128xf32, #tpu.memory_space<vmem>> -> memref<1x128xf32, #tpu.memory_space<vmem>>
        %dma_wait3A_121 = tpu.memref_squeeze %dma_wait3A_120 : memref<1x128xf32, #tpu.memory_space<vmem>> -> memref<128xf32, #tpu.memory_space<vmem>>
        tpu.wait_dma2 semaphore(%run_scoped3A_105 : memref<!tpu.dma_semaphore, #tpu.memory_space<semaphore_mem>>) src(%dma_wait3A_121 : memref<128xf32, #tpu.memory_space<vmem>>) dst(%dma_wait3A_118 : memref<128xf32, #tpu.memory_space<hbm>>)
        tpu.yield
      }) : () -> ()
    }
    %scan3A_30 = arith.constant 13 : i32
    return
  }
}

#map = affine_map<(d0, d1) -> (0, 0)>
#map1 = affine_map<(d0, d1) -> (0)>
module attributes {stable_mosaic.version = 14 : i64} {
  func.func @_sc_gather_body(%arg0: i32, %arg1: i32, %arg2: memref<832x128xi32, #tpu.memory_space<hbm>>, %arg3: memref<2600000x16xbf16, #tpu.memory_space<hbm>>, %arg4: memref<2600000xf32, #tpu.memory_space<hbm>>, %arg5: memref<106496x16xbf16, #tpu.memory_space<hbm>>, %arg6: memref<106496xf32, #tpu.memory_space<hbm>>, %arg7: memref<26x128xi32, #tpu.memory_space<vmem>>, %arg8: memref<2x128x16xbf16, #tpu.memory_space<vmem>>, %arg9: memref<2x128xf32, #tpu.memory_space<vmem>>, %arg10: memref<!tpu.dma_semaphore, #tpu.memory_space<semaphore_mem>>, %arg11: memref<!tpu.dma_semaphore, #tpu.memory_space<semaphore_mem>>, %arg12: memref<!tpu.dma_semaphore, #tpu.memory_space<semaphore_mem>>, %arg13: memref<!tpu.dma_semaphore, #tpu.memory_space<semaphore_mem>>) attributes {dimension_semantics = [#tpu.dimension_semantics<core_parallel>, #tpu.dimension_semantics<subcore_parallel>], iteration_bounds = array<i64: 2, 16>, scalar_prefetch = 0 : i64, scratch_operands = 7 : i64, tpu.core_type = #tpu.core_type<sc_vector_subcore>, window_params = [{transform_indices = #map}, {transform_indices = #map}, {transform_indices = #map1}, {transform_indices = #map}, {transform_indices = #map1}]} {
    %mul3A = arith.constant 2 : i32
    %mul3A_0 = arith.muli %arg1, %mul3A : i32
    %add3A = arith.addi %mul3A_0, %arg0 : i32
    %mul3A_1 = arith.constant 26 : i32
    %mul3A_2 = arith.muli %add3A, %mul3A_1 : i32
    "tpu.region"() ({
      %run_scoped3A = tpu.sem_alloc : memref<!tpu.dma_semaphore, #tpu.memory_space<semaphore_mem>>
      %dma_start3A_31 = arith.constant 0 : i32
      %dma_start3A_32 = tpu.memref_slice %arg2[%mul3A_2, %dma_start3A_31] : memref<832x128xi32, #tpu.memory_space<hbm>> -> memref<26x128xi32, #tpu.memory_space<hbm>>
      %dma_start3A_33 = arith.constant 0 : i32
      %dma_start3A_34 = tpu.memref_slice %arg2[%mul3A_2, %dma_start3A_33] : memref<832x128xi32, #tpu.memory_space<hbm>> -> memref<26x128xi32, #tpu.memory_space<hbm>>
      tpu.enqueue_dma source(%dma_start3A_34 : memref<26x128xi32, #tpu.memory_space<hbm>>) target(%arg7 : memref<26x128xi32, #tpu.memory_space<vmem>>) target_semaphore(%run_scoped3A : memref<!tpu.dma_semaphore, #tpu.memory_space<semaphore_mem>>)
      %dma_wait3A = arith.constant 0 : i32
      %dma_wait3A_35 = tpu.memref_slice %arg2[%mul3A_2, %dma_wait3A] : memref<832x128xi32, #tpu.memory_space<hbm>> -> memref<26x128xi32, #tpu.memory_space<hbm>>
      %dma_wait3A_36 = arith.constant 0 : i32
      %dma_wait3A_37 = tpu.memref_slice %arg2[%mul3A_2, %dma_wait3A_36] : memref<832x128xi32, #tpu.memory_space<hbm>> -> memref<26x128xi32, #tpu.memory_space<hbm>>
      tpu.wait_dma2 semaphore(%run_scoped3A : memref<!tpu.dma_semaphore, #tpu.memory_space<semaphore_mem>>) src(%dma_wait3A_37 : memref<26x128xi32, #tpu.memory_space<hbm>>) dst(%arg7 : memref<26x128xi32, #tpu.memory_space<vmem>>)
      tpu.yield
    }) : () -> ()
    %mul3A_3 = arith.constant 3328 : i32
    %mul3A_4 = arith.muli %add3A, %mul3A_3 : i32
    %dma_start3A = arith.constant 0 : i32
    %dma_start3A_5 = arith.constant 0 : i32
    %dma_start3A_6 = arith.constant 0 : i32
    %dma_start3A_7 = arith.constant 0 : i32
    %dma_start3A_8 = tpu.memref_slice %arg8[%dma_start3A_5, %dma_start3A_6, %dma_start3A_7] : memref<2x128x16xbf16, #tpu.memory_space<vmem>> -> memref<1x128x16xbf16, #tpu.memory_space<vmem>>
    %dma_start3A_9 = tpu.memref_squeeze %dma_start3A_8 : memref<1x128x16xbf16, #tpu.memory_space<vmem>> -> memref<128x16xbf16, #tpu.memory_space<vmem>>
    %dma_start3A_10 = arith.constant 0 : i32
    %dma_start3A_11 = tpu.memref_slice %arg7[%dma_start3A, %dma_start3A_10] : memref<26x128xi32, #tpu.memory_space<vmem>> -> memref<1x128xi32, #tpu.memory_space<vmem>>
    %dma_start3A_12 = tpu.memref_squeeze %dma_start3A_11 : memref<1x128xi32, #tpu.memory_space<vmem>> -> memref<128xi32, #tpu.memory_space<vmem>>
    %dma_start3A_13 = arith.constant 0 : i32
    %dma_start3A_14 = arith.constant 0 : i32
    %dma_start3A_15 = tpu.memref_slice %arg3[%dma_start3A_13, %dma_start3A_14] : memref<2600000x16xbf16, #tpu.memory_space<hbm>> -> memref<2600000x16xbf16, #tpu.memory_space<hbm>>
    tpu.enqueue_indirect_dma source(%dma_start3A_15 : memref<2600000x16xbf16, #tpu.memory_space<hbm>>) target(%dma_start3A_9 : memref<128x16xbf16, #tpu.memory_space<vmem>>) offsets(%dma_start3A_12 : memref<128xi32, #tpu.memory_space<vmem>>) semaphore(%arg10 : memref<!tpu.dma_semaphore, #tpu.memory_space<semaphore_mem>>)
    %dma_start3A_16 = arith.constant 0 : i32
    %dma_start3A_17 = arith.constant 0 : i32
    %dma_start3A_18 = arith.constant 0 : i32
    %dma_start3A_19 = tpu.memref_slice %arg9[%dma_start3A_17, %dma_start3A_18] : memref<2x128xf32, #tpu.memory_space<vmem>> -> memref<1x128xf32, #tpu.memory_space<vmem>>
    %dma_start3A_20 = tpu.memref_squeeze %dma_start3A_19 : memref<1x128xf32, #tpu.memory_space<vmem>> -> memref<128xf32, #tpu.memory_space<vmem>>
    %dma_start3A_21 = arith.constant 0 : i32
    %dma_start3A_22 = tpu.memref_slice %arg7[%dma_start3A_16, %dma_start3A_21] : memref<26x128xi32, #tpu.memory_space<vmem>> -> memref<1x128xi32, #tpu.memory_space<vmem>>
    %dma_start3A_23 = tpu.memref_squeeze %dma_start3A_22 : memref<1x128xi32, #tpu.memory_space<vmem>> -> memref<128xi32, #tpu.memory_space<vmem>>
    %dma_start3A_24 = arith.constant 0 : i32
    %dma_start3A_25 = tpu.memref_slice %arg4[%dma_start3A_24] : memref<2600000xf32, #tpu.memory_space<hbm>> -> memref<2600000xf32, #tpu.memory_space<hbm>>
    tpu.enqueue_indirect_dma source(%dma_start3A_25 : memref<2600000xf32, #tpu.memory_space<hbm>>) target(%dma_start3A_20 : memref<128xf32, #tpu.memory_space<vmem>>) offsets(%dma_start3A_23 : memref<128xi32, #tpu.memory_space<vmem>>) semaphore(%arg12 : memref<!tpu.dma_semaphore, #tpu.memory_space<semaphore_mem>>)
    %scan3A = arith.constant 0 : i32
    %scan3A_26 = arith.constant 0 : i32
    %scan3A_27 = arith.constant 13 : i32
    %scan3A_28 = arith.addi %scan3A_26, %scan3A_27 : i32
    %scan3A_29 = arith.constant 1 : i32
    scf.for %scan3A_31 = %scan3A_26 to %scan3A_28 step %scan3A_29  : i32 {
      %mul3A_32 = arith.constant 2 : i32
      %mul3A_33 = arith.muli %scan3A_31, %mul3A_32 : i32
      %add3A_34 = arith.constant 0 : i32
      %add3A_35 = arith.addi %mul3A_33, %add3A_34 : i32
      %add3A_36 = arith.constant 1 : i32
      %add3A_37 = arith.addi %add3A_35, %add3A_36 : i32
      %lt3A = arith.constant 26 : i32
      %lt3A_38 = arith.cmpi slt, %add3A_37, %lt3A : i32
      %convert_element_type3A = arith.extui %lt3A_38 : i1 to i32
      %cond3A = arith.constant 0 : i32
      %cond3A_39 = arith.cmpi ne, %convert_element_type3A, %cond3A : i32
      scf.if %cond3A_39 {
        %dma_start3A_105 = arith.constant 1 : i32
        %dma_start3A_106 = arith.constant 0 : i32
        %dma_start3A_107 = arith.constant 0 : i32
        %dma_start3A_108 = tpu.memref_slice %arg8[%dma_start3A_105, %dma_start3A_106, %dma_start3A_107] : memref<2x128x16xbf16, #tpu.memory_space<vmem>> -> memref<1x128x16xbf16, #tpu.memory_space<vmem>>
        %dma_start3A_109 = tpu.memref_squeeze %dma_start3A_108 : memref<1x128x16xbf16, #tpu.memory_space<vmem>> -> memref<128x16xbf16, #tpu.memory_space<vmem>>
        %dma_start3A_110 = arith.constant 0 : i32
        %dma_start3A_111 = tpu.memref_slice %arg7[%add3A_37, %dma_start3A_110] : memref<26x128xi32, #tpu.memory_space<vmem>> -> memref<1x128xi32, #tpu.memory_space<vmem>>
        %dma_start3A_112 = tpu.memref_squeeze %dma_start3A_111 : memref<1x128xi32, #tpu.memory_space<vmem>> -> memref<128xi32, #tpu.memory_space<vmem>>
        %dma_start3A_113 = arith.constant 0 : i32
        %dma_start3A_114 = arith.constant 0 : i32
        %dma_start3A_115 = tpu.memref_slice %arg3[%dma_start3A_113, %dma_start3A_114] : memref<2600000x16xbf16, #tpu.memory_space<hbm>> -> memref<2600000x16xbf16, #tpu.memory_space<hbm>>
        tpu.enqueue_indirect_dma source(%dma_start3A_115 : memref<2600000x16xbf16, #tpu.memory_space<hbm>>) target(%dma_start3A_109 : memref<128x16xbf16, #tpu.memory_space<vmem>>) offsets(%dma_start3A_112 : memref<128xi32, #tpu.memory_space<vmem>>) semaphore(%arg11 : memref<!tpu.dma_semaphore, #tpu.memory_space<semaphore_mem>>)
        %dma_start3A_116 = arith.constant 1 : i32
        %dma_start3A_117 = arith.constant 0 : i32
        %dma_start3A_118 = tpu.memref_slice %arg9[%dma_start3A_116, %dma_start3A_117] : memref<2x128xf32, #tpu.memory_space<vmem>> -> memref<1x128xf32, #tpu.memory_space<vmem>>
        %dma_start3A_119 = tpu.memref_squeeze %dma_start3A_118 : memref<1x128xf32, #tpu.memory_space<vmem>> -> memref<128xf32, #tpu.memory_space<vmem>>
        %dma_start3A_120 = arith.constant 0 : i32
        %dma_start3A_121 = tpu.memref_slice %arg7[%add3A_37, %dma_start3A_120] : memref<26x128xi32, #tpu.memory_space<vmem>> -> memref<1x128xi32, #tpu.memory_space<vmem>>
        %dma_start3A_122 = tpu.memref_squeeze %dma_start3A_121 : memref<1x128xi32, #tpu.memory_space<vmem>> -> memref<128xi32, #tpu.memory_space<vmem>>
        %dma_start3A_123 = arith.constant 0 : i32
        %dma_start3A_124 = tpu.memref_slice %arg4[%dma_start3A_123] : memref<2600000xf32, #tpu.memory_space<hbm>> -> memref<2600000xf32, #tpu.memory_space<hbm>>
        tpu.enqueue_indirect_dma source(%dma_start3A_124 : memref<2600000xf32, #tpu.memory_space<hbm>>) target(%dma_start3A_119 : memref<128xf32, #tpu.memory_space<vmem>>) offsets(%dma_start3A_122 : memref<128xi32, #tpu.memory_space<vmem>>) semaphore(%arg13 : memref<!tpu.dma_semaphore, #tpu.memory_space<semaphore_mem>>)
      } else {
      }
      %dma_wait3A = arith.constant 0 : i32
      %dma_wait3A_40 = arith.constant 0 : i32
      %dma_wait3A_41 = arith.constant 0 : i32
      %dma_wait3A_42 = tpu.memref_slice %arg8[%dma_wait3A, %dma_wait3A_40, %dma_wait3A_41] : memref<2x128x16xbf16, #tpu.memory_space<vmem>> -> memref<1x128x16xbf16, #tpu.memory_space<vmem>>
      %dma_wait3A_43 = tpu.memref_squeeze %dma_wait3A_42 : memref<1x128x16xbf16, #tpu.memory_space<vmem>> -> memref<128x16xbf16, #tpu.memory_space<vmem>>
      %dma_wait3A_44 = arith.constant 0 : i32
      %dma_wait3A_45 = tpu.memref_slice %arg7[%add3A_35, %dma_wait3A_44] : memref<26x128xi32, #tpu.memory_space<vmem>> -> memref<1x128xi32, #tpu.memory_space<vmem>>
      %dma_wait3A_46 = tpu.memref_squeeze %dma_wait3A_45 : memref<1x128xi32, #tpu.memory_space<vmem>> -> memref<128xi32, #tpu.memory_space<vmem>>
      %dma_wait3A_47 = arith.constant 0 : i32
      %dma_wait3A_48 = arith.constant 0 : i32
      %dma_wait3A_49 = tpu.memref_slice %arg3[%dma_wait3A_47, %dma_wait3A_48] : memref<2600000x16xbf16, #tpu.memory_space<hbm>> -> memref<2600000x16xbf16, #tpu.memory_space<hbm>>
      tpu.wait_indirect_dma semaphore(%arg10 : memref<!tpu.dma_semaphore, #tpu.memory_space<semaphore_mem>>) src(%dma_wait3A_49 : memref<2600000x16xbf16, #tpu.memory_space<hbm>>) dst(%dma_wait3A_43 : memref<128x16xbf16, #tpu.memory_space<vmem>>)
      %dma_wait3A_50 = arith.constant 0 : i32
      %dma_wait3A_51 = arith.constant 0 : i32
      %dma_wait3A_52 = tpu.memref_slice %arg9[%dma_wait3A_50, %dma_wait3A_51] : memref<2x128xf32, #tpu.memory_space<vmem>> -> memref<1x128xf32, #tpu.memory_space<vmem>>
      %dma_wait3A_53 = tpu.memref_squeeze %dma_wait3A_52 : memref<1x128xf32, #tpu.memory_space<vmem>> -> memref<128xf32, #tpu.memory_space<vmem>>
      %dma_wait3A_54 = arith.constant 0 : i32
      %dma_wait3A_55 = tpu.memref_slice %arg7[%add3A_35, %dma_wait3A_54] : memref<26x128xi32, #tpu.memory_space<vmem>> -> memref<1x128xi32, #tpu.memory_space<vmem>>
      %dma_wait3A_56 = tpu.memref_squeeze %dma_wait3A_55 : memref<1x128xi32, #tpu.memory_space<vmem>> -> memref<128xi32, #tpu.memory_space<vmem>>
      %dma_wait3A_57 = arith.constant 0 : i32
      %dma_wait3A_58 = tpu.memref_slice %arg4[%dma_wait3A_57] : memref<2600000xf32, #tpu.memory_space<hbm>> -> memref<2600000xf32, #tpu.memory_space<hbm>>
      tpu.wait_indirect_dma semaphore(%arg12 : memref<!tpu.dma_semaphore, #tpu.memory_space<semaphore_mem>>) src(%dma_wait3A_58 : memref<2600000xf32, #tpu.memory_space<hbm>>) dst(%dma_wait3A_53 : memref<128xf32, #tpu.memory_space<vmem>>)
      %mul3A_59 = arith.constant 128 : i32
      %mul3A_60 = arith.muli %add3A_35, %mul3A_59 : i32
      %add3A_61 = arith.addi %mul3A_4, %mul3A_60 : i32
      %run_scoped3A = arith.constant 0 : i32
      "tpu.region"() ({
        %run_scoped3A_105 = tpu.sem_alloc : memref<!tpu.dma_semaphore, #tpu.memory_space<semaphore_mem>>
        %dma_start3A_106 = arith.constant 0 : i32
        %dma_start3A_107 = arith.constant 0 : i32
        %dma_start3A_108 = tpu.memref_slice %arg8[%run_scoped3A, %dma_start3A_106, %dma_start3A_107] : memref<2x128x16xbf16, #tpu.memory_space<vmem>> -> memref<1x128x16xbf16, #tpu.memory_space<vmem>>
        %dma_start3A_109 = tpu.memref_squeeze %dma_start3A_108 : memref<1x128x16xbf16, #tpu.memory_space<vmem>> -> memref<128x16xbf16, #tpu.memory_space<vmem>>
        %dma_start3A_110 = arith.constant 0 : i32
        %dma_start3A_111 = tpu.memref_slice %arg5[%add3A_61, %dma_start3A_110] : memref<106496x16xbf16, #tpu.memory_space<hbm>> -> memref<128x16xbf16, #tpu.memory_space<hbm>>
        %dma_start3A_112 = arith.constant 0 : i32
        %dma_start3A_113 = tpu.memref_slice %arg5[%add3A_61, %dma_start3A_112] : memref<106496x16xbf16, #tpu.memory_space<hbm>> -> memref<128x16xbf16, #tpu.memory_space<hbm>>
        %dma_start3A_114 = arith.constant 0 : i32
        %dma_start3A_115 = arith.constant 0 : i32
        %dma_start3A_116 = tpu.memref_slice %arg8[%run_scoped3A, %dma_start3A_114, %dma_start3A_115] : memref<2x128x16xbf16, #tpu.memory_space<vmem>> -> memref<1x128x16xbf16, #tpu.memory_space<vmem>>
        %dma_start3A_117 = tpu.memref_squeeze %dma_start3A_116 : memref<1x128x16xbf16, #tpu.memory_space<vmem>> -> memref<128x16xbf16, #tpu.memory_space<vmem>>
        tpu.enqueue_dma source(%dma_start3A_117 : memref<128x16xbf16, #tpu.memory_space<vmem>>) target(%dma_start3A_113 : memref<128x16xbf16, #tpu.memory_space<hbm>>) target_semaphore(%run_scoped3A_105 : memref<!tpu.dma_semaphore, #tpu.memory_space<semaphore_mem>>)
        %dma_wait3A_118 = arith.constant 0 : i32
        %dma_wait3A_119 = arith.constant 0 : i32
        %dma_wait3A_120 = tpu.memref_slice %arg8[%run_scoped3A, %dma_wait3A_118, %dma_wait3A_119] : memref<2x128x16xbf16, #tpu.memory_space<vmem>> -> memref<1x128x16xbf16, #tpu.memory_space<vmem>>
        %dma_wait3A_121 = tpu.memref_squeeze %dma_wait3A_120 : memref<1x128x16xbf16, #tpu.memory_space<vmem>> -> memref<128x16xbf16, #tpu.memory_space<vmem>>
        %dma_wait3A_122 = arith.constant 0 : i32
        %dma_wait3A_123 = tpu.memref_slice %arg5[%add3A_61, %dma_wait3A_122] : memref<106496x16xbf16, #tpu.memory_space<hbm>> -> memref<128x16xbf16, #tpu.memory_space<hbm>>
        %dma_wait3A_124 = arith.constant 0 : i32
        %dma_wait3A_125 = tpu.memref_slice %arg5[%add3A_61, %dma_wait3A_124] : memref<106496x16xbf16, #tpu.memory_space<hbm>> -> memref<128x16xbf16, #tpu.memory_space<hbm>>
        %dma_wait3A_126 = arith.constant 0 : i32
        %dma_wait3A_127 = arith.constant 0 : i32
        %dma_wait3A_128 = tpu.memref_slice %arg8[%run_scoped3A, %dma_wait3A_126, %dma_wait3A_127] : memref<2x128x16xbf16, #tpu.memory_space<vmem>> -> memref<1x128x16xbf16, #tpu.memory_space<vmem>>
        %dma_wait3A_129 = tpu.memref_squeeze %dma_wait3A_128 : memref<1x128x16xbf16, #tpu.memory_space<vmem>> -> memref<128x16xbf16, #tpu.memory_space<vmem>>
        tpu.wait_dma2 semaphore(%run_scoped3A_105 : memref<!tpu.dma_semaphore, #tpu.memory_space<semaphore_mem>>) src(%dma_wait3A_129 : memref<128x16xbf16, #tpu.memory_space<vmem>>) dst(%dma_wait3A_125 : memref<128x16xbf16, #tpu.memory_space<hbm>>)
        tpu.yield
      }) : () -> ()
      %mul3A_62 = arith.constant 128 : i32
      %mul3A_63 = arith.muli %add3A_35, %mul3A_62 : i32
      %add3A_64 = arith.addi %mul3A_4, %mul3A_63 : i32
      %run_scoped3A_65 = arith.constant 0 : i32
      "tpu.region"() ({
        %run_scoped3A_105 = tpu.sem_alloc : memref<!tpu.dma_semaphore, #tpu.memory_space<semaphore_mem>>
        %dma_start3A_106 = arith.constant 0 : i32
        %dma_start3A_107 = tpu.memref_slice %arg9[%run_scoped3A_65, %dma_start3A_106] : memref<2x128xf32, #tpu.memory_space<vmem>> -> memref<1x128xf32, #tpu.memory_space<vmem>>
        %dma_start3A_108 = tpu.memref_squeeze %dma_start3A_107 : memref<1x128xf32, #tpu.memory_space<vmem>> -> memref<128xf32, #tpu.memory_space<vmem>>
        %dma_start3A_109 = tpu.memref_slice %arg6[%add3A_64] : memref<106496xf32, #tpu.memory_space<hbm>> -> memref<128xf32, #tpu.memory_space<hbm>>
        %dma_start3A_110 = tpu.memref_slice %arg6[%add3A_64] : memref<106496xf32, #tpu.memory_space<hbm>> -> memref<128xf32, #tpu.memory_space<hbm>>
        %dma_start3A_111 = arith.constant 0 : i32
        %dma_start3A_112 = tpu.memref_slice %arg9[%run_scoped3A_65, %dma_start3A_111] : memref<2x128xf32, #tpu.memory_space<vmem>> -> memref<1x128xf32, #tpu.memory_space<vmem>>
        %dma_start3A_113 = tpu.memref_squeeze %dma_start3A_112 : memref<1x128xf32, #tpu.memory_space<vmem>> -> memref<128xf32, #tpu.memory_space<vmem>>
        tpu.enqueue_dma source(%dma_start3A_113 : memref<128xf32, #tpu.memory_space<vmem>>) target(%dma_start3A_110 : memref<128xf32, #tpu.memory_space<hbm>>) target_semaphore(%run_scoped3A_105 : memref<!tpu.dma_semaphore, #tpu.memory_space<semaphore_mem>>)
        %dma_wait3A_114 = arith.constant 0 : i32
        %dma_wait3A_115 = tpu.memref_slice %arg9[%run_scoped3A_65, %dma_wait3A_114] : memref<2x128xf32, #tpu.memory_space<vmem>> -> memref<1x128xf32, #tpu.memory_space<vmem>>
        %dma_wait3A_116 = tpu.memref_squeeze %dma_wait3A_115 : memref<1x128xf32, #tpu.memory_space<vmem>> -> memref<128xf32, #tpu.memory_space<vmem>>
        %dma_wait3A_117 = tpu.memref_slice %arg6[%add3A_64] : memref<106496xf32, #tpu.memory_space<hbm>> -> memref<128xf32, #tpu.memory_space<hbm>>
        %dma_wait3A_118 = tpu.memref_slice %arg6[%add3A_64] : memref<106496xf32, #tpu.memory_space<hbm>> -> memref<128xf32, #tpu.memory_space<hbm>>
        %dma_wait3A_119 = arith.constant 0 : i32
        %dma_wait3A_120 = tpu.memref_slice %arg9[%run_scoped3A_65, %dma_wait3A_119] : memref<2x128xf32, #tpu.memory_space<vmem>> -> memref<1x128xf32, #tpu.memory_space<vmem>>
        %dma_wait3A_121 = tpu.memref_squeeze %dma_wait3A_120 : memref<1x128xf32, #tpu.memory_space<vmem>> -> memref<128xf32, #tpu.memory_space<vmem>>
        tpu.wait_dma2 semaphore(%run_scoped3A_105 : memref<!tpu.dma_semaphore, #tpu.memory_space<semaphore_mem>>) src(%dma_wait3A_121 : memref<128xf32, #tpu.memory_space<vmem>>) dst(%dma_wait3A_118 : memref<128xf32, #tpu.memory_space<hbm>>)
        tpu.yield
      }) : () -> ()
      %mul3A_66 = arith.constant 2 : i32
      %mul3A_67 = arith.muli %scan3A_31, %mul3A_66 : i32
      %add3A_68 = arith.constant 1 : i32
      %add3A_69 = arith.addi %mul3A_67, %add3A_68 : i32
      %add3A_70 = arith.constant 1 : i32
      %add3A_71 = arith.addi %add3A_69, %add3A_70 : i32
      %lt3A_72 = arith.constant 26 : i32
      %lt3A_73 = arith.cmpi slt, %add3A_71, %lt3A_72 : i32
      %convert_element_type3A_74 = arith.extui %lt3A_73 : i1 to i32
      %cond3A_75 = arith.constant 0 : i32
      %cond3A_76 = arith.cmpi ne, %convert_element_type3A_74, %cond3A_75 : i32
      scf.if %cond3A_76 {
        %dma_start3A_105 = arith.constant 0 : i32
        %dma_start3A_106 = arith.constant 0 : i32
        %dma_start3A_107 = arith.constant 0 : i32
        %dma_start3A_108 = tpu.memref_slice %arg8[%dma_start3A_105, %dma_start3A_106, %dma_start3A_107] : memref<2x128x16xbf16, #tpu.memory_space<vmem>> -> memref<1x128x16xbf16, #tpu.memory_space<vmem>>
        %dma_start3A_109 = tpu.memref_squeeze %dma_start3A_108 : memref<1x128x16xbf16, #tpu.memory_space<vmem>> -> memref<128x16xbf16, #tpu.memory_space<vmem>>
        %dma_start3A_110 = arith.constant 0 : i32
        %dma_start3A_111 = tpu.memref_slice %arg7[%add3A_71, %dma_start3A_110] : memref<26x128xi32, #tpu.memory_space<vmem>> -> memref<1x128xi32, #tpu.memory_space<vmem>>
        %dma_start3A_112 = tpu.memref_squeeze %dma_start3A_111 : memref<1x128xi32, #tpu.memory_space<vmem>> -> memref<128xi32, #tpu.memory_space<vmem>>
        %dma_start3A_113 = arith.constant 0 : i32
        %dma_start3A_114 = arith.constant 0 : i32
        %dma_start3A_115 = tpu.memref_slice %arg3[%dma_start3A_113, %dma_start3A_114] : memref<2600000x16xbf16, #tpu.memory_space<hbm>> -> memref<2600000x16xbf16, #tpu.memory_space<hbm>>
        tpu.enqueue_indirect_dma source(%dma_start3A_115 : memref<2600000x16xbf16, #tpu.memory_space<hbm>>) target(%dma_start3A_109 : memref<128x16xbf16, #tpu.memory_space<vmem>>) offsets(%dma_start3A_112 : memref<128xi32, #tpu.memory_space<vmem>>) semaphore(%arg10 : memref<!tpu.dma_semaphore, #tpu.memory_space<semaphore_mem>>)
        %dma_start3A_116 = arith.constant 0 : i32
        %dma_start3A_117 = arith.constant 0 : i32
        %dma_start3A_118 = tpu.memref_slice %arg9[%dma_start3A_116, %dma_start3A_117] : memref<2x128xf32, #tpu.memory_space<vmem>> -> memref<1x128xf32, #tpu.memory_space<vmem>>
        %dma_start3A_119 = tpu.memref_squeeze %dma_start3A_118 : memref<1x128xf32, #tpu.memory_space<vmem>> -> memref<128xf32, #tpu.memory_space<vmem>>
        %dma_start3A_120 = arith.constant 0 : i32
        %dma_start3A_121 = tpu.memref_slice %arg7[%add3A_71, %dma_start3A_120] : memref<26x128xi32, #tpu.memory_space<vmem>> -> memref<1x128xi32, #tpu.memory_space<vmem>>
        %dma_start3A_122 = tpu.memref_squeeze %dma_start3A_121 : memref<1x128xi32, #tpu.memory_space<vmem>> -> memref<128xi32, #tpu.memory_space<vmem>>
        %dma_start3A_123 = arith.constant 0 : i32
        %dma_start3A_124 = tpu.memref_slice %arg4[%dma_start3A_123] : memref<2600000xf32, #tpu.memory_space<hbm>> -> memref<2600000xf32, #tpu.memory_space<hbm>>
        tpu.enqueue_indirect_dma source(%dma_start3A_124 : memref<2600000xf32, #tpu.memory_space<hbm>>) target(%dma_start3A_119 : memref<128xf32, #tpu.memory_space<vmem>>) offsets(%dma_start3A_122 : memref<128xi32, #tpu.memory_space<vmem>>) semaphore(%arg12 : memref<!tpu.dma_semaphore, #tpu.memory_space<semaphore_mem>>)
      } else {
      }
      %dma_wait3A_77 = arith.constant 1 : i32
      %dma_wait3A_78 = arith.constant 0 : i32
      %dma_wait3A_79 = arith.constant 0 : i32
      %dma_wait3A_80 = tpu.memref_slice %arg8[%dma_wait3A_77, %dma_wait3A_78, %dma_wait3A_79] : memref<2x128x16xbf16, #tpu.memory_space<vmem>> -> memref<1x128x16xbf16, #tpu.memory_space<vmem>>
      %dma_wait3A_81 = tpu.memref_squeeze %dma_wait3A_80 : memref<1x128x16xbf16, #tpu.memory_space<vmem>> -> memref<128x16xbf16, #tpu.memory_space<vmem>>
      %dma_wait3A_82 = arith.constant 0 : i32
      %dma_wait3A_83 = tpu.memref_slice %arg7[%add3A_69, %dma_wait3A_82] : memref<26x128xi32, #tpu.memory_space<vmem>> -> memref<1x128xi32, #tpu.memory_space<vmem>>
      %dma_wait3A_84 = tpu.memref_squeeze %dma_wait3A_83 : memref<1x128xi32, #tpu.memory_space<vmem>> -> memref<128xi32, #tpu.memory_space<vmem>>
      %dma_wait3A_85 = arith.constant 0 : i32
      %dma_wait3A_86 = arith.constant 0 : i32
      %dma_wait3A_87 = tpu.memref_slice %arg3[%dma_wait3A_85, %dma_wait3A_86] : memref<2600000x16xbf16, #tpu.memory_space<hbm>> -> memref<2600000x16xbf16, #tpu.memory_space<hbm>>
      tpu.wait_indirect_dma semaphore(%arg11 : memref<!tpu.dma_semaphore, #tpu.memory_space<semaphore_mem>>) src(%dma_wait3A_87 : memref<2600000x16xbf16, #tpu.memory_space<hbm>>) dst(%dma_wait3A_81 : memref<128x16xbf16, #tpu.memory_space<vmem>>)
      %dma_wait3A_88 = arith.constant 1 : i32
      %dma_wait3A_89 = arith.constant 0 : i32
      %dma_wait3A_90 = tpu.memref_slice %arg9[%dma_wait3A_88, %dma_wait3A_89] : memref<2x128xf32, #tpu.memory_space<vmem>> -> memref<1x128xf32, #tpu.memory_space<vmem>>
      %dma_wait3A_91 = tpu.memref_squeeze %dma_wait3A_90 : memref<1x128xf32, #tpu.memory_space<vmem>> -> memref<128xf32, #tpu.memory_space<vmem>>
      %dma_wait3A_92 = arith.constant 0 : i32
      %dma_wait3A_93 = tpu.memref_slice %arg7[%add3A_69, %dma_wait3A_92] : memref<26x128xi32, #tpu.memory_space<vmem>> -> memref<1x128xi32, #tpu.memory_space<vmem>>
      %dma_wait3A_94 = tpu.memref_squeeze %dma_wait3A_93 : memref<1x128xi32, #tpu.memory_space<vmem>> -> memref<128xi32, #tpu.memory_space<vmem>>
      %dma_wait3A_95 = arith.constant 0 : i32
      %dma_wait3A_96 = tpu.memref_slice %arg4[%dma_wait3A_95] : memref<2600000xf32, #tpu.memory_space<hbm>> -> memref<2600000xf32, #tpu.memory_space<hbm>>
      tpu.wait_indirect_dma semaphore(%arg13 : memref<!tpu.dma_semaphore, #tpu.memory_space<semaphore_mem>>) src(%dma_wait3A_96 : memref<2600000xf32, #tpu.memory_space<hbm>>) dst(%dma_wait3A_91 : memref<128xf32, #tpu.memory_space<vmem>>)
      %mul3A_97 = arith.constant 128 : i32
      %mul3A_98 = arith.muli %add3A_69, %mul3A_97 : i32
      %add3A_99 = arith.addi %mul3A_4, %mul3A_98 : i32
      %run_scoped3A_100 = arith.constant 1 : i32
      "tpu.region"() ({
        %run_scoped3A_105 = tpu.sem_alloc : memref<!tpu.dma_semaphore, #tpu.memory_space<semaphore_mem>>
        %dma_start3A_106 = arith.constant 0 : i32
        %dma_start3A_107 = arith.constant 0 : i32
        %dma_start3A_108 = tpu.memref_slice %arg8[%run_scoped3A_100, %dma_start3A_106, %dma_start3A_107] : memref<2x128x16xbf16, #tpu.memory_space<vmem>> -> memref<1x128x16xbf16, #tpu.memory_space<vmem>>
        %dma_start3A_109 = tpu.memref_squeeze %dma_start3A_108 : memref<1x128x16xbf16, #tpu.memory_space<vmem>> -> memref<128x16xbf16, #tpu.memory_space<vmem>>
        %dma_start3A_110 = arith.constant 0 : i32
        %dma_start3A_111 = tpu.memref_slice %arg5[%add3A_99, %dma_start3A_110] : memref<106496x16xbf16, #tpu.memory_space<hbm>> -> memref<128x16xbf16, #tpu.memory_space<hbm>>
        %dma_start3A_112 = arith.constant 0 : i32
        %dma_start3A_113 = tpu.memref_slice %arg5[%add3A_99, %dma_start3A_112] : memref<106496x16xbf16, #tpu.memory_space<hbm>> -> memref<128x16xbf16, #tpu.memory_space<hbm>>
        %dma_start3A_114 = arith.constant 0 : i32
        %dma_start3A_115 = arith.constant 0 : i32
        %dma_start3A_116 = tpu.memref_slice %arg8[%run_scoped3A_100, %dma_start3A_114, %dma_start3A_115] : memref<2x128x16xbf16, #tpu.memory_space<vmem>> -> memref<1x128x16xbf16, #tpu.memory_space<vmem>>
        %dma_start3A_117 = tpu.memref_squeeze %dma_start3A_116 : memref<1x128x16xbf16, #tpu.memory_space<vmem>> -> memref<128x16xbf16, #tpu.memory_space<vmem>>
        tpu.enqueue_dma source(%dma_start3A_117 : memref<128x16xbf16, #tpu.memory_space<vmem>>) target(%dma_start3A_113 : memref<128x16xbf16, #tpu.memory_space<hbm>>) target_semaphore(%run_scoped3A_105 : memref<!tpu.dma_semaphore, #tpu.memory_space<semaphore_mem>>)
        %dma_wait3A_118 = arith.constant 0 : i32
        %dma_wait3A_119 = arith.constant 0 : i32
        %dma_wait3A_120 = tpu.memref_slice %arg8[%run_scoped3A_100, %dma_wait3A_118, %dma_wait3A_119] : memref<2x128x16xbf16, #tpu.memory_space<vmem>> -> memref<1x128x16xbf16, #tpu.memory_space<vmem>>
        %dma_wait3A_121 = tpu.memref_squeeze %dma_wait3A_120 : memref<1x128x16xbf16, #tpu.memory_space<vmem>> -> memref<128x16xbf16, #tpu.memory_space<vmem>>
        %dma_wait3A_122 = arith.constant 0 : i32
        %dma_wait3A_123 = tpu.memref_slice %arg5[%add3A_99, %dma_wait3A_122] : memref<106496x16xbf16, #tpu.memory_space<hbm>> -> memref<128x16xbf16, #tpu.memory_space<hbm>>
        %dma_wait3A_124 = arith.constant 0 : i32
        %dma_wait3A_125 = tpu.memref_slice %arg5[%add3A_99, %dma_wait3A_124] : memref<106496x16xbf16, #tpu.memory_space<hbm>> -> memref<128x16xbf16, #tpu.memory_space<hbm>>
        %dma_wait3A_126 = arith.constant 0 : i32
        %dma_wait3A_127 = arith.constant 0 : i32
        %dma_wait3A_128 = tpu.memref_slice %arg8[%run_scoped3A_100, %dma_wait3A_126, %dma_wait3A_127] : memref<2x128x16xbf16, #tpu.memory_space<vmem>> -> memref<1x128x16xbf16, #tpu.memory_space<vmem>>
        %dma_wait3A_129 = tpu.memref_squeeze %dma_wait3A_128 : memref<1x128x16xbf16, #tpu.memory_space<vmem>> -> memref<128x16xbf16, #tpu.memory_space<vmem>>
        tpu.wait_dma2 semaphore(%run_scoped3A_105 : memref<!tpu.dma_semaphore, #tpu.memory_space<semaphore_mem>>) src(%dma_wait3A_129 : memref<128x16xbf16, #tpu.memory_space<vmem>>) dst(%dma_wait3A_125 : memref<128x16xbf16, #tpu.memory_space<hbm>>)
        tpu.yield
      }) : () -> ()
      %mul3A_101 = arith.constant 128 : i32
      %mul3A_102 = arith.muli %add3A_69, %mul3A_101 : i32
      %add3A_103 = arith.addi %mul3A_4, %mul3A_102 : i32
      %run_scoped3A_104 = arith.constant 1 : i32
      "tpu.region"() ({
        %run_scoped3A_105 = tpu.sem_alloc : memref<!tpu.dma_semaphore, #tpu.memory_space<semaphore_mem>>
        %dma_start3A_106 = arith.constant 0 : i32
        %dma_start3A_107 = tpu.memref_slice %arg9[%run_scoped3A_104, %dma_start3A_106] : memref<2x128xf32, #tpu.memory_space<vmem>> -> memref<1x128xf32, #tpu.memory_space<vmem>>
        %dma_start3A_108 = tpu.memref_squeeze %dma_start3A_107 : memref<1x128xf32, #tpu.memory_space<vmem>> -> memref<128xf32, #tpu.memory_space<vmem>>
        %dma_start3A_109 = tpu.memref_slice %arg6[%add3A_103] : memref<106496xf32, #tpu.memory_space<hbm>> -> memref<128xf32, #tpu.memory_space<hbm>>
        %dma_start3A_110 = tpu.memref_slice %arg6[%add3A_103] : memref<106496xf32, #tpu.memory_space<hbm>> -> memref<128xf32, #tpu.memory_space<hbm>>
        %dma_start3A_111 = arith.constant 0 : i32
        %dma_start3A_112 = tpu.memref_slice %arg9[%run_scoped3A_104, %dma_start3A_111] : memref<2x128xf32, #tpu.memory_space<vmem>> -> memref<1x128xf32, #tpu.memory_space<vmem>>
        %dma_start3A_113 = tpu.memref_squeeze %dma_start3A_112 : memref<1x128xf32, #tpu.memory_space<vmem>> -> memref<128xf32, #tpu.memory_space<vmem>>
        tpu.enqueue_dma source(%dma_start3A_113 : memref<128xf32, #tpu.memory_space<vmem>>) target(%dma_start3A_110 : memref<128xf32, #tpu.memory_space<hbm>>) target_semaphore(%run_scoped3A_105 : memref<!tpu.dma_semaphore, #tpu.memory_space<semaphore_mem>>)
        %dma_wait3A_114 = arith.constant 0 : i32
        %dma_wait3A_115 = tpu.memref_slice %arg9[%run_scoped3A_104, %dma_wait3A_114] : memref<2x128xf32, #tpu.memory_space<vmem>> -> memref<1x128xf32, #tpu.memory_space<vmem>>
        %dma_wait3A_116 = tpu.memref_squeeze %dma_wait3A_115 : memref<1x128xf32, #tpu.memory_space<vmem>> -> memref<128xf32, #tpu.memory_space<vmem>>
        %dma_wait3A_117 = tpu.memref_slice %arg6[%add3A_103] : memref<106496xf32, #tpu.memory_space<hbm>> -> memref<128xf32, #tpu.memory_space<hbm>>
        %dma_wait3A_118 = tpu.memref_slice %arg6[%add3A_103] : memref<106496xf32, #tpu.memory_space<hbm>> -> memref<128xf32, #tpu.memory_space<hbm>>
        %dma_wait3A_119 = arith.constant 0 : i32
        %dma_wait3A_120 = tpu.memref_slice %arg9[%run_scoped3A_104, %dma_wait3A_119] : memref<2x128xf32, #tpu.memory_space<vmem>> -> memref<1x128xf32, #tpu.memory_space<vmem>>
        %dma_wait3A_121 = tpu.memref_squeeze %dma_wait3A_120 : memref<1x128xf32, #tpu.memory_space<vmem>> -> memref<128xf32, #tpu.memory_space<vmem>>
        tpu.wait_dma2 semaphore(%run_scoped3A_105 : memref<!tpu.dma_semaphore, #tpu.memory_space<semaphore_mem>>) src(%dma_wait3A_121 : memref<128xf32, #tpu.memory_space<vmem>>) dst(%dma_wait3A_118 : memref<128xf32, #tpu.memory_space<hbm>>)
        tpu.yield
      }) : () -> ()
    }
    %scan3A_30 = arith.constant 13 : i32
    return
  }
}

#map = affine_map<(d0, d1) -> (0, 0)>
#map1 = affine_map<(d0, d1) -> (0)>
module attributes {stable_mosaic.version = 14 : i64} {
  func.func @_sc_gather_body(%arg0: i32, %arg1: i32, %arg2: memref<832x128xi32, #tpu.memory_space<hbm>>, %arg3: memref<2600000x16xbf16, #tpu.memory_space<hbm>>, %arg4: memref<2600000xf32, #tpu.memory_space<hbm>>, %arg5: memref<106496x16xbf16, #tpu.memory_space<hbm>>, %arg6: memref<106496xf32, #tpu.memory_space<hbm>>, %arg7: memref<26x128xi32, #tpu.memory_space<vmem>>, %arg8: memref<2x128x16xbf16, #tpu.memory_space<vmem>>, %arg9: memref<2x128xf32, #tpu.memory_space<vmem>>, %arg10: memref<!tpu.dma_semaphore, #tpu.memory_space<semaphore_mem>>, %arg11: memref<!tpu.dma_semaphore, #tpu.memory_space<semaphore_mem>>, %arg12: memref<!tpu.dma_semaphore, #tpu.memory_space<semaphore_mem>>, %arg13: memref<!tpu.dma_semaphore, #tpu.memory_space<semaphore_mem>>) attributes {dimension_semantics = [#tpu.dimension_semantics<core_parallel>, #tpu.dimension_semantics<subcore_parallel>], iteration_bounds = array<i64: 2, 16>, scalar_prefetch = 0 : i64, scratch_operands = 7 : i64, tpu.core_type = #tpu.core_type<sc_vector_subcore>, window_params = [{transform_indices = #map}, {transform_indices = #map}, {transform_indices = #map1}, {transform_indices = #map}, {transform_indices = #map1}]} {
    %mul3A = arith.constant 2 : i32
    %mul3A_0 = arith.muli %arg1, %mul3A : i32
    %add3A = arith.addi %mul3A_0, %arg0 : i32
    %mul3A_1 = arith.constant 26 : i32
    %mul3A_2 = arith.muli %add3A, %mul3A_1 : i32
    "tpu.region"() ({
      %run_scoped3A = tpu.sem_alloc : memref<!tpu.dma_semaphore, #tpu.memory_space<semaphore_mem>>
      %dma_start3A_31 = arith.constant 0 : i32
      %dma_start3A_32 = tpu.memref_slice %arg2[%mul3A_2, %dma_start3A_31] : memref<832x128xi32, #tpu.memory_space<hbm>> -> memref<26x128xi32, #tpu.memory_space<hbm>>
      %dma_start3A_33 = arith.constant 0 : i32
      %dma_start3A_34 = tpu.memref_slice %arg2[%mul3A_2, %dma_start3A_33] : memref<832x128xi32, #tpu.memory_space<hbm>> -> memref<26x128xi32, #tpu.memory_space<hbm>>
      tpu.enqueue_dma source(%dma_start3A_34 : memref<26x128xi32, #tpu.memory_space<hbm>>) target(%arg7 : memref<26x128xi32, #tpu.memory_space<vmem>>) target_semaphore(%run_scoped3A : memref<!tpu.dma_semaphore, #tpu.memory_space<semaphore_mem>>)
      %dma_wait3A = arith.constant 0 : i32
      %dma_wait3A_35 = tpu.memref_slice %arg2[%mul3A_2, %dma_wait3A] : memref<832x128xi32, #tpu.memory_space<hbm>> -> memref<26x128xi32, #tpu.memory_space<hbm>>
      %dma_wait3A_36 = arith.constant 0 : i32
      %dma_wait3A_37 = tpu.memref_slice %arg2[%mul3A_2, %dma_wait3A_36] : memref<832x128xi32, #tpu.memory_space<hbm>> -> memref<26x128xi32, #tpu.memory_space<hbm>>
      tpu.wait_dma2 semaphore(%run_scoped3A : memref<!tpu.dma_semaphore, #tpu.memory_space<semaphore_mem>>) src(%dma_wait3A_37 : memref<26x128xi32, #tpu.memory_space<hbm>>) dst(%arg7 : memref<26x128xi32, #tpu.memory_space<vmem>>)
      tpu.yield
    }) : () -> ()
    %mul3A_3 = arith.constant 3328 : i32
    %mul3A_4 = arith.muli %add3A, %mul3A_3 : i32
    %dma_start3A = arith.constant 0 : i32
    %dma_start3A_5 = arith.constant 0 : i32
    %dma_start3A_6 = arith.constant 0 : i32
    %dma_start3A_7 = arith.constant 0 : i32
    %dma_start3A_8 = tpu.memref_slice %arg8[%dma_start3A_5, %dma_start3A_6, %dma_start3A_7] : memref<2x128x16xbf16, #tpu.memory_space<vmem>> -> memref<1x128x16xbf16, #tpu.memory_space<vmem>>
    %dma_start3A_9 = tpu.memref_squeeze %dma_start3A_8 : memref<1x128x16xbf16, #tpu.memory_space<vmem>> -> memref<128x16xbf16, #tpu.memory_space<vmem>>
    %dma_start3A_10 = arith.constant 0 : i32
    %dma_start3A_11 = tpu.memref_slice %arg7[%dma_start3A, %dma_start3A_10] : memref<26x128xi32, #tpu.memory_space<vmem>> -> memref<1x128xi32, #tpu.memory_space<vmem>>
    %dma_start3A_12 = tpu.memref_squeeze %dma_start3A_11 : memref<1x128xi32, #tpu.memory_space<vmem>> -> memref<128xi32, #tpu.memory_space<vmem>>
    %dma_start3A_13 = arith.constant 0 : i32
    %dma_start3A_14 = arith.constant 0 : i32
    %dma_start3A_15 = tpu.memref_slice %arg3[%dma_start3A_13, %dma_start3A_14] : memref<2600000x16xbf16, #tpu.memory_space<hbm>> -> memref<2600000x16xbf16, #tpu.memory_space<hbm>>
    tpu.enqueue_indirect_dma source(%dma_start3A_15 : memref<2600000x16xbf16, #tpu.memory_space<hbm>>) target(%dma_start3A_9 : memref<128x16xbf16, #tpu.memory_space<vmem>>) offsets(%dma_start3A_12 : memref<128xi32, #tpu.memory_space<vmem>>) semaphore(%arg10 : memref<!tpu.dma_semaphore, #tpu.memory_space<semaphore_mem>>)
    %dma_start3A_16 = arith.constant 0 : i32
    %dma_start3A_17 = arith.constant 0 : i32
    %dma_start3A_18 = arith.constant 0 : i32
    %dma_start3A_19 = tpu.memref_slice %arg9[%dma_start3A_17, %dma_start3A_18] : memref<2x128xf32, #tpu.memory_space<vmem>> -> memref<1x128xf32, #tpu.memory_space<vmem>>
    %dma_start3A_20 = tpu.memref_squeeze %dma_start3A_19 : memref<1x128xf32, #tpu.memory_space<vmem>> -> memref<128xf32, #tpu.memory_space<vmem>>
    %dma_start3A_21 = arith.constant 0 : i32
    %dma_start3A_22 = tpu.memref_slice %arg7[%dma_start3A_16, %dma_start3A_21] : memref<26x128xi32, #tpu.memory_space<vmem>> -> memref<1x128xi32, #tpu.memory_space<vmem>>
    %dma_start3A_23 = tpu.memref_squeeze %dma_start3A_22 : memref<1x128xi32, #tpu.memory_space<vmem>> -> memref<128xi32, #tpu.memory_space<vmem>>
    %dma_start3A_24 = arith.constant 0 : i32
    %dma_start3A_25 = tpu.memref_slice %arg4[%dma_start3A_24] : memref<2600000xf32, #tpu.memory_space<hbm>> -> memref<2600000xf32, #tpu.memory_space<hbm>>
    tpu.enqueue_indirect_dma source(%dma_start3A_25 : memref<2600000xf32, #tpu.memory_space<hbm>>) target(%dma_start3A_20 : memref<128xf32, #tpu.memory_space<vmem>>) offsets(%dma_start3A_23 : memref<128xi32, #tpu.memory_space<vmem>>) semaphore(%arg12 : memref<!tpu.dma_semaphore, #tpu.memory_space<semaphore_mem>>)
    %scan3A = arith.constant 0 : i32
    %scan3A_26 = arith.constant 0 : i32
    %scan3A_27 = arith.constant 13 : i32
    %scan3A_28 = arith.addi %scan3A_26, %scan3A_27 : i32
    %scan3A_29 = arith.constant 1 : i32
    scf.for %scan3A_31 = %scan3A_26 to %scan3A_28 step %scan3A_29  : i32 {
      %mul3A_32 = arith.constant 2 : i32
      %mul3A_33 = arith.muli %scan3A_31, %mul3A_32 : i32
      %add3A_34 = arith.constant 0 : i32
      %add3A_35 = arith.addi %mul3A_33, %add3A_34 : i32
      %add3A_36 = arith.constant 1 : i32
      %add3A_37 = arith.addi %add3A_35, %add3A_36 : i32
      %lt3A = arith.constant 26 : i32
      %lt3A_38 = arith.cmpi slt, %add3A_37, %lt3A : i32
      %convert_element_type3A = arith.extui %lt3A_38 : i1 to i32
      %cond3A = arith.constant 0 : i32
      %cond3A_39 = arith.cmpi ne, %convert_element_type3A, %cond3A : i32
      scf.if %cond3A_39 {
        %dma_start3A_105 = arith.constant 1 : i32
        %dma_start3A_106 = arith.constant 0 : i32
        %dma_start3A_107 = arith.constant 0 : i32
        %dma_start3A_108 = tpu.memref_slice %arg8[%dma_start3A_105, %dma_start3A_106, %dma_start3A_107] : memref<2x128x16xbf16, #tpu.memory_space<vmem>> -> memref<1x128x16xbf16, #tpu.memory_space<vmem>>
        %dma_start3A_109 = tpu.memref_squeeze %dma_start3A_108 : memref<1x128x16xbf16, #tpu.memory_space<vmem>> -> memref<128x16xbf16, #tpu.memory_space<vmem>>
        %dma_start3A_110 = arith.constant 0 : i32
        %dma_start3A_111 = tpu.memref_slice %arg7[%add3A_37, %dma_start3A_110] : memref<26x128xi32, #tpu.memory_space<vmem>> -> memref<1x128xi32, #tpu.memory_space<vmem>>
        %dma_start3A_112 = tpu.memref_squeeze %dma_start3A_111 : memref<1x128xi32, #tpu.memory_space<vmem>> -> memref<128xi32, #tpu.memory_space<vmem>>
        %dma_start3A_113 = arith.constant 0 : i32
        %dma_start3A_114 = arith.constant 0 : i32
        %dma_start3A_115 = tpu.memref_slice %arg3[%dma_start3A_113, %dma_start3A_114] : memref<2600000x16xbf16, #tpu.memory_space<hbm>> -> memref<2600000x16xbf16, #tpu.memory_space<hbm>>
        tpu.enqueue_indirect_dma source(%dma_start3A_115 : memref<2600000x16xbf16, #tpu.memory_space<hbm>>) target(%dma_start3A_109 : memref<128x16xbf16, #tpu.memory_space<vmem>>) offsets(%dma_start3A_112 : memref<128xi32, #tpu.memory_space<vmem>>) semaphore(%arg11 : memref<!tpu.dma_semaphore, #tpu.memory_space<semaphore_mem>>)
        %dma_start3A_116 = arith.constant 1 : i32
        %dma_start3A_117 = arith.constant 0 : i32
        %dma_start3A_118 = tpu.memref_slice %arg9[%dma_start3A_116, %dma_start3A_117] : memref<2x128xf32, #tpu.memory_space<vmem>> -> memref<1x128xf32, #tpu.memory_space<vmem>>
        %dma_start3A_119 = tpu.memref_squeeze %dma_start3A_118 : memref<1x128xf32, #tpu.memory_space<vmem>> -> memref<128xf32, #tpu.memory_space<vmem>>
        %dma_start3A_120 = arith.constant 0 : i32
        %dma_start3A_121 = tpu.memref_slice %arg7[%add3A_37, %dma_start3A_120] : memref<26x128xi32, #tpu.memory_space<vmem>> -> memref<1x128xi32, #tpu.memory_space<vmem>>
        %dma_start3A_122 = tpu.memref_squeeze %dma_start3A_121 : memref<1x128xi32, #tpu.memory_space<vmem>> -> memref<128xi32, #tpu.memory_space<vmem>>
        %dma_start3A_123 = arith.constant 0 : i32
        %dma_start3A_124 = tpu.memref_slice %arg4[%dma_start3A_123] : memref<2600000xf32, #tpu.memory_space<hbm>> -> memref<2600000xf32, #tpu.memory_space<hbm>>
        tpu.enqueue_indirect_dma source(%dma_start3A_124 : memref<2600000xf32, #tpu.memory_space<hbm>>) target(%dma_start3A_119 : memref<128xf32, #tpu.memory_space<vmem>>) offsets(%dma_start3A_122 : memref<128xi32, #tpu.memory_space<vmem>>) semaphore(%arg13 : memref<!tpu.dma_semaphore, #tpu.memory_space<semaphore_mem>>)
      } else {
      }
      %dma_wait3A = arith.constant 0 : i32
      %dma_wait3A_40 = arith.constant 0 : i32
      %dma_wait3A_41 = arith.constant 0 : i32
      %dma_wait3A_42 = tpu.memref_slice %arg8[%dma_wait3A, %dma_wait3A_40, %dma_wait3A_41] : memref<2x128x16xbf16, #tpu.memory_space<vmem>> -> memref<1x128x16xbf16, #tpu.memory_space<vmem>>
      %dma_wait3A_43 = tpu.memref_squeeze %dma_wait3A_42 : memref<1x128x16xbf16, #tpu.memory_space<vmem>> -> memref<128x16xbf16, #tpu.memory_space<vmem>>
      %dma_wait3A_44 = arith.constant 0 : i32
      %dma_wait3A_45 = tpu.memref_slice %arg7[%add3A_35, %dma_wait3A_44] : memref<26x128xi32, #tpu.memory_space<vmem>> -> memref<1x128xi32, #tpu.memory_space<vmem>>
      %dma_wait3A_46 = tpu.memref_squeeze %dma_wait3A_45 : memref<1x128xi32, #tpu.memory_space<vmem>> -> memref<128xi32, #tpu.memory_space<vmem>>
      %dma_wait3A_47 = arith.constant 0 : i32
      %dma_wait3A_48 = arith.constant 0 : i32
      %dma_wait3A_49 = tpu.memref_slice %arg3[%dma_wait3A_47, %dma_wait3A_48] : memref<2600000x16xbf16, #tpu.memory_space<hbm>> -> memref<2600000x16xbf16, #tpu.memory_space<hbm>>
      tpu.wait_indirect_dma semaphore(%arg10 : memref<!tpu.dma_semaphore, #tpu.memory_space<semaphore_mem>>) src(%dma_wait3A_49 : memref<2600000x16xbf16, #tpu.memory_space<hbm>>) dst(%dma_wait3A_43 : memref<128x16xbf16, #tpu.memory_space<vmem>>)
      %dma_wait3A_50 = arith.constant 0 : i32
      %dma_wait3A_51 = arith.constant 0 : i32
      %dma_wait3A_52 = tpu.memref_slice %arg9[%dma_wait3A_50, %dma_wait3A_51] : memref<2x128xf32, #tpu.memory_space<vmem>> -> memref<1x128xf32, #tpu.memory_space<vmem>>
      %dma_wait3A_53 = tpu.memref_squeeze %dma_wait3A_52 : memref<1x128xf32, #tpu.memory_space<vmem>> -> memref<128xf32, #tpu.memory_space<vmem>>
      %dma_wait3A_54 = arith.constant 0 : i32
      %dma_wait3A_55 = tpu.memref_slice %arg7[%add3A_35, %dma_wait3A_54] : memref<26x128xi32, #tpu.memory_space<vmem>> -> memref<1x128xi32, #tpu.memory_space<vmem>>
      %dma_wait3A_56 = tpu.memref_squeeze %dma_wait3A_55 : memref<1x128xi32, #tpu.memory_space<vmem>> -> memref<128xi32, #tpu.memory_space<vmem>>
      %dma_wait3A_57 = arith.constant 0 : i32
      %dma_wait3A_58 = tpu.memref_slice %arg4[%dma_wait3A_57] : memref<2600000xf32, #tpu.memory_space<hbm>> -> memref<2600000xf32, #tpu.memory_space<hbm>>
      tpu.wait_indirect_dma semaphore(%arg12 : memref<!tpu.dma_semaphore, #tpu.memory_space<semaphore_mem>>) src(%dma_wait3A_58 : memref<2600000xf32, #tpu.memory_space<hbm>>) dst(%dma_wait3A_53 : memref<128xf32, #tpu.memory_space<vmem>>)
      %mul3A_59 = arith.constant 128 : i32
      %mul3A_60 = arith.muli %add3A_35, %mul3A_59 : i32
      %add3A_61 = arith.addi %mul3A_4, %mul3A_60 : i32
      %run_scoped3A = arith.constant 0 : i32
      "tpu.region"() ({
        %run_scoped3A_105 = tpu.sem_alloc : memref<!tpu.dma_semaphore, #tpu.memory_space<semaphore_mem>>
        %dma_start3A_106 = arith.constant 0 : i32
        %dma_start3A_107 = arith.constant 0 : i32
        %dma_start3A_108 = tpu.memref_slice %arg8[%run_scoped3A, %dma_start3A_106, %dma_start3A_107] : memref<2x128x16xbf16, #tpu.memory_space<vmem>> -> memref<1x128x16xbf16, #tpu.memory_space<vmem>>
        %dma_start3A_109 = tpu.memref_squeeze %dma_start3A_108 : memref<1x128x16xbf16, #tpu.memory_space<vmem>> -> memref<128x16xbf16, #tpu.memory_space<vmem>>
        %dma_start3A_110 = arith.constant 0 : i32
        %dma_start3A_111 = tpu.memref_slice %arg5[%add3A_61, %dma_start3A_110] : memref<106496x16xbf16, #tpu.memory_space<hbm>> -> memref<128x16xbf16, #tpu.memory_space<hbm>>
        %dma_start3A_112 = arith.constant 0 : i32
        %dma_start3A_113 = tpu.memref_slice %arg5[%add3A_61, %dma_start3A_112] : memref<106496x16xbf16, #tpu.memory_space<hbm>> -> memref<128x16xbf16, #tpu.memory_space<hbm>>
        %dma_start3A_114 = arith.constant 0 : i32
        %dma_start3A_115 = arith.constant 0 : i32
        %dma_start3A_116 = tpu.memref_slice %arg8[%run_scoped3A, %dma_start3A_114, %dma_start3A_115] : memref<2x128x16xbf16, #tpu.memory_space<vmem>> -> memref<1x128x16xbf16, #tpu.memory_space<vmem>>
        %dma_start3A_117 = tpu.memref_squeeze %dma_start3A_116 : memref<1x128x16xbf16, #tpu.memory_space<vmem>> -> memref<128x16xbf16, #tpu.memory_space<vmem>>
        tpu.enqueue_dma source(%dma_start3A_117 : memref<128x16xbf16, #tpu.memory_space<vmem>>) target(%dma_start3A_113 : memref<128x16xbf16, #tpu.memory_space<hbm>>) target_semaphore(%run_scoped3A_105 : memref<!tpu.dma_semaphore, #tpu.memory_space<semaphore_mem>>)
        %dma_wait3A_118 = arith.constant 0 : i32
        %dma_wait3A_119 = arith.constant 0 : i32
        %dma_wait3A_120 = tpu.memref_slice %arg8[%run_scoped3A, %dma_wait3A_118, %dma_wait3A_119] : memref<2x128x16xbf16, #tpu.memory_space<vmem>> -> memref<1x128x16xbf16, #tpu.memory_space<vmem>>
        %dma_wait3A_121 = tpu.memref_squeeze %dma_wait3A_120 : memref<1x128x16xbf16, #tpu.memory_space<vmem>> -> memref<128x16xbf16, #tpu.memory_space<vmem>>
        %dma_wait3A_122 = arith.constant 0 : i32
        %dma_wait3A_123 = tpu.memref_slice %arg5[%add3A_61, %dma_wait3A_122] : memref<106496x16xbf16, #tpu.memory_space<hbm>> -> memref<128x16xbf16, #tpu.memory_space<hbm>>
        %dma_wait3A_124 = arith.constant 0 : i32
        %dma_wait3A_125 = tpu.memref_slice %arg5[%add3A_61, %dma_wait3A_124] : memref<106496x16xbf16, #tpu.memory_space<hbm>> -> memref<128x16xbf16, #tpu.memory_space<hbm>>
        %dma_wait3A_126 = arith.constant 0 : i32
        %dma_wait3A_127 = arith.constant 0 : i32
        %dma_wait3A_128 = tpu.memref_slice %arg8[%run_scoped3A, %dma_wait3A_126, %dma_wait3A_127] : memref<2x128x16xbf16, #tpu.memory_space<vmem>> -> memref<1x128x16xbf16, #tpu.memory_space<vmem>>
        %dma_wait3A_129 = tpu.memref_squeeze %dma_wait3A_128 : memref<1x128x16xbf16, #tpu.memory_space<vmem>> -> memref<128x16xbf16, #tpu.memory_space<vmem>>
        tpu.wait_dma2 semaphore(%run_scoped3A_105 : memref<!tpu.dma_semaphore, #tpu.memory_space<semaphore_mem>>) src(%dma_wait3A_129 : memref<128x16xbf16, #tpu.memory_space<vmem>>) dst(%dma_wait3A_125 : memref<128x16xbf16, #tpu.memory_space<hbm>>)
        tpu.yield
      }) : () -> ()
      %mul3A_62 = arith.constant 128 : i32
      %mul3A_63 = arith.muli %add3A_35, %mul3A_62 : i32
      %add3A_64 = arith.addi %mul3A_4, %mul3A_63 : i32
      %run_scoped3A_65 = arith.constant 0 : i32
      "tpu.region"() ({
        %run_scoped3A_105 = tpu.sem_alloc : memref<!tpu.dma_semaphore, #tpu.memory_space<semaphore_mem>>
        %dma_start3A_106 = arith.constant 0 : i32
        %dma_start3A_107 = tpu.memref_slice %arg9[%run_scoped3A_65, %dma_start3A_106] : memref<2x128xf32, #tpu.memory_space<vmem>> -> memref<1x128xf32, #tpu.memory_space<vmem>>
        %dma_start3A_108 = tpu.memref_squeeze %dma_start3A_107 : memref<1x128xf32, #tpu.memory_space<vmem>> -> memref<128xf32, #tpu.memory_space<vmem>>
        %dma_start3A_109 = tpu.memref_slice %arg6[%add3A_64] : memref<106496xf32, #tpu.memory_space<hbm>> -> memref<128xf32, #tpu.memory_space<hbm>>
        %dma_start3A_110 = tpu.memref_slice %arg6[%add3A_64] : memref<106496xf32, #tpu.memory_space<hbm>> -> memref<128xf32, #tpu.memory_space<hbm>>
        %dma_start3A_111 = arith.constant 0 : i32
        %dma_start3A_112 = tpu.memref_slice %arg9[%run_scoped3A_65, %dma_start3A_111] : memref<2x128xf32, #tpu.memory_space<vmem>> -> memref<1x128xf32, #tpu.memory_space<vmem>>
        %dma_start3A_113 = tpu.memref_squeeze %dma_start3A_112 : memref<1x128xf32, #tpu.memory_space<vmem>> -> memref<128xf32, #tpu.memory_space<vmem>>
        tpu.enqueue_dma source(%dma_start3A_113 : memref<128xf32, #tpu.memory_space<vmem>>) target(%dma_start3A_110 : memref<128xf32, #tpu.memory_space<hbm>>) target_semaphore(%run_scoped3A_105 : memref<!tpu.dma_semaphore, #tpu.memory_space<semaphore_mem>>)
        %dma_wait3A_114 = arith.constant 0 : i32
        %dma_wait3A_115 = tpu.memref_slice %arg9[%run_scoped3A_65, %dma_wait3A_114] : memref<2x128xf32, #tpu.memory_space<vmem>> -> memref<1x128xf32, #tpu.memory_space<vmem>>
        %dma_wait3A_116 = tpu.memref_squeeze %dma_wait3A_115 : memref<1x128xf32, #tpu.memory_space<vmem>> -> memref<128xf32, #tpu.memory_space<vmem>>
        %dma_wait3A_117 = tpu.memref_slice %arg6[%add3A_64] : memref<106496xf32, #tpu.memory_space<hbm>> -> memref<128xf32, #tpu.memory_space<hbm>>
        %dma_wait3A_118 = tpu.memref_slice %arg6[%add3A_64] : memref<106496xf32, #tpu.memory_space<hbm>> -> memref<128xf32, #tpu.memory_space<hbm>>
        %dma_wait3A_119 = arith.constant 0 : i32
        %dma_wait3A_120 = tpu.memref_slice %arg9[%run_scoped3A_65, %dma_wait3A_119] : memref<2x128xf32, #tpu.memory_space<vmem>> -> memref<1x128xf32, #tpu.memory_space<vmem>>
        %dma_wait3A_121 = tpu.memref_squeeze %dma_wait3A_120 : memref<1x128xf32, #tpu.memory_space<vmem>> -> memref<128xf32, #tpu.memory_space<vmem>>
        tpu.wait_dma2 semaphore(%run_scoped3A_105 : memref<!tpu.dma_semaphore, #tpu.memory_space<semaphore_mem>>) src(%dma_wait3A_121 : memref<128xf32, #tpu.memory_space<vmem>>) dst(%dma_wait3A_118 : memref<128xf32, #tpu.memory_space<hbm>>)
        tpu.yield
      }) : () -> ()
      %mul3A_66 = arith.constant 2 : i32
      %mul3A_67 = arith.muli %scan3A_31, %mul3A_66 : i32
      %add3A_68 = arith.constant 1 : i32
      %add3A_69 = arith.addi %mul3A_67, %add3A_68 : i32
      %add3A_70 = arith.constant 1 : i32
      %add3A_71 = arith.addi %add3A_69, %add3A_70 : i32
      %lt3A_72 = arith.constant 26 : i32
      %lt3A_73 = arith.cmpi slt, %add3A_71, %lt3A_72 : i32
      %convert_element_type3A_74 = arith.extui %lt3A_73 : i1 to i32
      %cond3A_75 = arith.constant 0 : i32
      %cond3A_76 = arith.cmpi ne, %convert_element_type3A_74, %cond3A_75 : i32
      scf.if %cond3A_76 {
        %dma_start3A_105 = arith.constant 0 : i32
        %dma_start3A_106 = arith.constant 0 : i32
        %dma_start3A_107 = arith.constant 0 : i32
        %dma_start3A_108 = tpu.memref_slice %arg8[%dma_start3A_105, %dma_start3A_106, %dma_start3A_107] : memref<2x128x16xbf16, #tpu.memory_space<vmem>> -> memref<1x128x16xbf16, #tpu.memory_space<vmem>>
        %dma_start3A_109 = tpu.memref_squeeze %dma_start3A_108 : memref<1x128x16xbf16, #tpu.memory_space<vmem>> -> memref<128x16xbf16, #tpu.memory_space<vmem>>
        %dma_start3A_110 = arith.constant 0 : i32
        %dma_start3A_111 = tpu.memref_slice %arg7[%add3A_71, %dma_start3A_110] : memref<26x128xi32, #tpu.memory_space<vmem>> -> memref<1x128xi32, #tpu.memory_space<vmem>>
        %dma_start3A_112 = tpu.memref_squeeze %dma_start3A_111 : memref<1x128xi32, #tpu.memory_space<vmem>> -> memref<128xi32, #tpu.memory_space<vmem>>
        %dma_start3A_113 = arith.constant 0 : i32
        %dma_start3A_114 = arith.constant 0 : i32
        %dma_start3A_115 = tpu.memref_slice %arg3[%dma_start3A_113, %dma_start3A_114] : memref<2600000x16xbf16, #tpu.memory_space<hbm>> -> memref<2600000x16xbf16, #tpu.memory_space<hbm>>
        tpu.enqueue_indirect_dma source(%dma_start3A_115 : memref<2600000x16xbf16, #tpu.memory_space<hbm>>) target(%dma_start3A_109 : memref<128x16xbf16, #tpu.memory_space<vmem>>) offsets(%dma_start3A_112 : memref<128xi32, #tpu.memory_space<vmem>>) semaphore(%arg10 : memref<!tpu.dma_semaphore, #tpu.memory_space<semaphore_mem>>)
        %dma_start3A_116 = arith.constant 0 : i32
        %dma_start3A_117 = arith.constant 0 : i32
        %dma_start3A_118 = tpu.memref_slice %arg9[%dma_start3A_116, %dma_start3A_117] : memref<2x128xf32, #tpu.memory_space<vmem>> -> memref<1x128xf32, #tpu.memory_space<vmem>>
        %dma_start3A_119 = tpu.memref_squeeze %dma_start3A_118 : memref<1x128xf32, #tpu.memory_space<vmem>> -> memref<128xf32, #tpu.memory_space<vmem>>
        %dma_start3A_120 = arith.constant 0 : i32
        %dma_start3A_121 = tpu.memref_slice %arg7[%add3A_71, %dma_start3A_120] : memref<26x128xi32, #tpu.memory_space<vmem>> -> memref<1x128xi32, #tpu.memory_space<vmem>>
        %dma_start3A_122 = tpu.memref_squeeze %dma_start3A_121 : memref<1x128xi32, #tpu.memory_space<vmem>> -> memref<128xi32, #tpu.memory_space<vmem>>
        %dma_start3A_123 = arith.constant 0 : i32
        %dma_start3A_124 = tpu.memref_slice %arg4[%dma_start3A_123] : memref<2600000xf32, #tpu.memory_space<hbm>> -> memref<2600000xf32, #tpu.memory_space<hbm>>
        tpu.enqueue_indirect_dma source(%dma_start3A_124 : memref<2600000xf32, #tpu.memory_space<hbm>>) target(%dma_start3A_119 : memref<128xf32, #tpu.memory_space<vmem>>) offsets(%dma_start3A_122 : memref<128xi32, #tpu.memory_space<vmem>>) semaphore(%arg12 : memref<!tpu.dma_semaphore, #tpu.memory_space<semaphore_mem>>)
      } else {
      }
      %dma_wait3A_77 = arith.constant 1 : i32
      %dma_wait3A_78 = arith.constant 0 : i32
      %dma_wait3A_79 = arith.constant 0 : i32
      %dma_wait3A_80 = tpu.memref_slice %arg8[%dma_wait3A_77, %dma_wait3A_78, %dma_wait3A_79] : memref<2x128x16xbf16, #tpu.memory_space<vmem>> -> memref<1x128x16xbf16, #tpu.memory_space<vmem>>
      %dma_wait3A_81 = tpu.memref_squeeze %dma_wait3A_80 : memref<1x128x16xbf16, #tpu.memory_space<vmem>> -> memref<128x16xbf16, #tpu.memory_space<vmem>>
      %dma_wait3A_82 = arith.constant 0 : i32
      %dma_wait3A_83 = tpu.memref_slice %arg7[%add3A_69, %dma_wait3A_82] : memref<26x128xi32, #tpu.memory_space<vmem>> -> memref<1x128xi32, #tpu.memory_space<vmem>>
      %dma_wait3A_84 = tpu.memref_squeeze %dma_wait3A_83 : memref<1x128xi32, #tpu.memory_space<vmem>> -> memref<128xi32, #tpu.memory_space<vmem>>
      %dma_wait3A_85 = arith.constant 0 : i32
      %dma_wait3A_86 = arith.constant 0 : i32
      %dma_wait3A_87 = tpu.memref_slice %arg3[%dma_wait3A_85, %dma_wait3A_86] : memref<2600000x16xbf16, #tpu.memory_space<hbm>> -> memref<2600000x16xbf16, #tpu.memory_space<hbm>>
      tpu.wait_indirect_dma semaphore(%arg11 : memref<!tpu.dma_semaphore, #tpu.memory_space<semaphore_mem>>) src(%dma_wait3A_87 : memref<2600000x16xbf16, #tpu.memory_space<hbm>>) dst(%dma_wait3A_81 : memref<128x16xbf16, #tpu.memory_space<vmem>>)
      %dma_wait3A_88 = arith.constant 1 : i32
      %dma_wait3A_89 = arith.constant 0 : i32
      %dma_wait3A_90 = tpu.memref_slice %arg9[%dma_wait3A_88, %dma_wait3A_89] : memref<2x128xf32, #tpu.memory_space<vmem>> -> memref<1x128xf32, #tpu.memory_space<vmem>>
      %dma_wait3A_91 = tpu.memref_squeeze %dma_wait3A_90 : memref<1x128xf32, #tpu.memory_space<vmem>> -> memref<128xf32, #tpu.memory_space<vmem>>
      %dma_wait3A_92 = arith.constant 0 : i32
      %dma_wait3A_93 = tpu.memref_slice %arg7[%add3A_69, %dma_wait3A_92] : memref<26x128xi32, #tpu.memory_space<vmem>> -> memref<1x128xi32, #tpu.memory_space<vmem>>
      %dma_wait3A_94 = tpu.memref_squeeze %dma_wait3A_93 : memref<1x128xi32, #tpu.memory_space<vmem>> -> memref<128xi32, #tpu.memory_space<vmem>>
      %dma_wait3A_95 = arith.constant 0 : i32
      %dma_wait3A_96 = tpu.memref_slice %arg4[%dma_wait3A_95] : memref<2600000xf32, #tpu.memory_space<hbm>> -> memref<2600000xf32, #tpu.memory_space<hbm>>
      tpu.wait_indirect_dma semaphore(%arg13 : memref<!tpu.dma_semaphore, #tpu.memory_space<semaphore_mem>>) src(%dma_wait3A_96 : memref<2600000xf32, #tpu.memory_space<hbm>>) dst(%dma_wait3A_91 : memref<128xf32, #tpu.memory_space<vmem>>)
      %mul3A_97 = arith.constant 128 : i32
      %mul3A_98 = arith.muli %add3A_69, %mul3A_97 : i32
      %add3A_99 = arith.addi %mul3A_4, %mul3A_98 : i32
      %run_scoped3A_100 = arith.constant 1 : i32
      "tpu.region"() ({
        %run_scoped3A_105 = tpu.sem_alloc : memref<!tpu.dma_semaphore, #tpu.memory_space<semaphore_mem>>
        %dma_start3A_106 = arith.constant 0 : i32
        %dma_start3A_107 = arith.constant 0 : i32
        %dma_start3A_108 = tpu.memref_slice %arg8[%run_scoped3A_100, %dma_start3A_106, %dma_start3A_107] : memref<2x128x16xbf16, #tpu.memory_space<vmem>> -> memref<1x128x16xbf16, #tpu.memory_space<vmem>>
        %dma_start3A_109 = tpu.memref_squeeze %dma_start3A_108 : memref<1x128x16xbf16, #tpu.memory_space<vmem>> -> memref<128x16xbf16, #tpu.memory_space<vmem>>
        %dma_start3A_110 = arith.constant 0 : i32
        %dma_start3A_111 = tpu.memref_slice %arg5[%add3A_99, %dma_start3A_110] : memref<106496x16xbf16, #tpu.memory_space<hbm>> -> memref<128x16xbf16, #tpu.memory_space<hbm>>
        %dma_start3A_112 = arith.constant 0 : i32
        %dma_start3A_113 = tpu.memref_slice %arg5[%add3A_99, %dma_start3A_112] : memref<106496x16xbf16, #tpu.memory_space<hbm>> -> memref<128x16xbf16, #tpu.memory_space<hbm>>
        %dma_start3A_114 = arith.constant 0 : i32
        %dma_start3A_115 = arith.constant 0 : i32
        %dma_start3A_116 = tpu.memref_slice %arg8[%run_scoped3A_100, %dma_start3A_114, %dma_start3A_115] : memref<2x128x16xbf16, #tpu.memory_space<vmem>> -> memref<1x128x16xbf16, #tpu.memory_space<vmem>>
        %dma_start3A_117 = tpu.memref_squeeze %dma_start3A_116 : memref<1x128x16xbf16, #tpu.memory_space<vmem>> -> memref<128x16xbf16, #tpu.memory_space<vmem>>
        tpu.enqueue_dma source(%dma_start3A_117 : memref<128x16xbf16, #tpu.memory_space<vmem>>) target(%dma_start3A_113 : memref<128x16xbf16, #tpu.memory_space<hbm>>) target_semaphore(%run_scoped3A_105 : memref<!tpu.dma_semaphore, #tpu.memory_space<semaphore_mem>>)
        %dma_wait3A_118 = arith.constant 0 : i32
        %dma_wait3A_119 = arith.constant 0 : i32
        %dma_wait3A_120 = tpu.memref_slice %arg8[%run_scoped3A_100, %dma_wait3A_118, %dma_wait3A_119] : memref<2x128x16xbf16, #tpu.memory_space<vmem>> -> memref<1x128x16xbf16, #tpu.memory_space<vmem>>
        %dma_wait3A_121 = tpu.memref_squeeze %dma_wait3A_120 : memref<1x128x16xbf16, #tpu.memory_space<vmem>> -> memref<128x16xbf16, #tpu.memory_space<vmem>>
        %dma_wait3A_122 = arith.constant 0 : i32
        %dma_wait3A_123 = tpu.memref_slice %arg5[%add3A_99, %dma_wait3A_122] : memref<106496x16xbf16, #tpu.memory_space<hbm>> -> memref<128x16xbf16, #tpu.memory_space<hbm>>
        %dma_wait3A_124 = arith.constant 0 : i32
        %dma_wait3A_125 = tpu.memref_slice %arg5[%add3A_99, %dma_wait3A_124] : memref<106496x16xbf16, #tpu.memory_space<hbm>> -> memref<128x16xbf16, #tpu.memory_space<hbm>>
        %dma_wait3A_126 = arith.constant 0 : i32
        %dma_wait3A_127 = arith.constant 0 : i32
        %dma_wait3A_128 = tpu.memref_slice %arg8[%run_scoped3A_100, %dma_wait3A_126, %dma_wait3A_127] : memref<2x128x16xbf16, #tpu.memory_space<vmem>> -> memref<1x128x16xbf16, #tpu.memory_space<vmem>>
        %dma_wait3A_129 = tpu.memref_squeeze %dma_wait3A_128 : memref<1x128x16xbf16, #tpu.memory_space<vmem>> -> memref<128x16xbf16, #tpu.memory_space<vmem>>
        tpu.wait_dma2 semaphore(%run_scoped3A_105 : memref<!tpu.dma_semaphore, #tpu.memory_space<semaphore_mem>>) src(%dma_wait3A_129 : memref<128x16xbf16, #tpu.memory_space<vmem>>) dst(%dma_wait3A_125 : memref<128x16xbf16, #tpu.memory_space<hbm>>)
        tpu.yield
      }) : () -> ()
      %mul3A_101 = arith.constant 128 : i32
      %mul3A_102 = arith.muli %add3A_69, %mul3A_101 : i32
      %add3A_103 = arith.addi %mul3A_4, %mul3A_102 : i32
      %run_scoped3A_104 = arith.constant 1 : i32
      "tpu.region"() ({
        %run_scoped3A_105 = tpu.sem_alloc : memref<!tpu.dma_semaphore, #tpu.memory_space<semaphore_mem>>
        %dma_start3A_106 = arith.constant 0 : i32
        %dma_start3A_107 = tpu.memref_slice %arg9[%run_scoped3A_104, %dma_start3A_106] : memref<2x128xf32, #tpu.memory_space<vmem>> -> memref<1x128xf32, #tpu.memory_space<vmem>>
        %dma_start3A_108 = tpu.memref_squeeze %dma_start3A_107 : memref<1x128xf32, #tpu.memory_space<vmem>> -> memref<128xf32, #tpu.memory_space<vmem>>
        %dma_start3A_109 = tpu.memref_slice %arg6[%add3A_103] : memref<106496xf32, #tpu.memory_space<hbm>> -> memref<128xf32, #tpu.memory_space<hbm>>
        %dma_start3A_110 = tpu.memref_slice %arg6[%add3A_103] : memref<106496xf32, #tpu.memory_space<hbm>> -> memref<128xf32, #tpu.memory_space<hbm>>
        %dma_start3A_111 = arith.constant 0 : i32
        %dma_start3A_112 = tpu.memref_slice %arg9[%run_scoped3A_104, %dma_start3A_111] : memref<2x128xf32, #tpu.memory_space<vmem>> -> memref<1x128xf32, #tpu.memory_space<vmem>>
        %dma_start3A_113 = tpu.memref_squeeze %dma_start3A_112 : memref<1x128xf32, #tpu.memory_space<vmem>> -> memref<128xf32, #tpu.memory_space<vmem>>
        tpu.enqueue_dma source(%dma_start3A_113 : memref<128xf32, #tpu.memory_space<vmem>>) target(%dma_start3A_110 : memref<128xf32, #tpu.memory_space<hbm>>) target_semaphore(%run_scoped3A_105 : memref<!tpu.dma_semaphore, #tpu.memory_space<semaphore_mem>>)
        %dma_wait3A_114 = arith.constant 0 : i32
        %dma_wait3A_115 = tpu.memref_slice %arg9[%run_scoped3A_104, %dma_wait3A_114] : memref<2x128xf32, #tpu.memory_space<vmem>> -> memref<1x128xf32, #tpu.memory_space<vmem>>
        %dma_wait3A_116 = tpu.memref_squeeze %dma_wait3A_115 : memref<1x128xf32, #tpu.memory_space<vmem>> -> memref<128xf32, #tpu.memory_space<vmem>>
        %dma_wait3A_117 = tpu.memref_slice %arg6[%add3A_103] : memref<106496xf32, #tpu.memory_space<hbm>> -> memref<128xf32, #tpu.memory_space<hbm>>
        %dma_wait3A_118 = tpu.memref_slice %arg6[%add3A_103] : memref<106496xf32, #tpu.memory_space<hbm>> -> memref<128xf32, #tpu.memory_space<hbm>>
        %dma_wait3A_119 = arith.constant 0 : i32
        %dma_wait3A_120 = tpu.memref_slice %arg9[%run_scoped3A_104, %dma_wait3A_119] : memref<2x128xf32, #tpu.memory_space<vmem>> -> memref<1x128xf32, #tpu.memory_space<vmem>>
        %dma_wait3A_121 = tpu.memref_squeeze %dma_wait3A_120 : memref<1x128xf32, #tpu.memory_space<vmem>> -> memref<128xf32, #tpu.memory_space<vmem>>
        tpu.wait_dma2 semaphore(%run_scoped3A_105 : memref<!tpu.dma_semaphore, #tpu.memory_space<semaphore_mem>>) src(%dma_wait3A_121 : memref<128xf32, #tpu.memory_space<vmem>>) dst(%dma_wait3A_118 : memref<128xf32, #tpu.memory_space<hbm>>)
        tpu.yield
      }) : () -> ()
    }
    %scan3A_30 = arith.constant 13 : i32
    return
  }
}

module attributes {stable_mosaic.version = 14 : i64} {
  func.func @_tc_body(%arg0: i32, %arg1: memref<1024x416xbf16, #tpu.memory_space<vmem>>, %arg2: memref<1024x26xf32, #tpu.memory_space<vmem>>, %arg3: memref<400x416xf32, #tpu.memory_space<vmem>>, %arg4: memref<1x400xf32, #tpu.memory_space<vmem>>, %arg5: memref<400x400xf32, #tpu.memory_space<vmem>>, %arg6: memref<1x400xf32, #tpu.memory_space<vmem>>, %arg7: memref<1x400xf32, #tpu.memory_space<vmem>>, %arg8: memref<1x1xf32, #tpu.memory_space<smem>>, %arg9: memref<1x1xf32, #tpu.memory_space<smem>>, %arg10: memref<1x1xf32, #tpu.memory_space<smem>>, %arg11: memref<1024x1xf32, #tpu.memory_space<vmem>>) attributes {dimension_semantics = [#tpu.dimension_semantics<arbitrary>], iteration_bounds = array<i64: 4>, scalar_prefetch = 0 : i64, scratch_operands = 0 : i64, tpu.core_type = #tpu.core_type<tc>, window_params = [{transform_indices = @transform_0, window_bounds = array<i64: 1024, 416>}, {transform_indices = @transform_1, window_bounds = array<i64: 1024, 26>}, {pipeline_mode = #tpu.pipeline_mode<synchronous>, transform_indices = @transform_2, window_bounds = array<i64: 400, 416>}, {pipeline_mode = #tpu.pipeline_mode<synchronous>, transform_indices = @transform_3, window_bounds = array<i64: 1, 400>}, {pipeline_mode = #tpu.pipeline_mode<synchronous>, transform_indices = @transform_4, window_bounds = array<i64: 400, 400>}, {pipeline_mode = #tpu.pipeline_mode<synchronous>, transform_indices = @transform_5, window_bounds = array<i64: 1, 400>}, {pipeline_mode = #tpu.pipeline_mode<synchronous>, transform_indices = @transform_6, window_bounds = array<i64: 1, 400>}, {transform_indices = @transform_7, window_bounds = array<i64: 1, 1>}, {transform_indices = @transform_8, window_bounds = array<i64: 1, 1>}, {transform_indices = @transform_9, window_bounds = array<i64: 1, 1>}, {transform_indices = @transform_10, window_bounds = array<i64: 1024, 1>}]} {
    %get3A = arith.constant 0 : index
    %get3A_0 = arith.constant 0 : index
    %get3A_1 = vector.load %arg1[%get3A, %get3A_0] : memref<1024x416xbf16, #tpu.memory_space<vmem>>, vector<1024x416xbf16>
    %convert_element_type3A = arith.extf %get3A_1 : vector<1024x416xbf16> to vector<1024x416xf32>
    %iota3A = tpu.iota {dimensions = array<i32: 0>} : vector<416x16xi32>
    %iota3A_2 = tpu.iota {dimensions = array<i32: 1>} : vector<416x16xi32>
    %jit3A = arith.constant 16 : i32
    %eq3A = arith.constant 0 : i32
    %eq3A_3 = arith.cmpi eq, %jit3A, %eq3A : i32
    %jit3A_4 = arith.constant 1 : i32
    %select_n3A = arith.select %eq3A_3, %jit3A_4, %jit3A : i32
    %rem3A = vector.broadcast %select_n3A : i32 to vector<416x16xi32>
    %rem3A_5 = arith.remsi %iota3A, %rem3A : vector<416x16xi32>
    %ne3A = arith.constant 0 : i32
    %ne3A_6 = vector.broadcast %ne3A : i32 to vector<416x16xi32>
    %ne3A_7 = arith.cmpi ne, %rem3A_5, %ne3A_6 : vector<416x16xi32>
    %lt3A = arith.constant 0 : i32
    %lt3A_8 = vector.broadcast %lt3A : i32 to vector<416x16xi32>
    %lt3A_9 = arith.cmpi slt, %rem3A_5, %lt3A_8 : vector<416x16xi32>
    %lt3A_10 = arith.constant 0 : i32
    %lt3A_11 = arith.cmpi slt, %select_n3A, %lt3A_10 : i32
    %ne3A_12 = vector.broadcast %lt3A_11 : i1 to vector<416x16xi1>
    %ne3A_13 = vector.broadcast %ne3A_12 : vector<416x16xi1> to vector<416x16xi1>
    %ne3A_14 = arith.xori %lt3A_9, %ne3A_13 : vector<416x16xi1>
    %and3A = arith.andi %ne3A_14, %ne3A_7 : vector<416x16xi1>
    %add3A = vector.broadcast %select_n3A : i32 to vector<416x16xi32>
    %add3A_15 = arith.addi %rem3A_5, %add3A : vector<416x16xi32>
    %select_n3A_16 = arith.select %and3A, %add3A_15, %rem3A_5 : vector<416x16xi1>, vector<416x16xi32>
    %eq3A_17 = arith.cmpi eq, %select_n3A_16, %iota3A_2 : vector<416x16xi32>
    %jit3A_18 = arith.constant 1.000000e+00 : f32
    %jit3A_19 = arith.constant 0.000000e+00 : f32
    %broadcast_in_dim3A = vector.broadcast %jit3A_18 : f32 to vector<416x16xf32>
    %broadcast_in_dim3A_20 = vector.broadcast %jit3A_19 : f32 to vector<416x16xf32>
    %select_n3A_21 = arith.select %eq3A_17, %broadcast_in_dim3A, %broadcast_in_dim3A_20 : vector<416x16xi1>, vector<416x16xf32>
    %dot_general3A = arith.constant dense<0.000000e+00> : vector<1024x16xf32>
    %dot_general3A_22 = tpu.matmul %convert_element_type3A, %select_n3A_21, %dot_general3A {dimension_numbers = #tpu.dot_dimension_numbers<[1], [0], [0], [1], [0, 0, 1, 1], [], []>, transpose_lhs_hint = false} : vector<1024x416xf32>, vector<416x16xf32>, vector<1024x16xf32> -> vector<1024x16xf32>
    %mul3A = arith.mulf %convert_element_type3A, %convert_element_type3A : vector<1024x416xf32>
    %dot_general3A_23 = arith.constant dense<0.000000e+00> : vector<1024x16xf32>
    %dot_general3A_24 = tpu.matmul %mul3A, %select_n3A_21, %dot_general3A_23 {dimension_numbers = #tpu.dot_dimension_numbers<[1], [0], [0], [1], [0, 0, 1, 1], [], []>, transpose_lhs_hint = false} : vector<1024x416xf32>, vector<416x16xf32>, vector<1024x16xf32> -> vector<1024x16xf32>
    %mul3A_25 = arith.mulf %dot_general3A_22, %dot_general3A_22 : vector<1024x16xf32>
    %sub3A = arith.subf %mul3A_25, %dot_general3A_24 : vector<1024x16xf32>
    %reduce_sum3A = arith.constant dense<0.000000e+00> : vector<1024xf32>
    %reduce_sum3A_26 = vector.multi_reduction <add>, %sub3A, %reduce_sum3A [1] : vector<1024x16xf32> to vector<1024xf32>
    %broadcast_in_dim3A_27 = vector.shape_cast %reduce_sum3A_26 : vector<1024xf32> to vector<1024x1xf32>
    %mul3A_28 = arith.constant 5.000000e-01 : f32
    %mul3A_29 = vector.broadcast %mul3A_28 : f32 to vector<1024x1xf32>
    %mul3A_30 = arith.mulf %mul3A_29, %broadcast_in_dim3A_27 : vector<1024x1xf32>
    %get3A_31 = arith.constant 0 : index
    %get3A_32 = arith.constant 0 : index
    %get3A_33 = vector.load %arg2[%get3A_31, %get3A_32] : memref<1024x26xf32, #tpu.memory_space<vmem>>, vector<1024x26xf32>
    %reduce_sum3A_34 = arith.constant dense<0.000000e+00> : vector<1024xf32>
    %reduce_sum3A_35 = vector.multi_reduction <add>, %get3A_33, %reduce_sum3A_34 [1] : vector<1024x26xf32> to vector<1024xf32>
    %broadcast_in_dim3A_36 = vector.shape_cast %reduce_sum3A_35 : vector<1024xf32> to vector<1024x1xf32>
    %get3A_37 = arith.constant 0 : index
    %get3A_38 = arith.constant 0 : index
    %get3A_39 = memref.load %arg9[%get3A_37, %get3A_38] : memref<1x1xf32, #tpu.memory_space<smem>>
    %mul3A_40 = vector.broadcast %get3A_39 : f32 to vector<1024x1xf32>
    %mul3A_41 = arith.mulf %broadcast_in_dim3A_36, %mul3A_40 : vector<1024x1xf32>
    %get3A_42 = arith.constant 0 : index
    %get3A_43 = arith.constant 0 : index
    %get3A_44 = memref.load %arg10[%get3A_42, %get3A_43] : memref<1x1xf32, #tpu.memory_space<smem>>
    %add3A_45 = vector.broadcast %get3A_44 : f32 to vector<1024x1xf32>
    %add3A_46 = arith.addf %mul3A_41, %add3A_45 : vector<1024x1xf32>
    %get3A_47 = arith.constant 0 : index
    %get3A_48 = arith.constant 0 : index
    %get3A_49 = vector.load %arg3[%get3A_47, %get3A_48] : memref<400x416xf32, #tpu.memory_space<vmem>>, vector<400x416xf32>
    %dot_general3A_50 = arith.constant dense<0.000000e+00> : vector<1024x400xf32>
    %dot_general3A_51 = tpu.matmul %convert_element_type3A, %get3A_49, %dot_general3A_50 {dimension_numbers = #tpu.dot_dimension_numbers<[1], [1], [0], [0], [0, 0, 1, 0], [], []>, transpose_lhs_hint = false} : vector<1024x416xf32>, vector<400x416xf32>, vector<1024x400xf32> -> vector<1024x400xf32>
    %get3A_52 = arith.constant 0 : index
    %get3A_53 = arith.constant 0 : index
    %get3A_54 = vector.load %arg4[%get3A_52, %get3A_53] : memref<1x400xf32, #tpu.memory_space<vmem>>, vector<1x400xf32>
    %add3A_55 = vector.broadcast %get3A_54 : vector<1x400xf32> to vector<1024x400xf32>
    %add3A_56 = arith.addf %dot_general3A_51, %add3A_55 : vector<1024x400xf32>
    %max3A = arith.constant 0.000000e+00 : f32
    %max3A_57 = vector.broadcast %max3A : f32 to vector<1024x400xf32>
    %max3A_58 = arith.maximumf %add3A_56, %max3A_57 : vector<1024x400xf32>
    %get3A_59 = arith.constant 0 : index
    %get3A_60 = arith.constant 0 : index
    %get3A_61 = vector.load %arg5[%get3A_59, %get3A_60] : memref<400x400xf32, #tpu.memory_space<vmem>>, vector<400x400xf32>
    %dot_general3A_62 = arith.constant dense<0.000000e+00> : vector<1024x400xf32>
    %dot_general3A_63 = tpu.matmul %max3A_58, %get3A_61, %dot_general3A_62 {dimension_numbers = #tpu.dot_dimension_numbers<[1], [1], [0], [0], [0, 0, 1, 0], [], []>, transpose_lhs_hint = false} : vector<1024x400xf32>, vector<400x400xf32>, vector<1024x400xf32> -> vector<1024x400xf32>
    %get3A_64 = arith.constant 0 : index
    %get3A_65 = arith.constant 0 : index
    %get3A_66 = vector.load %arg6[%get3A_64, %get3A_65] : memref<1x400xf32, #tpu.memory_space<vmem>>, vector<1x400xf32>
    %add3A_67 = vector.broadcast %get3A_66 : vector<1x400xf32> to vector<1024x400xf32>
    %add3A_68 = arith.addf %dot_general3A_63, %add3A_67 : vector<1024x400xf32>
    %max3A_69 = arith.constant 0.000000e+00 : f32
    %max3A_70 = vector.broadcast %max3A_69 : f32 to vector<1024x400xf32>
    %max3A_71 = arith.maximumf %add3A_68, %max3A_70 : vector<1024x400xf32>
    %get3A_72 = arith.constant 0 : index
    %get3A_73 = arith.constant 0 : index
    %get3A_74 = vector.load %arg7[%get3A_72, %get3A_73] : memref<1x400xf32, #tpu.memory_space<vmem>>, vector<1x400xf32>
    %mul3A_75 = vector.broadcast %get3A_74 : vector<1x400xf32> to vector<1024x400xf32>
    %mul3A_76 = arith.mulf %max3A_71, %mul3A_75 : vector<1024x400xf32>
    %reduce_sum3A_77 = arith.constant dense<0.000000e+00> : vector<1024xf32>
    %reduce_sum3A_78 = vector.multi_reduction <add>, %mul3A_76, %reduce_sum3A_77 [1] : vector<1024x400xf32> to vector<1024xf32>
    %broadcast_in_dim3A_79 = vector.shape_cast %reduce_sum3A_78 : vector<1024xf32> to vector<1024x1xf32>
    %get3A_80 = arith.constant 0 : index
    %get3A_81 = arith.constant 0 : index
    %get3A_82 = memref.load %arg8[%get3A_80, %get3A_81] : memref<1x1xf32, #tpu.memory_space<smem>>
    %add3A_83 = vector.broadcast %get3A_82 : f32 to vector<1024x1xf32>
    %add3A_84 = arith.addf %broadcast_in_dim3A_79, %add3A_83 : vector<1024x1xf32>
    %add3A_85 = arith.addf %add3A_46, %mul3A_30 : vector<1024x1xf32>
    %add3A_86 = arith.addf %add3A_85, %add3A_84 : vector<1024x1xf32>
    %swap3A = arith.constant 0 : index
    %swap3A_87 = arith.constant 0 : index
    %swap3A_88 = vector.load %arg11[%swap3A, %swap3A_87] : memref<1024x1xf32, #tpu.memory_space<vmem>>, vector<1024x1xf32>
    tpu.vector_store %arg11[%swap3A, %swap3A_87], %add3A_86 {strides = array<i32>} : memref<1024x1xf32, #tpu.memory_space<vmem>>, vector<1024x1xf32>,
    return
  }
  func.func @transform_0(%arg0: i32) -> (i32, i32) {
    %c0_i32 = arith.constant 0 : i32
    %c0_i32_0 = arith.constant 0 : i32
    return %arg0, %c0_i32 : i32, i32
  }
  func.func @transform_1(%arg0: i32) -> (i32, i32) {
    %c0_i32 = arith.constant 0 : i32
    %c0_i32_0 = arith.constant 0 : i32
    return %arg0, %c0_i32 : i32, i32
  }
  func.func @transform_2(%arg0: i32) -> (i32, i32) {
    %c0_i32 = arith.constant 0 : i32
    %c0_i32_0 = arith.constant 0 : i32
    %c0_i32_1 = arith.constant 0 : i32
    return %c0_i32, %c0_i32_0 : i32, i32
  }
  func.func @transform_3(%arg0: i32) -> (i32, i32) {
    %c0_i32 = arith.constant 0 : i32
    %c0_i32_0 = arith.constant 0 : i32
    %c0_i32_1 = arith.constant 0 : i32
    return %c0_i32, %c0_i32_0 : i32, i32
  }
  func.func @transform_4(%arg0: i32) -> (i32, i32) {
    %c0_i32 = arith.constant 0 : i32
    %c0_i32_0 = arith.constant 0 : i32
    %c0_i32_1 = arith.constant 0 : i32
    return %c0_i32, %c0_i32_0 : i32, i32
  }
  func.func @transform_5(%arg0: i32) -> (i32, i32) {
    %c0_i32 = arith.constant 0 : i32
    %c0_i32_0 = arith.constant 0 : i32
    %c0_i32_1 = arith.constant 0 : i32
    return %c0_i32, %c0_i32_0 : i32, i32
  }
  func.func @transform_6(%arg0: i32) -> (i32, i32) {
    %c0_i32 = arith.constant 0 : i32
    %c0_i32_0 = arith.constant 0 : i32
    %c0_i32_1 = arith.constant 0 : i32
    return %c0_i32, %c0_i32_0 : i32, i32
  }
  func.func @transform_7(%arg0: i32) -> (i32, i32) {
    %c0_i32 = arith.constant 0 : i32
    %c0_i32_0 = arith.constant 0 : i32
    %c0_i32_1 = arith.constant 0 : i32
    return %c0_i32, %c0_i32_0 : i32, i32
  }
  func.func @transform_8(%arg0: i32) -> (i32, i32) {
    %c0_i32 = arith.constant 0 : i32
    %c0_i32_0 = arith.constant 0 : i32
    %c0_i32_1 = arith.constant 0 : i32
    return %c0_i32, %c0_i32_0 : i32, i32
  }
  func.func @transform_9(%arg0: i32) -> (i32, i32) {
    %c0_i32 = arith.constant 0 : i32
    %c0_i32_0 = arith.constant 0 : i32
    %c0_i32_1 = arith.constant 0 : i32
    return %c0_i32, %c0_i32_0 : i32, i32
  }
  func.func @transform_10(%arg0: i32) -> (i32, i32) {
    %c0_i32 = arith.constant 0 : i32
    %c0_i32_0 = arith.constant 0 : i32
    return %arg0, %c0_i32 : i32, i32
  }
}

</mosaic_0001>

<sc_bundles>
// kernel: kernel.10.cloned.1.call-start
scs
__scs_entry_jumppad:
0x0: {  	(pc) =	sbr.rel $0x88, $3  }
0x1: {  	(tag) =	ssettag $0x0;
	lr =	simm.s32 $0x1  }
0x2: {  	[smem:$0x3F96] =	sst lr;
	_ =	strace $0xD0000000  }
0x3: {  	_ = 	snop  }
0x4: {  	_ = 	snop  }
0x5: {  	_ = 	snop  }
0x6: {  	_ = 	snop  }
0x7: {  	_ = 	snop  }
__scs_overlays_trampoline_lowered:
0x8: {  	[smem:$0x3FA5] =	sst s0  }
0x9: {  	[smem:$0x3FA6] =	sst s1  }
0xa: {  	[smem:$0x3FA7] =	sst s2  }
0xb: {  	[smem:$0x3FA8] =	sst s3  }
0xc: {  	[smem:$0x3FA9] =	sst s4  }
0xd: {  	[smem:$0x3FAA] =	sst s5  }
0xe: {  	[smem:$0x3FAB] =	sst s6  }
0xf: {  	[smem:$0x3FAC] =	sst s7  }
0x10: {  	[smem:$0x3FAD] =	sst s8  }
0x11: {  	[smem:$0x3FAE] =	sst s9;
	s0 =	simm.s32 @!p0 $0x0  }
0x12: {  	s1 =	sld [smem:$0x3F94];
	s0 =	simm.s32 @p0 $0x1  }
0x13: {  	[smem:$0x3FAF] =	sst s0;
	s0 =	simm.s32 @!p1 $0x0  }
0x14: {  	s2 =	sld [smem:$0x3F93];
	s0 =	simm.s32 @p1 $0x1  }
0x15: {  	[smem:$0x3FB0] =	sst s0;
	s0 =	simm.s32 @!p2 $0x0  }
0x16: {  	s3 =	sld [smem:$0x3FDB];
	s0 =	simm.s32 @p2 $0x1  }
0x17: {  	s4 =	simm.s32 $0x1BF5;
	[smem:$0x3FB2] =	sst s0  }
0x18: {  	s0 =	sld [smem:$0x3F95];
	_ =	swait.ge [sflag:s4], $0x0  }
0x19: {  	s7 =	sld [smem:$0x3F96]  }
0x1a: {  	s8 =	sadd.s32 $0xFFFFE003, lr  }
0x1b: {  	s9 =	sadd.s32 $0xFFFFFEF7, lr;
	s5 =	simm.s32 $0xFFFFFFFF;
	p2 =	slt.u32 s8, $0xFFFFF086  }
0x1c: {  	p1 =	slt.u32 s9, $0xF7A;
	s5 =	simm.s32 @!p2 $0x0  }
0x1d: {  	s5 =	simm.s32 @p1 $0x1;
	p0 =	seq.s32 s7, s2  }
0x1e: {  	s7 =	smul.u32 @!p0 $0xF7A, s2;
	p2 =	seq.s32 @!p0 s5, $0x0  }
0x1f: {  	s9 =	smul.u32 $0xF7A, s1;
	s8 =	simm.s32 @!p0 $0x1BF5;
	p2 =	por !p2, p0  }
0x20: {  	[sflag:s8] =	ssyncset.s32 @!p0 $0xFFFFF086;
	s6 =	sadd.s32 @!p0 s3, s7;
	s7 =	simm.s32 @!p0 $0x108  }
0x21: {  	s3 =	sadd.s32 s3, s9;
	s6 =	sadd.s32 @!p0 $0x88, s6;
	s7 =	simm.s32 @p2 $0x1082  }
0x22: {  	[simem:s7], [sflag:s8] =	dma.local @!p0 [hbm:s6], $0xF7A  }
0x23: {  	s9 =	sor.u32 $0xD0000000, s2;
	s6 =	simm.s32 $0x108;
	_ =	swait.ge @!p0 [sflag:s8], $0x0  }
0x24: {  	s3 =	sadd.s32 $0x88, s3;
	s6 =	simm.s32 @!p1 $0x1082;
	[sflag:s4] =	ssyncset.s32 $0xFFFFF086  }
0x25: {  	[simem:s6], [sflag:s4] =	dma.local [hbm:s3], $0xF7A  }
0x26: {  	[smem:$0x3F96] =	sst s1;
	(tag) =	ssettag s2;
	_ =	strace s9  }
0x27: {  	s1 =	sld [smem:$0x3FA6]  }
0x28: {  	s2 =	sld [smem:$0x3FA7]  }
0x29: {  	s4 =	sld [smem:$0x3FA9]  }
0x2a: {  	p0 =	seq.s32 s5, $0x0;
	s5 =	sld [smem:$0x3FAA]  }
0x2b: {  	s6 =	sld [smem:$0x3FAB]  }
0x2c: {  	s7 =	sld [smem:$0x3FAC]  }
0x2d: {  	s3 =	simm.s32 $0x108;
	s8 =	sld [smem:$0x3FAD]  }
0x2e: {  	s3 =	simm.s32 @!p0 $0x1082;
	s9 =	sld [smem:$0x3FAE]  }
0x2f: {  	lr =	sadd.s32 s0, s3;
	s0 =	sld [smem:$0x3FA5]  }
0x30: {  	s3 =	sld [smem:$0x3FA8]  }
0x31: {  	[smem:$0x3FB1] =	sst s10  }
0x32: {  	s10 =	sld [smem:$0x3FAF];
	_ =	sdelay $0x3  }
0x33: {  	p0 =	seq.s32 s10, $0x1;
	s10 =	sld [smem:$0x3FB1];
	_ =	sdelay $0x3  }
0x34: {  	[smem:$0x3FB1] =	sst s10  }
0x35: {  	s10 =	sld [smem:$0x3FB0];
	_ =	sdelay $0x3  }
0x36: {  	p1 =	seq.s32 s10, $0x1;
	s10 =	sld [smem:$0x3FB1];
	_ =	sdelay $0x3  }
0x37: {  	[smem:$0x3FB1] =	sst s10  }
0x38: {  	s10 =	sld [smem:$0x3FB2]  }
0x39: {  	_ = 	snop;
	(pc) =	sbr.ind lr, $3  }
0x3a: {  	_ = 	snop  }
0x3b: {  	_ = 	snop  }
0x3c: {  	p2 =	seq.s32 s10, $0x1;
	s10 =	sld [smem:$0x3FB1]  }
0x3d: {  	_ =	shalt  }
0x3e: {  	_ =	shalt  }
0x3f: {  	_ =	shalt  }
0x40: {  	_ =	shalt  }
0x41: {  	_ =	shalt  }
0x42: {  	_ =	shalt  }
0x43: {  	_ =	shalt  }
0x44: {  	_ =	shalt  }
0x45: {  	_ =	shalt  }
0x46: {  	_ =	shalt  }
0x47: {  	_ =	shalt  }
0x48: {  	_ =	shalt  }
0x49: {  	_ =	shalt  }
0x4a: {  	_ =	shalt  }
0x4b: {  	_ =	shalt  }
0x4c: {  	_ =	shalt  }
0x4d: {  	_ =	shalt  }
0x4e: {  	_ =	shalt  }
0x4f: {  	_ =	shalt  }
0x50: {  	_ =	shalt  }
0x51: {  	_ =	shalt  }
0x52: {  	_ =	shalt  }
0x53: {  	_ =	shalt  }
0x54: {  	_ =	shalt  }
0x55: {  	_ =	shalt  }
0x56: {  	_ =	shalt  }
0x57: {  	_ =	shalt  }
0x58: {  	_ =	shalt  }
0x59: {  	_ =	shalt  }
0x5a: {  	_ =	shalt  }
0x5b: {  	_ =	shalt  }
0x5c: {  	_ =	shalt  }
0x5d: {  	_ =	shalt  }
0x5e: {  	_ =	shalt  }
0x5f: {  	_ =	shalt  }
0x60: {  	_ =	shalt  }
0x61: {  	_ =	shalt  }
0x62: {  	_ =	shalt  }
0x63: {  	_ =	shalt  }
0x64: {  	_ =	shalt  }
0x65: {  	_ =	shalt  }
0x66: {  	_ =	shalt  }
0x67: {  	_ =	shalt  }
0x68: {  	_ =	shalt  }
0x69: {  	_ =	shalt  }
0x6a: {  	_ =	shalt  }
0x6b: {  	_ =	shalt  }
0x6c: {  	_ =	shalt  }
0x6d: {  	_ =	shalt  }
0x6e: {  	_ =	shalt  }
0x6f: {  	_ =	shalt  }
0x70: {  	_ =	shalt  }
0x71: {  	_ =	shalt  }
0x72: {  	_ =	shalt  }
0x73: {  	_ =	shalt  }
0x74: {  	_ =	shalt  }
0x75: {  	_ =	shalt  }
0x76: {  	_ =	shalt  }
0x77: {  	_ =	shalt  }
0x78: {  	_ =	shalt  }
0x79: {  	_ =	shalt  }
0x7a: {  	_ =	shalt  }
0x7b: {  	_ =	shalt  }
0x7c: {  	_ =	shalt  }
0x7d: {  	_ =	shalt  }
0x7e: {  	_ =	shalt  }
0x7f: {  	_ =	shalt  }
0x80: {  	_ =	shalt  }
0x81: {  	_ =	shalt  }
0x82: {  	_ =	shalt  }
0x83: {  	_ =	shalt  }
0x84: {  	_ =	shalt  }
0x85: {  	_ =	shalt  }
0x86: {  	_ =	shalt  }
0x87: {  	_ =	shalt  }
.Lfunc_end0:
.L_simem_size_0:
called_computation_lowered:
.L_overlay_start_0:
0x88: {  	s2 =	sld [smem:$0x3FD9]  }
0x89: {  	s3 =	sld [smem:$0x3FFE];
	_ =	sdelay $0x1  }
0x8a: {  	s1 =	srdreg.scid  }
0x8b: {  	s0 =	sand.u32 $0x1, s1  }
0x8c: {  	s17 =	sshll.u32 s0, $0xA;
	s2 =	sadd.s32 s3, s2  }
0x8d: {  	s2 =	sadd.s32 s2, s17  }
0x8e: {  	[smem:$0x3FBD] =	sst s2  }
0x8f: {  	_ = 	snop  }
0x90: {  	(tm) =	ssettm $0x1  }
0x91: {  	s18 =	sld [smem:$0x3FFB];
	_ =	sdelay $0x3  }
0x92: {  	_ =	strace s18  }
0x93: {  	s2 =	sld [smem:$0x3FFC];
	_ =	sdelay $0x3  }
0x94: {  	_ =	strace s2  }
0x95: {  	s2 =	sld [smem:$0x3FFD];
	_ =	sdelay $0x3  }
0x96: {  	_ =	strace s2  }
0x97: {  	_ =	strace $0x8FFFFFFF  }
0x98: {  	s19 =	sld [smem:$0x3FDB];
	_ =	sdelay $0x1  }
0x99: {  	s20 =	simm.s32 $_scs_section_size  }
0x9a: {  	s4 =	simm.s32 $_size__tile_overlayer_lowered;
	s5 =	simm.s32 $_tile_overlayer_lowered  }
0x9b: {  	s6 =	simm.s32 $0x1BFF;
	s21 =	sshll.u32 s5, $0x1;
	s3 =	sadd.s32 s20, s19  }
0x9c: {  	s22 =	simm.s32 $0x0;
	s4 =	sshll.u32 s4, $0x1;
	s5 =	sadd.s32 s21, s3  }
0x9d: {  	[timem:s22], [sflag:s6] =	dma.local [hbm:s5], s4  }
0x9e: {  	_ =	swait.ge [sflag:s6], s4  }
0x9f: {  	s4 =	ssub.s32 $0x0, s4;
	[sflag:s6] =	ssyncset.done $0x0  }
0xa0: {  	[sflag:s6] =	ssyncadd.s32 s4;
	_ =	sdelay $0x1  }
0xa1: {  	s23 =	simm.s32 $0x1B8B  }
0xa2: {  	_ =	swait.ge [sflag:s23], $0x1  }
0xa3: {  	[sflag:s23] =	ssyncset.done $0x0  }
0xa4: {  	[sflag:s23] =	ssyncadd.s32 $0xFFFFFFFF  }
0xa5: {  	s4 =	sld [smem:$0x0]  }
0xa6: {  	s5 =	sand.u32 $0xFFFFFFFE, s1  }
0xa7: {  	p0 =	sne.s32 s1, s5  }
0xa8: {  	s5 =	sshll.u32 @p0 s5, $0xE  }
0xa9: {  	s5 =	sadd.s32 @p0 $0x11B8D, s5;
	s6 =	sshll.u32 @p0 s4, $0x11  }
0xaa: {  	s5 =	sor.u32 @p0 s6, s5  }
0xab: {  	[sflag:s5] =	ssyncadd.remote.s32 @p0 $0x1;
	_ =	sdelay $0x1  }
0xac: {  	s5 =	simm.s32 @p0 $0x1B8D  }
0xad: {  	_ =	swait.eq @p0 [sflag:s5], $0x1  }
0xae: {  	[sflag:s5] =	ssyncadd.s32 @p0 $0xFFFFFFFF  }
0xaf: {  	s6 =	sshll.u32 @!p0 s1, $0xE  }
0xb0: {  	s6 =	sor.u32 @!p0 $0x4000, s6;
	s5 =	simm.s32 @!p0 $0x1B8D  }
0xb1: {  	s4 =	sshll.u32 @!p0 s4, $0x11;
	s6 =	sadd.s32 @!p0 $0x11B8D, s6;
	_ =	swait.eq @!p0 [sflag:s5], $0x1  }
0xb2: {  	s4 =	sor.u32 @!p0 s4, s6;
	[sflag:s5] =	ssyncadd.s32 @!p0 $0xFFFFFFFF  }
0xb3: {  	s25 =	simm.s32 $0x1B8E;
	s24 =	sld [smem:$0x3FFE];
	[sflag:s4] =	ssyncadd.remote.s32 @!p0 $0x1  }
0xb4: {  	s26 =	simm.s32 $execute0_lowered;
	[smem:$0x3FD2] =	sst s25  }
0xb5: {  	s5 =	sshll.u32 s26, $0x1;
	_ =	strace $0x8000004F;
	[dreg:$0x1] =	wrdreg $0xFFFFFFFF  }
0xb6: {  	s28 =	simm.s32 $_size_execute0_lowered;
	s3 =	sadd.s32 s3, s5;
	[dreg:$0x0] =	wrdreg $0x0  }
0xb7: {  	s5 =	sshll.u32 s28, $0x1;
	[dreg:$0x2] =	wrdreg s3  }
0xb8: {  	[dreg:$0x3] =	wrdreg s5  }
0xb9: {  	[dreg:$0x4] =	wrdreg $0xC0  }
0xba: {  	_ =	task [dreg:s22], $0x5FFFF  }
0xbb: {  	[dreg:$0x1] =	wrdreg $0xFFFFFFFF  }
0xbc: {  	[dreg:$0x0] =	wrdreg $0x60  }
0xbd: {  	[dreg:$0x2] =	wrdreg s24  }
0xbe: {  	[dreg:$0x3] =	wrdreg $0x9  }
0xbf: {  	_ =	task.clear_ibuf [dreg:s22], $0x4FFFF;
	_ =	strace $0x9000004F  }
0xc0: {  	s29 =	simm.s32 $0x9;
	_ =	strace $0x80000051  }
0xc1: {  	_ =	swait.ge [sflag:s29], $0x1  }
0xc2: {  	[sflag:s29] =	ssyncadd.s32 $0xFFFFFFFF  }
0xc3: {  	_ =	strace $0x90000051  }
0xc4: {  	_ =	sfence  }
0xc5: {  	s30 =	sld [smem:$0x0];
	_ =	sdelay $0x2  }
0xc6: {  	s31 =	sshll.u32 s1, $0xD;
	s1 =	sshrl.u32 s1, $0x2  }
0xc7: {  	s4 =	sand.u32 $0x4000, s31;
	s1 =	sadd.s32 s1, s30  }
0xc8: {  	s0 =	sor.u32 s4, s0;
	s1 =	sshll.u32 s1, $0x11  }
0xc9: {  	s0 =	sor.u32 s1, s0  }
0xca: {  	s0 =	sadd.s32 $0x8F2B, s0  }
0xcb: {  	[sflag:s0] =	ssyncadd.remote.s32 $0x1  }
0xcc: {  	_ =	sfence.sel $0xFFFF  }
0xcd: {  	[dreg:$0x0] =	wrdreg $0xFFFFFFFF;
	(pc) =	sbr.abs _section_cstart, $3  }
0xce: {  	[dreg:$0x1] =	wrdreg $0xFFFFFFFF  }
0xcf: {  	_ =	task.clear_ibuf [dreg:s22], $0x2FFFF;
	_ =	strace $0x9FFFFFFF  }
0xd0: {  	(tm) =	ssettm $0x7FFFFFFF  }
0xd1: {  	_ =	shalt  }
tec
execute0_lowered:
.L_overlay_start_1:
0x0: {  	(tag) =	ssettag $0x1  }
0x1: {  	s1 =	srdreg.scid;
	s0 =	stileid.u32  }
0x2: {  	s5 =	rddreg [dreg:$0x0];
	s2 =	simm.s32 $0x0;
	s17 =	simm.s32 $0x80  }
0x3: {  	s18 =	simm.s32 $0x1100;
	s19 =	simm.s32 $0x1580;
	s20 =	simm.s32 $0x1  }
0x4: {  	s21 =	simm.s32 $0x3;
	s22 =	simm.s32 $0x2;
	s23 =	simm.s32 $0x4  }
0x5: {  	s6 =	sand.u32 $0x1, s1;
	s24 =	sshll.u32 s0, $0x1;
	[smem:$0x7FF] =	sst s2  }
0x6: {  	s4 =	sadd.s32 $0xDE00, s5;
	s11 =	sadd.s32 $0xB8400, s5;
	s26 =	smul.u32 $0x1A00, s0  }
0x7: {  	s13 =	sadd.s32 $0xD2400, s5;
	s7 =	sor.u32 s6, s24;
	s29 =	smul.u32 $0xD00, s6  }
0x8: {  	_ =	strace $0x80000050;
	s9 =	ssub.s32 $0x2, s6;
	s3 =	smul.u32 $0x1A0, s7  }
0x9: {  	s24 =	simm.s32 $0xC80;
	s10 =	sshrl.u32 s9, $0x1;
	s12 =	smul.u32 $0xD00, s7  }
0xa: {  	s25 =	ssub.s32 s9, s10;
	s14 =	sadd.s32 s29, s26;
	s8 =	sadd.s32 s3, s5  }
0xb: {  	s3 =	sadd.s32 $0x27F000, s5;
	s28 =	sadd.s32 $0xC00, s12;
	s6 =	smax.u32 s25, $0x1  }
0xc: {  	s12 =	sadd.s32 $0xC80, s12;
	s31 =	sor.u32 $0x80, s14;
	s15 =	sshrl.u32 s14, $0x3  }
0xd: {  	s25 =	simm.s32 $0x0;
	s5 =	sadd.s32 $0xB5000, s8;
	s7 =	sadd.s32 s11, s28  }
0xe: {  	s8 =	sshrl.u32 s28, $0x3;
	s9 =	sadd.s32 s11, s12;
	s30 =	sshrl.u32 s12, $0x3  }
0xf: {  	s16 =	sshrl.u32 s31, $0x3;
	s11 =	sadd.s32 s11, s14;
	s12 =	sadd.s32 s15, s13  }
0x10: {  	s14 =	simm.s32 $0x5;
	s15 =	simm.s32 $0xD00;
	s8 =	sadd.s32 s13, s8  }
0x11: {  	s10 =	sadd.s32 s13, s30;
	s13 =	sadd.s32 s16, s13;
	s16 =	simm.s32 $0x1500  }
.LBB2_1:
0x12: {  	[tilespmem:s2], [sflag:$0x5] =	stream.linear.gather [hbm4b:s5+s2], $0xD00, $0x38;
	[tilespmem:$0x1600] =	vst v63  }
0x13: {  	_ =	swait.ge [sflag:s14], $0xD00  }
0x14: {  	[sflag:s14] =	ssyncset.done $0x0  }
0x15: {  	[sflag:s14] =	ssyncadd.s32 $0xFFFFF300  }
0x16: {  	[tilespmem:s15], [sflag:$0x1] =	stream.indirect.gather [hbm4b:s3+s17], $0x8, s2, s17, $0xb8;
	[tilespmem:$0x1600] =	vst v63  }
0x17: {  	_ = 	snop  }
0x18: {  	[tilespmem:s16], [sflag:$0x3] =	stream.indirect.gather [hbm4b:s4+s17], $0x1, s2, s17, $0xb8;
	[tilespmem:$0x1600] =	vst v63  }
0x19: {  	_ = 	snop  }
0x1a: {  	[tilespmem:s18], [sflag:$0x2] =	stream.indirect.gather [hbm4b:s3+s17], $0x8, s17, s17, $0xb8;
	[tilespmem:$0x1600] =	vst v63  }
0x1b: {  	_ = 	snop  }
0x1c: {  	[tilespmem:s19], [sflag:$0x4] =	stream.indirect.gather [hbm4b:s4+s17], $0x1, s17, s17, $0xb8;
	[tilespmem:$0x1600] =	vst v63  }
0x1d: {  	_ =	swait.ge [sflag:s20], $0x400  }
0x1e: {  	[sflag:s20] =	ssyncset.done $0x0  }
0x1f: {  	[sflag:s20] =	ssyncadd.s32 $0xFFFFFC00  }
0x20: {  	_ =	swait.ge [sflag:s21], $0x80  }
0x21: {  	[sflag:s21] =	ssyncset.done $0x0  }
0x22: {  	s26 =	sadd.s32 $0x0, s11;
	[sflag:s21] =	ssyncadd.s32 $0xFFFFFF80  }
0x23: {  	[hbm4b:s26+s2] =	stream.linear.scatter [tilespmem:s15], [sflag:$0x5], $0x400, $0x38;
	[tilespmem:$0x1600] =	vst v63  }
0x24: {  	_ =	swait.ge [sflag:s14], $0x400  }
0x25: {  	[sflag:s14] =	ssyncset.done $0x0  }
0x26: {  	[sflag:s14] =	ssyncadd.s32 $0xFFFFFC00  }
0x27: {  	[hbm4b:s12+s2] =	stream.linear.scatter [tilespmem:s16], [sflag:$0x5], $0x80, $0x38;
	[tilespmem:$0x1600] =	vst v63  }
0x28: {  	_ =	swait.ge [sflag:s14], $0x80  }
0x29: {  	[sflag:s14] =	ssyncset.done $0x0  }
0x2a: {  	s28 =	simm.s32 $0x100;
	[sflag:s14] =	ssyncadd.s32 $0xFFFFFF80  }
0x2b: {  	[tilespmem:s15], [sflag:$0x1] =	stream.indirect.gather [hbm4b:s3+s17], $0x8, s28, s17, $0xb8;
	[tilespmem:$0x1600] =	vst v63  }
0x2c: {  	_ = 	snop  }
0x2d: {  	[tilespmem:s16], [sflag:$0x3] =	stream.indirect.gather [hbm4b:s4+s17], $0x1, s28, s17, $0xb8;
	[tilespmem:$0x1600] =	vst v63  }
0x2e: {  	_ =	swait.ge [sflag:s22], $0x400  }
0x2f: {  	[sflag:s22] =	ssyncset.done $0x0  }
0x30: {  	[sflag:s22] =	ssyncadd.s32 $0xFFFFFC00  }
0x31: {  	_ =	swait.ge [sflag:s23], $0x80  }
0x32: {  	[sflag:s23] =	ssyncset.done $0x0  }
0x33: {  	s26 =	sadd.s32 $0x80, s26;
	[sflag:s23] =	ssyncadd.s32 $0xFFFFFF80  }
0x34: {  	[hbm4b:s26+s2] =	stream.linear.scatter [tilespmem:s18], [sflag:$0x5], $0x400, $0x38;
	[tilespmem:$0x1600] =	vst v63  }
0x35: {  	_ =	swait.ge [sflag:s14], $0x400  }
0x36: {  	[sflag:s14] =	ssyncset.done $0x0  }
0x37: {  	[sflag:s14] =	ssyncadd.s32 $0xFFFFFC00  }
0x38: {  	[hbm4b:s13+s2] =	stream.linear.scatter [tilespmem:s19], [sflag:$0x5], $0x80, $0x38;
	[tilespmem:$0x1600] =	vst v63  }
0x39: {  	s29 =	smov.u32 s12;
	s30 =	simm.s32 $0x80;
	_ =	swait.ge [sflag:s14], $0x80  }
0x3a: {  	s28 =	sadd.s32 $0x20, s13;
	s26 =	simm.s32 $0x100;
	[sflag:s14] =	ssyncset.done $0x0  }
.LBB2_2:
0x3b: {  	[sflag:s14] =	ssyncadd.s32 $0xFFFFFF80;
	s29 =	sadd.s32 $0x20, s29;
	s30 =	sadd.s32 $0x100, s30  }
0x3c: {  	[tilespmem:s18], [sflag:$0x2] =	stream.indirect.gather [hbm4b:s3+s17], $0x8, s30, s17, $0xb8;
	[tilespmem:$0x1600] =	vst v63  }
0x3d: {  	p0 =	sne.s32 s26, $0xB00;
	s31 =	smov.u32 s26;
	s26 =	sadd.s32 $0x100, s26  }
0x3e: {  	[tilespmem:s19], [sflag:$0x4] =	stream.indirect.gather [hbm4b:s4+s17], $0x1, s30, s17, $0xb8;
	[tilespmem:$0x1600] =	vst v63  }
0x3f: {  	_ =	swait.ge [sflag:s20], $0x400  }
0x40: {  	[sflag:s20] =	ssyncset.done $0x0  }
0x41: {  	[sflag:s20] =	ssyncadd.s32 $0xFFFFFC00  }
0x42: {  	_ =	swait.ge [sflag:s21], $0x80  }
0x43: {  	[sflag:s21] =	ssyncset.done $0x0  }
0x44: {  	s31 =	sadd.s32 s31, s11;
	[sflag:s21] =	ssyncadd.s32 $0xFFFFFF80  }
0x45: {  	[hbm4b:s31+s2] =	stream.linear.scatter [tilespmem:s15], [sflag:$0x5], $0x400, $0x38;
	[tilespmem:$0x1600] =	vst v63  }
0x46: {  	_ =	swait.ge [sflag:s14], $0x400  }
0x47: {  	[sflag:s14] =	ssyncset.done $0x0  }
0x48: {  	[sflag:s14] =	ssyncadd.s32 $0xFFFFFC00  }
0x49: {  	[hbm4b:s29+s2] =	stream.linear.scatter [tilespmem:s16], [sflag:$0x5], $0x80, $0x38;
	[tilespmem:$0x1600] =	vst v63  }
0x4a: {  	_ =	swait.ge [sflag:s14], $0x80  }
0x4b: {  	[sflag:s14] =	ssyncset.done $0x0  }
0x4c: {  	s1 =	sadd.s32 $0x80, s30;
	[sflag:s14] =	ssyncadd.s32 $0xFFFFFF80  }
0x4d: {  	[tilespmem:s15], [sflag:$0x1] =	stream.indirect.gather [hbm4b:s3+s17], $0x8, s1, s17, $0xb8;
	[tilespmem:$0x1600] =	vst v63  }
0x4e: {  	_ = 	snop  }
0x4f: {  	[tilespmem:s16], [sflag:$0x3] =	stream.indirect.gather [hbm4b:s4+s17], $0x1, s1, s17, $0xb8;
	[tilespmem:$0x1600] =	vst v63  }
0x50: {  	_ =	swait.ge [sflag:s22], $0x400  }
0x51: {  	[sflag:s22] =	ssyncset.done $0x0  }
0x52: {  	[sflag:s22] =	ssyncadd.s32 $0xFFFFFC00  }
0x53: {  	_ =	swait.ge [sflag:s23], $0x80  }
0x54: {  	[sflag:s23] =	ssyncset.done $0x0  }
0x55: {  	s1 =	sadd.s32 $0x80, s31;
	[sflag:s23] =	ssyncadd.s32 $0xFFFFFF80  }
0x56: {  	[hbm4b:s1+s2] =	stream.linear.scatter [tilespmem:s18], [sflag:$0x5], $0x400, $0x38;
	[tilespmem:$0x1600] =	vst v63  }
0x57: {  	_ =	swait.ge [sflag:s14], $0x400  }
.Ltmp0:
0x58: {  	[sflag:s14] =	ssyncset.done $0x0;
	(pc) =	sbr.rel @p0 .LBB2_2-.Ltmp0, $4  }
0x59: {  	[sflag:s14] =	ssyncadd.s32 $0xFFFFFC00  }
0x5a: {  	[hbm4b:s28+s2] =	stream.linear.scatter [tilespmem:s19], [sflag:$0x5], $0x80, $0x38;
	[tilespmem:$0x1600] =	vst v63  }
0x5b: {  	_ =	swait.ge [sflag:s14], $0x80  }
0x5c: {  	s28 =	sadd.s32 $0x20, s28;
	[sflag:s14] =	ssyncset.done $0x0  }
0x5d: {  	[sflag:s14] =	ssyncadd.s32 $0xFFFFFF80  }
0x5e: {  	[tilespmem:s18], [sflag:$0x2] =	stream.indirect.gather [hbm4b:s3+s17], $0x8, s24, s17, $0xb8;
	[tilespmem:$0x1600] =	vst v63  }
0x5f: {  	_ = 	snop  }
0x60: {  	[tilespmem:s19], [sflag:$0x4] =	stream.indirect.gather [hbm4b:s4+s17], $0x1, s24, s17, $0xb8;
	[tilespmem:$0x1600] =	vst v63  }
0x61: {  	_ =	swait.ge [sflag:s20], $0x400  }
0x62: {  	[sflag:s20] =	ssyncset.done $0x0  }
0x63: {  	[sflag:s20] =	ssyncadd.s32 $0xFFFFFC00  }
0x64: {  	_ =	swait.ge [sflag:s21], $0x80  }
0x65: {  	[sflag:s21] =	ssyncset.done $0x0  }
0x66: {  	[sflag:s21] =	ssyncadd.s32 $0xFFFFFF80  }
0x67: {  	[hbm4b:s7+s2] =	stream.linear.scatter [tilespmem:s15], [sflag:$0x5], $0x400, $0x38;
	[tilespmem:$0x1600] =	vst v63  }
0x68: {  	_ =	swait.ge [sflag:s14], $0x400  }
0x69: {  	[sflag:s14] =	ssyncset.done $0x0  }
0x6a: {  	[sflag:s14] =	ssyncadd.s32 $0xFFFFFC00  }
0x6b: {  	[hbm4b:s8+s2] =	stream.linear.scatter [tilespmem:s16], [sflag:$0x5], $0x80, $0x38;
	[tilespmem:$0x1600] =	vst v63  }
0x6c: {  	_ =	swait.ge [sflag:s14], $0x80  }
0x6d: {  	[sflag:s14] =	ssyncset.done $0x0  }
0x6e: {  	[sflag:s14] =	ssyncadd.s32 $0xFFFFFF80  }
0x6f: {  	_ =	swait.ge [sflag:s22], $0x400  }
0x70: {  	[sflag:s22] =	ssyncset.done $0x0  }
0x71: {  	[sflag:s22] =	ssyncadd.s32 $0xFFFFFC00  }
0x72: {  	_ =	swait.ge [sflag:s23], $0x80  }
0x73: {  	[sflag:s23] =	ssyncset.done $0x0  }
0x74: {  	[sflag:s23] =	ssyncadd.s32 $0xFFFFFF80  }
0x75: {  	[hbm4b:s9+s2] =	stream.linear.scatter [tilespmem:s18], [sflag:$0x5], $0x400, $0x38;
	[tilespmem:$0x1600] =	vst v63  }
0x76: {  	s25 =	sadd.s32 $0x1, s25;
	_ =	swait.ge [sflag:s14], $0x400  }
0x77: {  	p0 =	sne.s32 s25, s6;
	[sflag:s14] =	ssyncset.done $0x0  }
.Ltmp1:
0x78: {  	[sflag:s14] =	ssyncadd.s32 $0xFFFFFC00;
	(pc) =	sbr.rel @p0 .LBB2_1-.Ltmp1, $4  }
0x79: {  	[hbm4b:s10+s2] =	stream.linear.scatter [tilespmem:s19], [sflag:$0x5], $0x80, $0x38;
	[tilespmem:$0x1600] =	vst v63  }
0x7a: {  	_ =	swait.ge [sflag:s14], $0x80  }
0x7b: {  	[sflag:s14] =	ssyncset.done $0x0  }
0x7c: {  	[sflag:s14] =	ssyncadd.s32 $0xFFFFFF80  }
0x7d: {  	_ =	sfence.sel $0x180000  }
0x7e: {  	[bflag:$0x0] =	sbarrier.arrive $0xFFFF  }
0x7f: {  	_ =	strace $0x90000050  }
0x80: {  	[bflag:$0x2] =	sbarrier.arrive $0xFFFF  }
0x81: {  	p0 =	sne.s32 s0, $0x0;
	s0 =	rddreg [dreg:$0x1]  }
0x82: {  	s0 =	sadd.s32 @!p0 $0x100000, s0  }
0x83: {  	[sflag:s0] =	ssyncadd.tile.s32 @!p0 $0x1;
	_ =	shalt  }
.Lfunc_end2:
_tile_overlayer_lowered:
.L_overlay_start_2:
0x84: {  	(tag) =	ssettag $0x2  }
0x85: {  	s0 =	rddreg [dreg:$0x0];
	s2 =	stileid.u32  }
0x86: {  	s1 =	rddreg [dreg:$0x1];
	p0 =	sne.s32 s2, $0x0  }
0x87: {  	s3 =	rddreg [dreg:$0x2];
	[bflag:$0x3] =	sbarrier.arrive $0xFFFF;
	s2 =	simm.s32 @!p0 $0x1C05  }
0x88: {  	[timem:s3], [sflag:s2] =	dma.local @!p0 [hbm:s0], s1  }
0x89: {  	s0 =	simm.s32 @!p0 $0x5  }
0x8a: {  	_ =	swait.ge @!p0 [sflag:s0], s1  }
0x8b: {  	s1 =	ssub.s32 @!p0 $0x0, s1;
	[sflag:s0] =	ssyncset.done @!p0 $0x0  }
0x8c: {  	[sflag:s0] =	ssyncadd.s32 @!p0 s1  }
0x8d: {  	[bflag:$0x3] =	sbarrier.arrive $0xFFFF  }
0x8e: {  	_ =	shalt  }

// kernel: kernel.13.cloned.1.call-start
scs
__scs_entry_jumppad:
0x0: {  	(pc) =	sbr.rel $0x88, $3  }
0x1: {  	(tag) =	ssettag $0x0;
	lr =	simm.s32 $0x1  }
0x2: {  	[smem:$0x3F96] =	sst lr;
	_ =	strace $0xD0000000  }
0x3: {  	_ = 	snop  }
0x4: {  	_ = 	snop  }
0x5: {  	_ = 	snop  }
0x6: {  	_ = 	snop  }
0x7: {  	_ = 	snop  }
__scs_overlays_trampoline_lowered:
0x8: {  	[smem:$0x3FA5] =	sst s0  }
0x9: {  	[smem:$0x3FA6] =	sst s1  }
0xa: {  	[smem:$0x3FA7] =	sst s2  }
0xb: {  	[smem:$0x3FA8] =	sst s3  }
0xc: {  	[smem:$0x3FA9] =	sst s4  }
0xd: {  	[smem:$0x3FAA] =	sst s5  }
0xe: {  	[smem:$0x3FAB] =	sst s6  }
0xf: {  	[smem:$0x3FAC] =	sst s7  }
0x10: {  	[smem:$0x3FAD] =	sst s8  }
0x11: {  	[smem:$0x3FAE] =	sst s9;
	s0 =	simm.s32 @!p0 $0x0  }
0x12: {  	s1 =	sld [smem:$0x3F94];
	s0 =	simm.s32 @p0 $0x1  }
0x13: {  	[smem:$0x3FAF] =	sst s0;
	s0 =	simm.s32 @!p1 $0x0  }
0x14: {  	s2 =	sld [smem:$0x3F93];
	s0 =	simm.s32 @p1 $0x1  }
0x15: {  	[smem:$0x3FB0] =	sst s0;
	s0 =	simm.s32 @!p2 $0x0  }
0x16: {  	s3 =	sld [smem:$0x3FDB];
	s0 =	simm.s32 @p2 $0x1  }
0x17: {  	s4 =	simm.s32 $0x1BF5;
	[smem:$0x3FB2] =	sst s0  }
0x18: {  	s0 =	sld [smem:$0x3F95];
	_ =	swait.ge [sflag:s4], $0x0  }
0x19: {  	s7 =	sld [smem:$0x3F96]  }
0x1a: {  	s8 =	sadd.s32 $0xFFFFE003, lr  }
0x1b: {  	s9 =	sadd.s32 $0xFFFFFEF7, lr;
	s5 =	simm.s32 $0xFFFFFFFF;
	p2 =	slt.u32 s8, $0xFFFFF086  }
0x1c: {  	p1 =	slt.u32 s9, $0xF7A;
	s5 =	simm.s32 @!p2 $0x0  }
0x1d: {  	s5 =	simm.s32 @p1 $0x1;
	p0 =	seq.s32 s7, s2  }
0x1e: {  	s7 =	smul.u32 @!p0 $0xF7A, s2;
	p2 =	seq.s32 @!p0 s5, $0x0  }
0x1f: {  	s9 =	smul.u32 $0xF7A, s1;
	s8 =	simm.s32 @!p0 $0x1BF5;
	p2 =	por !p2, p0  }
0x20: {  	[sflag:s8] =	ssyncset.s32 @!p0 $0xFFFFF086;
	s6 =	sadd.s32 @!p0 s3, s7;
	s7 =	simm.s32 @!p0 $0x108  }
0x21: {  	s3 =	sadd.s32 s3, s9;
	s6 =	sadd.s32 @!p0 $0x88, s6;
	s7 =	simm.s32 @p2 $0x1082  }
0x22: {  	[simem:s7], [sflag:s8] =	dma.local @!p0 [hbm:s6], $0xF7A  }
0x23: {  	s9 =	sor.u32 $0xD0000000, s2;
	s6 =	simm.s32 $0x108;
	_ =	swait.ge @!p0 [sflag:s8], $0x0  }
0x24: {  	s3 =	sadd.s32 $0x88, s3;
	s6 =	simm.s32 @!p1 $0x1082;
	[sflag:s4] =	ssyncset.s32 $0xFFFFF086  }
0x25: {  	[simem:s6], [sflag:s4] =	dma.local [hbm:s3], $0xF7A  }
0x26: {  	[smem:$0x3F96] =	sst s1;
	(tag) =	ssettag s2;
	_ =	strace s9  }
0x27: {  	s1 =	sld [smem:$0x3FA6]  }
0x28: {  	s2 =	sld [smem:$0x3FA7]  }
0x29: {  	s4 =	sld [smem:$0x3FA9]  }
0x2a: {  	p0 =	seq.s32 s5, $0x0;
	s5 =	sld [smem:$0x3FAA]  }
0x2b: {  	s6 =	sld [smem:$0x3FAB]  }
0x2c: {  	s7 =	sld [smem:$0x3FAC]  }
0x2d: {  	s3 =	simm.s32 $0x108;
	s8 =	sld [smem:$0x3FAD]  }
0x2e: {  	s3 =	simm.s32 @!p0 $0x1082;
	s9 =	sld [smem:$0x3FAE]  }
0x2f: {  	lr =	sadd.s32 s0, s3;
	s0 =	sld [smem:$0x3FA5]  }
0x30: {  	s3 =	sld [smem:$0x3FA8]  }
0x31: {  	[smem:$0x3FB1] =	sst s10  }
0x32: {  	s10 =	sld [smem:$0x3FAF];
	_ =	sdelay $0x3  }
0x33: {  	p0 =	seq.s32 s10, $0x1;
	s10 =	sld [smem:$0x3FB1];
	_ =	sdelay $0x3  }
0x34: {  	[smem:$0x3FB1] =	sst s10  }
0x35: {  	s10 =	sld [smem:$0x3FB0];
	_ =	sdelay $0x3  }
0x36: {  	p1 =	seq.s32 s10, $0x1;
	s10 =	sld [smem:$0x3FB1];
	_ =	sdelay $0x3  }
0x37: {  	[smem:$0x3FB1] =	sst s10  }
0x38: {  	s10 =	sld [smem:$0x3FB2]  }
0x39: {  	_ = 	snop;
	(pc) =	sbr.ind lr, $3  }
0x3a: {  	_ = 	snop  }
0x3b: {  	_ = 	snop  }
0x3c: {  	p2 =	seq.s32 s10, $0x1;
	s10 =	sld [smem:$0x3FB1]  }
0x3d: {  	_ =	shalt  }
0x3e: {  	_ =	shalt  }
0x3f: {  	_ =	shalt  }
0x40: {  	_ =	shalt  }
0x41: {  	_ =	shalt  }
0x42: {  	_ =	shalt  }
0x43: {  	_ =	shalt  }
0x44: {  	_ =	shalt  }
0x45: {  	_ =	shalt  }
0x46: {  	_ =	shalt  }
0x47: {  	_ =	shalt  }
0x48: {  	_ =	shalt  }
0x49: {  	_ =	shalt  }
0x4a: {  	_ =	shalt  }
0x4b: {  	_ =	shalt  }
0x4c: {  	_ =	shalt  }
0x4d: {  	_ =	shalt  }
0x4e: {  	_ =	shalt  }
0x4f: {  	_ =	shalt  }
0x50: {  	_ =	shalt  }
0x51: {  	_ =	shalt  }
0x52: {  	_ =	shalt  }
0x53: {  	_ =	shalt  }
0x54: {  	_ =	shalt  }
0x55: {  	_ =	shalt  }
0x56: {  	_ =	shalt  }
0x57: {  	_ =	shalt  }
0x58: {  	_ =	shalt  }
0x59: {  	_ =	shalt  }
0x5a: {  	_ =	shalt  }
0x5b: {  	_ =	shalt  }
0x5c: {  	_ =	shalt  }
0x5d: {  	_ =	shalt  }
0x5e: {  	_ =	shalt  }
0x5f: {  	_ =	shalt  }
0x60: {  	_ =	shalt  }
0x61: {  	_ =	shalt  }
0x62: {  	_ =	shalt  }
0x63: {  	_ =	shalt  }
0x64: {  	_ =	shalt  }
0x65: {  	_ =	shalt  }
0x66: {  	_ =	shalt  }
0x67: {  	_ =	shalt  }
0x68: {  	_ =	shalt  }
0x69: {  	_ =	shalt  }
0x6a: {  	_ =	shalt  }
0x6b: {  	_ =	shalt  }
0x6c: {  	_ =	shalt  }
0x6d: {  	_ =	shalt  }
0x6e: {  	_ =	shalt  }
0x6f: {  	_ =	shalt  }
0x70: {  	_ =	shalt  }
0x71: {  	_ =	shalt  }
0x72: {  	_ =	shalt  }
0x73: {  	_ =	shalt  }
0x74: {  	_ =	shalt  }
0x75: {  	_ =	shalt  }
0x76: {  	_ =	shalt  }
0x77: {  	_ =	shalt  }
0x78: {  	_ =	shalt  }
0x79: {  	_ =	shalt  }
0x7a: {  	_ =	shalt  }
0x7b: {  	_ =	shalt  }
0x7c: {  	_ =	shalt  }
0x7d: {  	_ =	shalt  }
0x7e: {  	_ =	shalt  }
0x7f: {  	_ =	shalt  }
0x80: {  	_ =	shalt  }
0x81: {  	_ =	shalt  }
0x82: {  	_ =	shalt  }
0x83: {  	_ =	shalt  }
0x84: {  	_ =	shalt  }
0x85: {  	_ =	shalt  }
0x86: {  	_ =	shalt  }
0x87: {  	_ =	shalt  }
.Lfunc_end0:
.L_simem_size_0:
called_computation.1_lowered:
.L_overlay_start_0:
0x88: {  	s2 =	sld [smem:$0x3FD9]  }
0x89: {  	s3 =	sld [smem:$0x3FFE];
	_ =	sdelay $0x1  }
0x8a: {  	s1 =	srdreg.scid  }
0x8b: {  	s0 =	sand.u32 $0x1, s1  }
0x8c: {  	s16 =	sshll.u32 s0, $0xA;
	s2 =	sadd.s32 s3, s2  }
0x8d: {  	s2 =	sadd.s32 s2, s16  }
0x8e: {  	[smem:$0x3FBD] =	sst s2  }
0x8f: {  	_ = 	snop  }
0x90: {  	(tm) =	ssettm $0x1  }
0x91: {  	s17 =	sld [smem:$0x3FFB];
	_ =	sdelay $0x3  }
0x92: {  	_ =	strace s17  }
0x93: {  	s2 =	sld [smem:$0x3FFC];
	_ =	sdelay $0x3  }
0x94: {  	_ =	strace s2  }
0x95: {  	s2 =	sld [smem:$0x3FFD];
	_ =	sdelay $0x3  }
0x96: {  	_ =	strace s2  }
0x97: {  	_ =	strace $0x8FFFFFFF  }
0x98: {  	s18 =	sld [smem:$0x3FDB];
	_ =	sdelay $0x1  }
0x99: {  	s19 =	simm.s32 $_scs_section_size  }
0x9a: {  	s4 =	simm.s32 $_size__tile_overlayer_lowered;
	s5 =	simm.s32 $_tile_overlayer_lowered  }
0x9b: {  	s22 =	simm.s32 $0x1BFF;
	s21 =	sshll.u32 s5, $0x1;
	s2 =	sadd.s32 s19, s18  }
0x9c: {  	s6 =	simm.s32 $0x0;
	s20 =	sshll.u32 s4, $0x1;
	s4 =	sadd.s32 s21, s2  }
0x9d: {  	[timem:s6], [sflag:s22] =	dma.local [hbm:s4], s20  }
0x9e: {  	_ =	swait.ge [sflag:s22], s20  }
0x9f: {  	s3 =	ssub.s32 $0x0, s20;
	[sflag:s22] =	ssyncset.done $0x0  }
0xa0: {  	[sflag:s22] =	ssyncadd.s32 s3;
	_ =	sdelay $0x1  }
0xa1: {  	s23 =	simm.s32 $0x1B8B  }
0xa2: {  	_ =	swait.ge [sflag:s23], $0x1  }
0xa3: {  	[sflag:s23] =	ssyncset.done $0x0  }
0xa4: {  	s25 =	simm.s32 $0x1B8E;
	s24 =	sld [smem:$0x3FFE];
	[sflag:s23] =	ssyncadd.s32 $0xFFFFFFFF  }
0xa5: {  	s26 =	simm.s32 $execute0_lowered;
	[smem:$0x3FD2] =	sst s25  }
0xa6: {  	s4 =	sshll.u32 s26, $0x1;
	_ =	strace $0x80000046;
	[dreg:$0x1] =	wrdreg $0xFFFFFFFF  }
0xa7: {  	s28 =	simm.s32 $_size_execute0_lowered;
	s2 =	sadd.s32 s2, s4;
	[dreg:$0x0] =	wrdreg $0x0  }
0xa8: {  	s4 =	sshll.u32 s28, $0x1;
	[dreg:$0x2] =	wrdreg s2  }
0xa9: {  	[dreg:$0x3] =	wrdreg s4  }
0xaa: {  	[dreg:$0x4] =	wrdreg $0xC0  }
0xab: {  	_ =	task [dreg:s6], $0x5FFFF  }
0xac: {  	[dreg:$0x1] =	wrdreg $0xFFFFFFFF  }
0xad: {  	[dreg:$0x0] =	wrdreg $0x60  }
0xae: {  	[dreg:$0x2] =	wrdreg s24  }
0xaf: {  	[dreg:$0x3] =	wrdreg $0xA  }
0xb0: {  	_ =	task.clear_ibuf [dreg:s6], $0x4FFFF;
	_ =	strace $0x90000046  }
0xb1: {  	s29 =	simm.s32 $0xA;
	_ =	strace $0x80000048  }
0xb2: {  	_ =	swait.ge [sflag:s29], $0x1  }
0xb3: {  	[sflag:s29] =	ssyncadd.s32 $0xFFFFFFFF  }
0xb4: {  	_ =	strace $0x90000048  }
0xb5: {  	_ =	sfence  }
0xb6: {  	s30 =	sld [smem:$0x0];
	_ =	sdelay $0x2  }
0xb7: {  	s31 =	sshll.u32 s1, $0xD;
	s1 =	sshrl.u32 s1, $0x2  }
0xb8: {  	s3 =	sand.u32 $0x4000, s31;
	s1 =	sadd.s32 s1, s30  }
0xb9: {  	s0 =	sor.u32 s3, s0;
	s1 =	sshll.u32 s1, $0x11  }
0xba: {  	s0 =	sor.u32 s1, s0  }
0xbb: {  	s0 =	sadd.s32 $0x8F2B, s0  }
0xbc: {  	[sflag:s0] =	ssyncadd.remote.s32 $0x1  }
0xbd: {  	_ =	sfence.sel $0xFFFF  }
0xbe: {  	[dreg:$0x0] =	wrdreg $0xFFFFFFFF;
	(pc) =	sbr.abs _section_cstart, $3  }
0xbf: {  	[dreg:$0x1] =	wrdreg $0xFFFFFFFF  }
0xc0: {  	_ =	task.clear_ibuf [dreg:s6], $0x2FFFF;
	_ =	strace $0x9FFFFFFF  }
0xc1: {  	(tm) =	ssettm $0x7FFFFFFF  }
tec
execute0_lowered:
.L_overlay_start_1:
0x0: {  	(tag) =	ssettag $0x1  }
0x1: {  	s1 =	srdreg.scid;
	s0 =	stileid.u32  }
0x2: {  	s5 =	rddreg [dreg:$0x0];
	s2 =	simm.s32 $0x0;
	s17 =	simm.s32 $0x80  }
0x3: {  	s18 =	simm.s32 $0x1100;
	s19 =	simm.s32 $0x1580;
	s20 =	simm.s32 $0x1  }
0x4: {  	s21 =	simm.s32 $0x3;
	s22 =	simm.s32 $0x2;
	s23 =	simm.s32 $0x4  }
0x5: {  	s6 =	sand.u32 $0x1, s1;
	s24 =	sshll.u32 s0, $0x1;
	[smem:$0x7FF] =	sst s2  }
0x6: {  	s4 =	sadd.s32 $0xDE00, s5;
	s11 =	sadd.s32 $0x5D400, s5;
	s26 =	smul.u32 $0x1A00, s0  }
0x7: {  	s13 =	sadd.s32 $0x77400, s5;
	s7 =	sor.u32 s6, s24;
	s29 =	smul.u32 $0xD00, s6  }
0x8: {  	_ =	strace $0x80000047;
	s9 =	ssub.s32 $0x2, s6;
	s3 =	smul.u32 $0x1A0, s7  }
0x9: {  	s24 =	simm.s32 $0xC80;
	s10 =	sshrl.u32 s9, $0x1;
	s12 =	smul.u32 $0xD00, s7  }
0xa: {  	s25 =	ssub.s32 s9, s10;
	s14 =	sadd.s32 s29, s26;
	s8 =	sadd.s32 s3, s5  }
0xb: {  	s3 =	sadd.s32 $0x27F000, s5;
	s28 =	sadd.s32 $0xC00, s12;
	s6 =	smax.u32 s25, $0x1  }
0xc: {  	s12 =	sadd.s32 $0xC80, s12;
	s31 =	sor.u32 $0x80, s14;
	s15 =	sshrl.u32 s14, $0x3  }
0xd: {  	s25 =	simm.s32 $0x0;
	s5 =	sadd.s32 $0x4200, s8;
	s7 =	sadd.s32 s11, s28  }
0xe: {  	s8 =	sshrl.u32 s28, $0x3;
	s9 =	sadd.s32 s11, s12;
	s30 =	sshrl.u32 s12, $0x3  }
0xf: {  	s16 =	sshrl.u32 s31, $0x3;
	s11 =	sadd.s32 s11, s14;
	s12 =	sadd.s32 s15, s13  }
0x10: {  	s14 =	simm.s32 $0x5;
	s15 =	simm.s32 $0xD00;
	s8 =	sadd.s32 s13, s8  }
0x11: {  	s10 =	sadd.s32 s13, s30;
	s13 =	sadd.s32 s16, s13;
	s16 =	simm.s32 $0x1500  }
.LBB2_1:
0x12: {  	[tilespmem:s2], [sflag:$0x5] =	stream.linear.gather [hbm4b:s5+s2], $0xD00, $0x38;
	[tilespmem:$0x1600] =	vst v63  }
0x13: {  	_ =	swait.ge [sflag:s14], $0xD00  }
0x14: {  	[sflag:s14] =	ssyncset.done $0x0  }
0x15: {  	[sflag:s14] =	ssyncadd.s32 $0xFFFFF300  }
0x16: {  	[tilespmem:s15], [sflag:$0x1] =	stream.indirect.gather [hbm4b:s3+s17], $0x8, s2, s17, $0xb8;
	[tilespmem:$0x1600] =	vst v63  }
0x17: {  	_ = 	snop  }
0x18: {  	[tilespmem:s16], [sflag:$0x3] =	stream.indirect.gather [hbm4b:s4+s17], $0x1, s2, s17, $0xb8;
	[tilespmem:$0x1600] =	vst v63  }
0x19: {  	_ = 	snop  }
0x1a: {  	[tilespmem:s18], [sflag:$0x2] =	stream.indirect.gather [hbm4b:s3+s17], $0x8, s17, s17, $0xb8;
	[tilespmem:$0x1600] =	vst v63  }
0x1b: {  	_ = 	snop  }
0x1c: {  	[tilespmem:s19], [sflag:$0x4] =	stream.indirect.gather [hbm4b:s4+s17], $0x1, s17, s17, $0xb8;
	[tilespmem:$0x1600] =	vst v63  }
0x1d: {  	_ =	swait.ge [sflag:s20], $0x400  }
0x1e: {  	[sflag:s20] =	ssyncset.done $0x0  }
0x1f: {  	[sflag:s20] =	ssyncadd.s32 $0xFFFFFC00  }
0x20: {  	_ =	swait.ge [sflag:s21], $0x80  }
0x21: {  	[sflag:s21] =	ssyncset.done $0x0  }
0x22: {  	s26 =	sadd.s32 $0x0, s11;
	[sflag:s21] =	ssyncadd.s32 $0xFFFFFF80  }
0x23: {  	[hbm4b:s26+s2] =	stream.linear.scatter [tilespmem:s15], [sflag:$0x5], $0x400, $0x38;
	[tilespmem:$0x1600] =	vst v63  }
0x24: {  	_ =	swait.ge [sflag:s14], $0x400  }
0x25: {  	[sflag:s14] =	ssyncset.done $0x0  }
0x26: {  	[sflag:s14] =	ssyncadd.s32 $0xFFFFFC00  }
0x27: {  	[hbm4b:s12+s2] =	stream.linear.scatter [tilespmem:s16], [sflag:$0x5], $0x80, $0x38;
	[tilespmem:$0x1600] =	vst v63  }
0x28: {  	_ =	swait.ge [sflag:s14], $0x80  }
0x29: {  	[sflag:s14] =	ssyncset.done $0x0  }
0x2a: {  	s28 =	simm.s32 $0x100;
	[sflag:s14] =	ssyncadd.s32 $0xFFFFFF80  }
0x2b: {  	[tilespmem:s15], [sflag:$0x1] =	stream.indirect.gather [hbm4b:s3+s17], $0x8, s28, s17, $0xb8;
	[tilespmem:$0x1600] =	vst v63  }
0x2c: {  	_ = 	snop  }
0x2d: {  	[tilespmem:s16], [sflag:$0x3] =	stream.indirect.gather [hbm4b:s4+s17], $0x1, s28, s17, $0xb8;
	[tilespmem:$0x1600] =	vst v63  }
0x2e: {  	_ =	swait.ge [sflag:s22], $0x400  }
0x2f: {  	[sflag:s22] =	ssyncset.done $0x0  }
0x30: {  	[sflag:s22] =	ssyncadd.s32 $0xFFFFFC00  }
0x31: {  	_ =	swait.ge [sflag:s23], $0x80  }
0x32: {  	[sflag:s23] =	ssyncset.done $0x0  }
0x33: {  	s26 =	sadd.s32 $0x80, s26;
	[sflag:s23] =	ssyncadd.s32 $0xFFFFFF80  }
0x34: {  	[hbm4b:s26+s2] =	stream.linear.scatter [tilespmem:s18], [sflag:$0x5], $0x400, $0x38;
	[tilespmem:$0x1600] =	vst v63  }
0x35: {  	_ =	swait.ge [sflag:s14], $0x400  }
0x36: {  	[sflag:s14] =	ssyncset.done $0x0  }
0x37: {  	[sflag:s14] =	ssyncadd.s32 $0xFFFFFC00  }
0x38: {  	[hbm4b:s13+s2] =	stream.linear.scatter [tilespmem:s19], [sflag:$0x5], $0x80, $0x38;
	[tilespmem:$0x1600] =	vst v63  }
0x39: {  	s29 =	smov.u32 s12;
	s30 =	simm.s32 $0x80;
	_ =	swait.ge [sflag:s14], $0x80  }
0x3a: {  	s28 =	sadd.s32 $0x20, s13;
	s26 =	simm.s32 $0x100;
	[sflag:s14] =	ssyncset.done $0x0  }
.LBB2_2:
0x3b: {  	[sflag:s14] =	ssyncadd.s32 $0xFFFFFF80;
	s29 =	sadd.s32 $0x20, s29;
	s30 =	sadd.s32 $0x100, s30  }
0x3c: {  	[tilespmem:s18], [sflag:$0x2] =	stream.indirect.gather [hbm4b:s3+s17], $0x8, s30, s17, $0xb8;
	[tilespmem:$0x1600] =	vst v63  }
0x3d: {  	p0 =	sne.s32 s26, $0xB00;
	s31 =	smov.u32 s26;
	s26 =	sadd.s32 $0x100, s26  }
0x3e: {  	[tilespmem:s19], [sflag:$0x4] =	stream.indirect.gather [hbm4b:s4+s17], $0x1, s30, s17, $0xb8;
	[tilespmem:$0x1600] =	vst v63  }
0x3f: {  	_ =	swait.ge [sflag:s20], $0x400  }
0x40: {  	[sflag:s20] =	ssyncset.done $0x0  }
0x41: {  	[sflag:s20] =	ssyncadd.s32 $0xFFFFFC00  }
0x42: {  	_ =	swait.ge [sflag:s21], $0x80  }
0x43: {  	[sflag:s21] =	ssyncset.done $0x0  }
0x44: {  	s31 =	sadd.s32 s31, s11;
	[sflag:s21] =	ssyncadd.s32 $0xFFFFFF80  }
0x45: {  	[hbm4b:s31+s2] =	stream.linear.scatter [tilespmem:s15], [sflag:$0x5], $0x400, $0x38;
	[tilespmem:$0x1600] =	vst v63  }
0x46: {  	_ =	swait.ge [sflag:s14], $0x400  }
0x47: {  	[sflag:s14] =	ssyncset.done $0x0  }
0x48: {  	[sflag:s14] =	ssyncadd.s32 $0xFFFFFC00  }
0x49: {  	[hbm4b:s29+s2] =	stream.linear.scatter [tilespmem:s16], [sflag:$0x5], $0x80, $0x38;
	[tilespmem:$0x1600] =	vst v63  }
0x4a: {  	_ =	swait.ge [sflag:s14], $0x80  }
0x4b: {  	[sflag:s14] =	ssyncset.done $0x0  }
0x4c: {  	s1 =	sadd.s32 $0x80, s30;
	[sflag:s14] =	ssyncadd.s32 $0xFFFFFF80  }
0x4d: {  	[tilespmem:s15], [sflag:$0x1] =	stream.indirect.gather [hbm4b:s3+s17], $0x8, s1, s17, $0xb8;
	[tilespmem:$0x1600] =	vst v63  }
0x4e: {  	_ = 	snop  }
0x4f: {  	[tilespmem:s16], [sflag:$0x3] =	stream.indirect.gather [hbm4b:s4+s17], $0x1, s1, s17, $0xb8;
	[tilespmem:$0x1600] =	vst v63  }
0x50: {  	_ =	swait.ge [sflag:s22], $0x400  }
0x51: {  	[sflag:s22] =	ssyncset.done $0x0  }
0x52: {  	[sflag:s22] =	ssyncadd.s32 $0xFFFFFC00  }
0x53: {  	_ =	swait.ge [sflag:s23], $0x80  }
0x54: {  	[sflag:s23] =	ssyncset.done $0x0  }
0x55: {  	s1 =	sadd.s32 $0x80, s31;
	[sflag:s23] =	ssyncadd.s32 $0xFFFFFF80  }
0x56: {  	[hbm4b:s1+s2] =	stream.linear.scatter [tilespmem:s18], [sflag:$0x5], $0x400, $0x38;
	[tilespmem:$0x1600] =	vst v63  }
0x57: {  	_ =	swait.ge [sflag:s14], $0x400  }
.Ltmp0:
0x58: {  	[sflag:s14] =	ssyncset.done $0x0;
	(pc) =	sbr.rel @p0 .LBB2_2-.Ltmp0, $4  }
0x59: {  	[sflag:s14] =	ssyncadd.s32 $0xFFFFFC00  }
0x5a: {  	[hbm4b:s28+s2] =	stream.linear.scatter [tilespmem:s19], [sflag:$0x5], $0x80, $0x38;
	[tilespmem:$0x1600] =	vst v63  }
0x5b: {  	_ =	swait.ge [sflag:s14], $0x80  }
0x5c: {  	s28 =	sadd.s32 $0x20, s28;
	[sflag:s14] =	ssyncset.done $0x0  }
0x5d: {  	[sflag:s14] =	ssyncadd.s32 $0xFFFFFF80  }
0x5e: {  	[tilespmem:s18], [sflag:$0x2] =	stream.indirect.gather [hbm4b:s3+s17], $0x8, s24, s17, $0xb8;
	[tilespmem:$0x1600] =	vst v63  }
0x5f: {  	_ = 	snop  }
0x60: {  	[tilespmem:s19], [sflag:$0x4] =	stream.indirect.gather [hbm4b:s4+s17], $0x1, s24, s17, $0xb8;
	[tilespmem:$0x1600] =	vst v63  }
0x61: {  	_ =	swait.ge [sflag:s20], $0x400  }
0x62: {  	[sflag:s20] =	ssyncset.done $0x0  }
0x63: {  	[sflag:s20] =	ssyncadd.s32 $0xFFFFFC00  }
0x64: {  	_ =	swait.ge [sflag:s21], $0x80  }
0x65: {  	[sflag:s21] =	ssyncset.done $0x0  }
0x66: {  	[sflag:s21] =	ssyncadd.s32 $0xFFFFFF80  }
0x67: {  	[hbm4b:s7+s2] =	stream.linear.scatter [tilespmem:s15], [sflag:$0x5], $0x400, $0x38;
	[tilespmem:$0x1600] =	vst v63  }
0x68: {  	_ =	swait.ge [sflag:s14], $0x400  }
0x69: {  	[sflag:s14] =	ssyncset.done $0x0  }
0x6a: {  	[sflag:s14] =	ssyncadd.s32 $0xFFFFFC00  }
0x6b: {  	[hbm4b:s8+s2] =	stream.linear.scatter [tilespmem:s16], [sflag:$0x5], $0x80, $0x38;
	[tilespmem:$0x1600] =	vst v63  }
0x6c: {  	_ =	swait.ge [sflag:s14], $0x80  }
0x6d: {  	[sflag:s14] =	ssyncset.done $0x0  }
0x6e: {  	[sflag:s14] =	ssyncadd.s32 $0xFFFFFF80  }
0x6f: {  	_ =	swait.ge [sflag:s22], $0x400  }
0x70: {  	[sflag:s22] =	ssyncset.done $0x0  }
0x71: {  	[sflag:s22] =	ssyncadd.s32 $0xFFFFFC00  }
0x72: {  	_ =	swait.ge [sflag:s23], $0x80  }
0x73: {  	[sflag:s23] =	ssyncset.done $0x0  }
0x74: {  	[sflag:s23] =	ssyncadd.s32 $0xFFFFFF80  }
0x75: {  	[hbm4b:s9+s2] =	stream.linear.scatter [tilespmem:s18], [sflag:$0x5], $0x400, $0x38;
	[tilespmem:$0x1600] =	vst v63  }
0x76: {  	s25 =	sadd.s32 $0x1, s25;
	_ =	swait.ge [sflag:s14], $0x400  }
0x77: {  	p0 =	sne.s32 s25, s6;
	[sflag:s14] =	ssyncset.done $0x0  }
.Ltmp1:
0x78: {  	[sflag:s14] =	ssyncadd.s32 $0xFFFFFC00;
	(pc) =	sbr.rel @p0 .LBB2_1-.Ltmp1, $4  }
0x79: {  	[hbm4b:s10+s2] =	stream.linear.scatter [tilespmem:s19], [sflag:$0x5], $0x80, $0x38;
	[tilespmem:$0x1600] =	vst v63  }
0x7a: {  	_ =	swait.ge [sflag:s14], $0x80  }
0x7b: {  	[sflag:s14] =	ssyncset.done $0x0  }
0x7c: {  	[sflag:s14] =	ssyncadd.s32 $0xFFFFFF80  }
0x7d: {  	_ =	sfence.sel $0x180000  }
0x7e: {  	[bflag:$0x0] =	sbarrier.arrive $0xFFFF  }
0x7f: {  	_ =	strace $0x90000047  }
0x80: {  	[bflag:$0x2] =	sbarrier.arrive $0xFFFF  }
0x81: {  	p0 =	sne.s32 s0, $0x0;
	s0 =	rddreg [dreg:$0x1]  }
0x82: {  	s0 =	sadd.s32 @!p0 $0x100000, s0  }
0x83: {  	[sflag:s0] =	ssyncadd.tile.s32 @!p0 $0x1;
	_ =	shalt  }
.Lfunc_end2:
_tile_overlayer_lowered:
.L_overlay_start_2:
0x84: {  	(tag) =	ssettag $0x2  }
0x85: {  	s0 =	rddreg [dreg:$0x0];
	s2 =	stileid.u32  }
0x86: {  	s1 =	rddreg [dreg:$0x1];
	p0 =	sne.s32 s2, $0x0  }
0x87: {  	s3 =	rddreg [dreg:$0x2];
	[bflag:$0x3] =	sbarrier.arrive $0xFFFF;
	s2 =	simm.s32 @!p0 $0x1C05  }
0x88: {  	[timem:s3], [sflag:s2] =	dma.local @!p0 [hbm:s0], s1  }
0x89: {  	s0 =	simm.s32 @!p0 $0x5  }
0x8a: {  	_ =	swait.ge @!p0 [sflag:s0], s1  }
0x8b: {  	s1 =	ssub.s32 @!p0 $0x0, s1;
	[sflag:s0] =	ssyncset.done @!p0 $0x0  }
0x8c: {  	[sflag:s0] =	ssyncadd.s32 @!p0 s1  }
0x8d: {  	[bflag:$0x3] =	sbarrier.arrive $0xFFFF  }
0x8e: {  	_ =	shalt  }

// kernel: kernel.16.cloned.1.call-start
scs
__scs_entry_jumppad:
0x0: {  	(pc) =	sbr.rel $0x88, $3  }
0x1: {  	(tag) =	ssettag $0x0;
	lr =	simm.s32 $0x1  }
0x2: {  	[smem:$0x3F96] =	sst lr;
	_ =	strace $0xD0000000  }
0x3: {  	_ = 	snop  }
0x4: {  	_ = 	snop  }
0x5: {  	_ = 	snop  }
0x6: {  	_ = 	snop  }
0x7: {  	_ = 	snop  }
__scs_overlays_trampoline_lowered:
0x8: {  	[smem:$0x3FA5] =	sst s0  }
0x9: {  	[smem:$0x3FA6] =	sst s1  }
0xa: {  	[smem:$0x3FA7] =	sst s2  }
0xb: {  	[smem:$0x3FA8] =	sst s3  }
0xc: {  	[smem:$0x3FA9] =	sst s4  }
0xd: {  	[smem:$0x3FAA] =	sst s5  }
0xe: {  	[smem:$0x3FAB] =	sst s6  }
0xf: {  	[smem:$0x3FAC] =	sst s7  }
0x10: {  	[smem:$0x3FAD] =	sst s8  }
0x11: {  	[smem:$0x3FAE] =	sst s9;
	s0 =	simm.s32 @!p0 $0x0  }
0x12: {  	s1 =	sld [smem:$0x3F94];
	s0 =	simm.s32 @p0 $0x1  }
0x13: {  	[smem:$0x3FAF] =	sst s0;
	s0 =	simm.s32 @!p1 $0x0  }
0x14: {  	s2 =	sld [smem:$0x3F93];
	s0 =	simm.s32 @p1 $0x1  }
0x15: {  	[smem:$0x3FB0] =	sst s0;
	s0 =	simm.s32 @!p2 $0x0  }
0x16: {  	s3 =	sld [smem:$0x3FDB];
	s0 =	simm.s32 @p2 $0x1  }
0x17: {  	s4 =	simm.s32 $0x1BF5;
	[smem:$0x3FB2] =	sst s0  }
0x18: {  	s0 =	sld [smem:$0x3F95];
	_ =	swait.ge [sflag:s4], $0x0  }
0x19: {  	s7 =	sld [smem:$0x3F96]  }
0x1a: {  	s8 =	sadd.s32 $0xFFFFE003, lr  }
0x1b: {  	s9 =	sadd.s32 $0xFFFFFEF7, lr;
	s5 =	simm.s32 $0xFFFFFFFF;
	p2 =	slt.u32 s8, $0xFFFFF086  }
0x1c: {  	p1 =	slt.u32 s9, $0xF7A;
	s5 =	simm.s32 @!p2 $0x0  }
0x1d: {  	s5 =	simm.s32 @p1 $0x1;
	p0 =	seq.s32 s7, s2  }
0x1e: {  	s7 =	smul.u32 @!p0 $0xF7A, s2;
	p2 =	seq.s32 @!p0 s5, $0x0  }
0x1f: {  	s9 =	smul.u32 $0xF7A, s1;
	s8 =	simm.s32 @!p0 $0x1BF5;
	p2 =	por !p2, p0  }
0x20: {  	[sflag:s8] =	ssyncset.s32 @!p0 $0xFFFFF086;
	s6 =	sadd.s32 @!p0 s3, s7;
	s7 =	simm.s32 @!p0 $0x108  }
0x21: {  	s3 =	sadd.s32 s3, s9;
	s6 =	sadd.s32 @!p0 $0x88, s6;
	s7 =	simm.s32 @p2 $0x1082  }
0x22: {  	[simem:s7], [sflag:s8] =	dma.local @!p0 [hbm:s6], $0xF7A  }
0x23: {  	s9 =	sor.u32 $0xD0000000, s2;
	s6 =	simm.s32 $0x108;
	_ =	swait.ge @!p0 [sflag:s8], $0x0  }
0x24: {  	s3 =	sadd.s32 $0x88, s3;
	s6 =	simm.s32 @!p1 $0x1082;
	[sflag:s4] =	ssyncset.s32 $0xFFFFF086  }
0x25: {  	[simem:s6], [sflag:s4] =	dma.local [hbm:s3], $0xF7A  }
0x26: {  	[smem:$0x3F96] =	sst s1;
	(tag) =	ssettag s2;
	_ =	strace s9  }
0x27: {  	s1 =	sld [smem:$0x3FA6]  }
0x28: {  	s2 =	sld [smem:$0x3FA7]  }
0x29: {  	s4 =	sld [smem:$0x3FA9]  }
0x2a: {  	p0 =	seq.s32 s5, $0x0;
	s5 =	sld [smem:$0x3FAA]  }
0x2b: {  	s6 =	sld [smem:$0x3FAB]  }
0x2c: {  	s7 =	sld [smem:$0x3FAC]  }
0x2d: {  	s3 =	simm.s32 $0x108;
	s8 =	sld [smem:$0x3FAD]  }
0x2e: {  	s3 =	simm.s32 @!p0 $0x1082;
	s9 =	sld [smem:$0x3FAE]  }
0x2f: {  	lr =	sadd.s32 s0, s3;
	s0 =	sld [smem:$0x3FA5]  }
0x30: {  	s3 =	sld [smem:$0x3FA8]  }
0x31: {  	[smem:$0x3FB1] =	sst s10  }
0x32: {  	s10 =	sld [smem:$0x3FAF];
	_ =	sdelay $0x3  }
0x33: {  	p0 =	seq.s32 s10, $0x1;
	s10 =	sld [smem:$0x3FB1];
	_ =	sdelay $0x3  }
0x34: {  	[smem:$0x3FB1] =	sst s10  }
0x35: {  	s10 =	sld [smem:$0x3FB0];
	_ =	sdelay $0x3  }
0x36: {  	p1 =	seq.s32 s10, $0x1;
	s10 =	sld [smem:$0x3FB1];
	_ =	sdelay $0x3  }
0x37: {  	[smem:$0x3FB1] =	sst s10  }
0x38: {  	s10 =	sld [smem:$0x3FB2]  }
0x39: {  	_ = 	snop;
	(pc) =	sbr.ind lr, $3  }
0x3a: {  	_ = 	snop  }
0x3b: {  	_ = 	snop  }
0x3c: {  	p2 =	seq.s32 s10, $0x1;
	s10 =	sld [smem:$0x3FB1]  }
0x3d: {  	_ =	shalt  }
0x3e: {  	_ =	shalt  }
0x3f: {  	_ =	shalt  }
0x40: {  	_ =	shalt  }
0x41: {  	_ =	shalt  }
0x42: {  	_ =	shalt  }
0x43: {  	_ =	shalt  }
0x44: {  	_ =	shalt  }
0x45: {  	_ =	shalt  }
0x46: {  	_ =	shalt  }
0x47: {  	_ =	shalt  }
0x48: {  	_ =	shalt  }
0x49: {  	_ =	shalt  }
0x4a: {  	_ =	shalt  }
0x4b: {  	_ =	shalt  }
0x4c: {  	_ =	shalt  }
0x4d: {  	_ =	shalt  }
0x4e: {  	_ =	shalt  }
0x4f: {  	_ =	shalt  }
0x50: {  	_ =	shalt  }
0x51: {  	_ =	shalt  }
0x52: {  	_ =	shalt  }
0x53: {  	_ =	shalt  }
0x54: {  	_ =	shalt  }
0x55: {  	_ =	shalt  }
0x56: {  	_ =	shalt  }
0x57: {  	_ =	shalt  }
0x58: {  	_ =	shalt  }
0x59: {  	_ =	shalt  }
0x5a: {  	_ =	shalt  }
0x5b: {  	_ =	shalt  }
0x5c: {  	_ =	shalt  }
0x5d: {  	_ =	shalt  }
0x5e: {  	_ =	shalt  }
0x5f: {  	_ =	shalt  }
0x60: {  	_ =	shalt  }
0x61: {  	_ =	shalt  }
0x62: {  	_ =	shalt  }
0x63: {  	_ =	shalt  }
0x64: {  	_ =	shalt  }
0x65: {  	_ =	shalt  }
0x66: {  	_ =	shalt  }
0x67: {  	_ =	shalt  }
0x68: {  	_ =	shalt  }
0x69: {  	_ =	shalt  }
0x6a: {  	_ =	shalt  }
0x6b: {  	_ =	shalt  }
0x6c: {  	_ =	shalt  }
0x6d: {  	_ =	shalt  }
0x6e: {  	_ =	shalt  }
0x6f: {  	_ =	shalt  }
0x70: {  	_ =	shalt  }
0x71: {  	_ =	shalt  }
0x72: {  	_ =	shalt  }
0x73: {  	_ =	shalt  }
0x74: {  	_ =	shalt  }
0x75: {  	_ =	shalt  }
0x76: {  	_ =	shalt  }
0x77: {  	_ =	shalt  }
0x78: {  	_ =	shalt  }
0x79: {  	_ =	shalt  }
0x7a: {  	_ =	shalt  }
0x7b: {  	_ =	shalt  }
0x7c: {  	_ =	shalt  }
0x7d: {  	_ =	shalt  }
0x7e: {  	_ =	shalt  }
0x7f: {  	_ =	shalt  }
0x80: {  	_ =	shalt  }
0x81: {  	_ =	shalt  }
0x82: {  	_ =	shalt  }
0x83: {  	_ =	shalt  }
0x84: {  	_ =	shalt  }
0x85: {  	_ =	shalt  }
0x86: {  	_ =	shalt  }
0x87: {  	_ =	shalt  }
.Lfunc_end0:
.L_simem_size_0:
called_computation.2_lowered:
.L_overlay_start_0:
0x88: {  	s2 =	sld [smem:$0x3FD9]  }
0x89: {  	s3 =	sld [smem:$0x3FFE];
	_ =	sdelay $0x1  }
0x8a: {  	s1 =	srdreg.scid  }
0x8b: {  	s0 =	sand.u32 $0x1, s1  }
0x8c: {  	s17 =	sshll.u32 s0, $0xA;
	s2 =	sadd.s32 s3, s2  }
0x8d: {  	s2 =	sadd.s32 s2, s17  }
0x8e: {  	[smem:$0x3FBD] =	sst s2  }
0x8f: {  	_ = 	snop  }
0x90: {  	(tm) =	ssettm $0x1  }
0x91: {  	s18 =	sld [smem:$0x3FFB];
	_ =	sdelay $0x3  }
0x92: {  	_ =	strace s18  }
0x93: {  	s2 =	sld [smem:$0x3FFC];
	_ =	sdelay $0x3  }
0x94: {  	_ =	strace s2  }
0x95: {  	s2 =	sld [smem:$0x3FFD];
	_ =	sdelay $0x3  }
0x96: {  	_ =	strace s2  }
0x97: {  	_ =	strace $0x8FFFFFFF  }
0x98: {  	s19 =	sld [smem:$0x3FDB];
	_ =	sdelay $0x1  }
0x99: {  	s20 =	simm.s32 $_scs_section_size  }
0x9a: {  	s4 =	simm.s32 $_size__tile_overlayer_lowered;
	s5 =	simm.s32 $_tile_overlayer_lowered  }
0x9b: {  	s6 =	simm.s32 $0x1BFF;
	s21 =	sshll.u32 s5, $0x1;
	s3 =	sadd.s32 s20, s19  }
0x9c: {  	s22 =	simm.s32 $0x0;
	s4 =	sshll.u32 s4, $0x1;
	s5 =	sadd.s32 s21, s3  }
0x9d: {  	[timem:s22], [sflag:s6] =	dma.local [hbm:s5], s4  }
0x9e: {  	_ =	swait.ge [sflag:s6], s4  }
0x9f: {  	s4 =	ssub.s32 $0x0, s4;
	[sflag:s6] =	ssyncset.done $0x0  }
0xa0: {  	[sflag:s6] =	ssyncadd.s32 s4;
	_ =	sdelay $0x1  }
0xa1: {  	s23 =	simm.s32 $0x1B8B  }
0xa2: {  	_ =	swait.ge [sflag:s23], $0x1  }
0xa3: {  	[sflag:s23] =	ssyncset.done $0x0  }
0xa4: {  	[sflag:s23] =	ssyncadd.s32 $0xFFFFFFFF  }
0xa5: {  	s4 =	sld [smem:$0x0]  }
0xa6: {  	s5 =	sand.u32 $0xFFFFFFFE, s1  }
0xa7: {  	p0 =	sne.s32 s1, s5  }
0xa8: {  	s5 =	sshll.u32 @p0 s5, $0xE  }
0xa9: {  	s5 =	sadd.s32 @p0 $0x11B8D, s5;
	s6 =	sshll.u32 @p0 s4, $0x11  }
0xaa: {  	s5 =	sor.u32 @p0 s6, s5  }
0xab: {  	[sflag:s5] =	ssyncadd.remote.s32 @p0 $0x1;
	_ =	sdelay $0x1  }
0xac: {  	s5 =	simm.s32 @p0 $0x1B8D  }
0xad: {  	_ =	swait.eq @p0 [sflag:s5], $0x1  }
0xae: {  	[sflag:s5] =	ssyncadd.s32 @p0 $0xFFFFFFFF  }
0xaf: {  	s6 =	sshll.u32 @!p0 s1, $0xE  }
0xb0: {  	s6 =	sor.u32 @!p0 $0x4000, s6;
	s5 =	simm.s32 @!p0 $0x1B8D  }
0xb1: {  	s4 =	sshll.u32 @!p0 s4, $0x11;
	s6 =	sadd.s32 @!p0 $0x11B8D, s6;
	_ =	swait.eq @!p0 [sflag:s5], $0x1  }
0xb2: {  	s4 =	sor.u32 @!p0 s4, s6;
	[sflag:s5] =	ssyncadd.s32 @!p0 $0xFFFFFFFF  }
0xb3: {  	s25 =	simm.s32 $0x1B8E;
	s24 =	sld [smem:$0x3FFE];
	[sflag:s4] =	ssyncadd.remote.s32 @!p0 $0x1  }
0xb4: {  	s26 =	simm.s32 $execute0_lowered;
	[smem:$0x3FD2] =	sst s25  }
0xb5: {  	s5 =	sshll.u32 s26, $0x1;
	_ =	strace $0x80000049;
	[dreg:$0x1] =	wrdreg $0xFFFFFFFF  }
0xb6: {  	s28 =	simm.s32 $_size_execute0_lowered;
	s3 =	sadd.s32 s3, s5;
	[dreg:$0x0] =	wrdreg $0x0  }
0xb7: {  	s5 =	sshll.u32 s28, $0x1;
	[dreg:$0x2] =	wrdreg s3  }
0xb8: {  	[dreg:$0x3] =	wrdreg s5  }
0xb9: {  	[dreg:$0x4] =	wrdreg $0xC0  }
0xba: {  	_ =	task [dreg:s22], $0x5FFFF  }
0xbb: {  	[dreg:$0x1] =	wrdreg $0xFFFFFFFF  }
0xbc: {  	[dreg:$0x0] =	wrdreg $0x60  }
0xbd: {  	[dreg:$0x2] =	wrdreg s24  }
0xbe: {  	[dreg:$0x3] =	wrdreg $0xB  }
0xbf: {  	_ =	task.clear_ibuf [dreg:s22], $0x4FFFF;
	_ =	strace $0x90000049  }
0xc0: {  	s29 =	simm.s32 $0xB;
	_ =	strace $0x8000004B  }
0xc1: {  	_ =	swait.ge [sflag:s29], $0x1  }
0xc2: {  	[sflag:s29] =	ssyncadd.s32 $0xFFFFFFFF  }
0xc3: {  	_ =	strace $0x9000004B  }
0xc4: {  	_ =	sfence  }
0xc5: {  	s30 =	sld [smem:$0x0];
	_ =	sdelay $0x2  }
0xc6: {  	s31 =	sshll.u32 s1, $0xD;
	s1 =	sshrl.u32 s1, $0x2  }
0xc7: {  	s4 =	sand.u32 $0x4000, s31;
	s1 =	sadd.s32 s1, s30  }
0xc8: {  	s0 =	sor.u32 s4, s0;
	s1 =	sshll.u32 s1, $0x11  }
0xc9: {  	s0 =	sor.u32 s1, s0  }
0xca: {  	s0 =	sadd.s32 $0x8F2B, s0  }
0xcb: {  	[sflag:s0] =	ssyncadd.remote.s32 $0x1  }
0xcc: {  	_ =	sfence.sel $0xFFFF  }
0xcd: {  	[dreg:$0x0] =	wrdreg $0xFFFFFFFF;
	(pc) =	sbr.abs _section_cstart, $3  }
0xce: {  	[dreg:$0x1] =	wrdreg $0xFFFFFFFF  }
0xcf: {  	_ =	task.clear_ibuf [dreg:s22], $0x2FFFF;
	_ =	strace $0x9FFFFFFF  }
0xd0: {  	(tm) =	ssettm $0x7FFFFFFF  }
0xd1: {  	_ =	shalt  }
tec
execute0_lowered:
.L_overlay_start_1:
0x0: {  	(tag) =	ssettag $0x1  }
0x1: {  	s1 =	srdreg.scid;
	s0 =	stileid.u32  }
0x2: {  	s5 =	rddreg [dreg:$0x0];
	s2 =	simm.s32 $0x0;
	s17 =	simm.s32 $0x80  }
0x3: {  	s18 =	simm.s32 $0x1100;
	s19 =	simm.s32 $0x1580;
	s20 =	simm.s32 $0x1  }
0x4: {  	s21 =	simm.s32 $0x3;
	s22 =	simm.s32 $0x2;
	s23 =	simm.s32 $0x4  }
0x5: {  	s6 =	sand.u32 $0x1, s1;
	s24 =	sshll.u32 s0, $0x1;
	[smem:$0x7FF] =	sst s2  }
0x6: {  	s4 =	sadd.s32 $0xDE00, s5;
	s11 =	sadd.s32 $0x7A800, s5;
	s26 =	smul.u32 $0x1A00, s0  }
0x7: {  	s13 =	sadd.s32 $0x94800, s5;
	s7 =	sor.u32 s6, s24;
	s29 =	smul.u32 $0xD00, s6  }
0x8: {  	_ =	strace $0x8000004A;
	s9 =	ssub.s32 $0x2, s6;
	s3 =	smul.u32 $0x1A0, s7  }
0x9: {  	s24 =	simm.s32 $0xC80;
	s10 =	sshrl.u32 s9, $0x1;
	s12 =	smul.u32 $0xD00, s7  }
0xa: {  	s25 =	ssub.s32 s9, s10;
	s14 =	sadd.s32 s29, s26;
	s8 =	sadd.s32 s3, s5  }
0xb: {  	s3 =	sadd.s32 $0x27F000, s5;
	s28 =	sadd.s32 $0xC00, s12;
	s6 =	smax.u32 s25, $0x1  }
0xc: {  	s12 =	sadd.s32 $0xC80, s12;
	s31 =	sor.u32 $0x80, s14;
	s15 =	sshrl.u32 s14, $0x3  }
0xd: {  	s25 =	simm.s32 $0x0;
	s5 =	sadd.s32 $0x7600, s8;
	s7 =	sadd.s32 s11, s28  }
0xe: {  	s8 =	sshrl.u32 s28, $0x3;
	s9 =	sadd.s32 s11, s12;
	s30 =	sshrl.u32 s12, $0x3  }
0xf: {  	s16 =	sshrl.u32 s31, $0x3;
	s11 =	sadd.s32 s11, s14;
	s12 =	sadd.s32 s15, s13  }
0x10: {  	s14 =	simm.s32 $0x5;
	s15 =	simm.s32 $0xD00;
	s8 =	sadd.s32 s13, s8  }
0x11: {  	s10 =	sadd.s32 s13, s30;
	s13 =	sadd.s32 s16, s13;
	s16 =	simm.s32 $0x1500  }
.LBB2_1:
0x12: {  	[tilespmem:s2], [sflag:$0x5] =	stream.linear.gather [hbm4b:s5+s2], $0xD00, $0x38;
	[tilespmem:$0x1600] =	vst v63  }
0x13: {  	_ =	swait.ge [sflag:s14], $0xD00  }
0x14: {  	[sflag:s14] =	ssyncset.done $0x0  }
0x15: {  	[sflag:s14] =	ssyncadd.s32 $0xFFFFF300  }
0x16: {  	[tilespmem:s15], [sflag:$0x1] =	stream.indirect.gather [hbm4b:s3+s17], $0x8, s2, s17, $0xb8;
	[tilespmem:$0x1600] =	vst v63  }
0x17: {  	_ = 	snop  }
0x18: {  	[tilespmem:s16], [sflag:$0x3] =	stream.indirect.gather [hbm4b:s4+s17], $0x1, s2, s17, $0xb8;
	[tilespmem:$0x1600] =	vst v63  }
0x19: {  	_ = 	snop  }
0x1a: {  	[tilespmem:s18], [sflag:$0x2] =	stream.indirect.gather [hbm4b:s3+s17], $0x8, s17, s17, $0xb8;
	[tilespmem:$0x1600] =	vst v63  }
0x1b: {  	_ = 	snop  }
0x1c: {  	[tilespmem:s19], [sflag:$0x4] =	stream.indirect.gather [hbm4b:s4+s17], $0x1, s17, s17, $0xb8;
	[tilespmem:$0x1600] =	vst v63  }
0x1d: {  	_ =	swait.ge [sflag:s20], $0x400  }
0x1e: {  	[sflag:s20] =	ssyncset.done $0x0  }
0x1f: {  	[sflag:s20] =	ssyncadd.s32 $0xFFFFFC00  }
0x20: {  	_ =	swait.ge [sflag:s21], $0x80  }
0x21: {  	[sflag:s21] =	ssyncset.done $0x0  }
0x22: {  	s26 =	sadd.s32 $0x0, s11;
	[sflag:s21] =	ssyncadd.s32 $0xFFFFFF80  }
0x23: {  	[hbm4b:s26+s2] =	stream.linear.scatter [tilespmem:s15], [sflag:$0x5], $0x400, $0x38;
	[tilespmem:$0x1600] =	vst v63  }
0x24: {  	_ =	swait.ge [sflag:s14], $0x400  }
0x25: {  	[sflag:s14] =	ssyncset.done $0x0  }
0x26: {  	[sflag:s14] =	ssyncadd.s32 $0xFFFFFC00  }
0x27: {  	[hbm4b:s12+s2] =	stream.linear.scatter [tilespmem:s16], [sflag:$0x5], $0x80, $0x38;
	[tilespmem:$0x1600] =	vst v63  }
0x28: {  	_ =	swait.ge [sflag:s14], $0x80  }
0x29: {  	[sflag:s14] =	ssyncset.done $0x0  }
0x2a: {  	s28 =	simm.s32 $0x100;
	[sflag:s14] =	ssyncadd.s32 $0xFFFFFF80  }
0x2b: {  	[tilespmem:s15], [sflag:$0x1] =	stream.indirect.gather [hbm4b:s3+s17], $0x8, s28, s17, $0xb8;
	[tilespmem:$0x1600] =	vst v63  }
0x2c: {  	_ = 	snop  }
0x2d: {  	[tilespmem:s16], [sflag:$0x3] =	stream.indirect.gather [hbm4b:s4+s17], $0x1, s28, s17, $0xb8;
	[tilespmem:$0x1600] =	vst v63  }
0x2e: {  	_ =	swait.ge [sflag:s22], $0x400  }
0x2f: {  	[sflag:s22] =	ssyncset.done $0x0  }
0x30: {  	[sflag:s22] =	ssyncadd.s32 $0xFFFFFC00  }
0x31: {  	_ =	swait.ge [sflag:s23], $0x80  }
0x32: {  	[sflag:s23] =	ssyncset.done $0x0  }
0x33: {  	s26 =	sadd.s32 $0x80, s26;
	[sflag:s23] =	ssyncadd.s32 $0xFFFFFF80  }
0x34: {  	[hbm4b:s26+s2] =	stream.linear.scatter [tilespmem:s18], [sflag:$0x5], $0x400, $0x38;
	[tilespmem:$0x1600] =	vst v63  }
0x35: {  	_ =	swait.ge [sflag:s14], $0x400  }
0x36: {  	[sflag:s14] =	ssyncset.done $0x0  }
0x37: {  	[sflag:s14] =	ssyncadd.s32 $0xFFFFFC00  }
0x38: {  	[hbm4b:s13+s2] =	stream.linear.scatter [tilespmem:s19], [sflag:$0x5], $0x80, $0x38;
	[tilespmem:$0x1600] =	vst v63  }
0x39: {  	s29 =	smov.u32 s12;
	s30 =	simm.s32 $0x80;
	_ =	swait.ge [sflag:s14], $0x80  }
0x3a: {  	s28 =	sadd.s32 $0x20, s13;
	s26 =	simm.s32 $0x100;
	[sflag:s14] =	ssyncset.done $0x0  }
.LBB2_2:
0x3b: {  	[sflag:s14] =	ssyncadd.s32 $0xFFFFFF80;
	s29 =	sadd.s32 $0x20, s29;
	s30 =	sadd.s32 $0x100, s30  }
0x3c: {  	[tilespmem:s18], [sflag:$0x2] =	stream.indirect.gather [hbm4b:s3+s17], $0x8, s30, s17, $0xb8;
	[tilespmem:$0x1600] =	vst v63  }
0x3d: {  	p0 =	sne.s32 s26, $0xB00;
	s31 =	smov.u32 s26;
	s26 =	sadd.s32 $0x100, s26  }
0x3e: {  	[tilespmem:s19], [sflag:$0x4] =	stream.indirect.gather [hbm4b:s4+s17], $0x1, s30, s17, $0xb8;
	[tilespmem:$0x1600] =	vst v63  }
0x3f: {  	_ =	swait.ge [sflag:s20], $0x400  }
0x40: {  	[sflag:s20] =	ssyncset.done $0x0  }
0x41: {  	[sflag:s20] =	ssyncadd.s32 $0xFFFFFC00  }
0x42: {  	_ =	swait.ge [sflag:s21], $0x80  }
0x43: {  	[sflag:s21] =	ssyncset.done $0x0  }
0x44: {  	s31 =	sadd.s32 s31, s11;
	[sflag:s21] =	ssyncadd.s32 $0xFFFFFF80  }
0x45: {  	[hbm4b:s31+s2] =	stream.linear.scatter [tilespmem:s15], [sflag:$0x5], $0x400, $0x38;
	[tilespmem:$0x1600] =	vst v63  }
0x46: {  	_ =	swait.ge [sflag:s14], $0x400  }
0x47: {  	[sflag:s14] =	ssyncset.done $0x0  }
0x48: {  	[sflag:s14] =	ssyncadd.s32 $0xFFFFFC00  }
0x49: {  	[hbm4b:s29+s2] =	stream.linear.scatter [tilespmem:s16], [sflag:$0x5], $0x80, $0x38;
	[tilespmem:$0x1600] =	vst v63  }
0x4a: {  	_ =	swait.ge [sflag:s14], $0x80  }
0x4b: {  	[sflag:s14] =	ssyncset.done $0x0  }
0x4c: {  	s1 =	sadd.s32 $0x80, s30;
	[sflag:s14] =	ssyncadd.s32 $0xFFFFFF80  }
0x4d: {  	[tilespmem:s15], [sflag:$0x1] =	stream.indirect.gather [hbm4b:s3+s17], $0x8, s1, s17, $0xb8;
	[tilespmem:$0x1600] =	vst v63  }
0x4e: {  	_ = 	snop  }
0x4f: {  	[tilespmem:s16], [sflag:$0x3] =	stream.indirect.gather [hbm4b:s4+s17], $0x1, s1, s17, $0xb8;
	[tilespmem:$0x1600] =	vst v63  }
0x50: {  	_ =	swait.ge [sflag:s22], $0x400  }
0x51: {  	[sflag:s22] =	ssyncset.done $0x0  }
0x52: {  	[sflag:s22] =	ssyncadd.s32 $0xFFFFFC00  }
0x53: {  	_ =	swait.ge [sflag:s23], $0x80  }
0x54: {  	[sflag:s23] =	ssyncset.done $0x0  }
0x55: {  	s1 =	sadd.s32 $0x80, s31;
	[sflag:s23] =	ssyncadd.s32 $0xFFFFFF80  }
0x56: {  	[hbm4b:s1+s2] =	stream.linear.scatter [tilespmem:s18], [sflag:$0x5], $0x400, $0x38;
	[tilespmem:$0x1600] =	vst v63  }
0x57: {  	_ =	swait.ge [sflag:s14], $0x400  }
.Ltmp0:
0x58: {  	[sflag:s14] =	ssyncset.done $0x0;
	(pc) =	sbr.rel @p0 .LBB2_2-.Ltmp0, $4  }
0x59: {  	[sflag:s14] =	ssyncadd.s32 $0xFFFFFC00  }
0x5a: {  	[hbm4b:s28+s2] =	stream.linear.scatter [tilespmem:s19], [sflag:$0x5], $0x80, $0x38;
	[tilespmem:$0x1600] =	vst v63  }
0x5b: {  	_ =	swait.ge [sflag:s14], $0x80  }
0x5c: {  	s28 =	sadd.s32 $0x20, s28;
	[sflag:s14] =	ssyncset.done $0x0  }
0x5d: {  	[sflag:s14] =	ssyncadd.s32 $0xFFFFFF80  }
0x5e: {  	[tilespmem:s18], [sflag:$0x2] =	stream.indirect.gather [hbm4b:s3+s17], $0x8, s24, s17, $0xb8;
	[tilespmem:$0x1600] =	vst v63  }
0x5f: {  	_ = 	snop  }
0x60: {  	[tilespmem:s19], [sflag:$0x4] =	stream.indirect.gather [hbm4b:s4+s17], $0x1, s24, s17, $0xb8;
	[tilespmem:$0x1600] =	vst v63  }
0x61: {  	_ =	swait.ge [sflag:s20], $0x400  }
0x62: {  	[sflag:s20] =	ssyncset.done $0x0  }
0x63: {  	[sflag:s20] =	ssyncadd.s32 $0xFFFFFC00  }
0x64: {  	_ =	swait.ge [sflag:s21], $0x80  }
0x65: {  	[sflag:s21] =	ssyncset.done $0x0  }
0x66: {  	[sflag:s21] =	ssyncadd.s32 $0xFFFFFF80  }
0x67: {  	[hbm4b:s7+s2] =	stream.linear.scatter [tilespmem:s15], [sflag:$0x5], $0x400, $0x38;
	[tilespmem:$0x1600] =	vst v63  }
0x68: {  	_ =	swait.ge [sflag:s14], $0x400  }
0x69: {  	[sflag:s14] =	ssyncset.done $0x0  }
0x6a: {  	[sflag:s14] =	ssyncadd.s32 $0xFFFFFC00  }
0x6b: {  	[hbm4b:s8+s2] =	stream.linear.scatter [tilespmem:s16], [sflag:$0x5], $0x80, $0x38;
	[tilespmem:$0x1600] =	vst v63  }
0x6c: {  	_ =	swait.ge [sflag:s14], $0x80  }
0x6d: {  	[sflag:s14] =	ssyncset.done $0x0  }
0x6e: {  	[sflag:s14] =	ssyncadd.s32 $0xFFFFFF80  }
0x6f: {  	_ =	swait.ge [sflag:s22], $0x400  }
0x70: {  	[sflag:s22] =	ssyncset.done $0x0  }
0x71: {  	[sflag:s22] =	ssyncadd.s32 $0xFFFFFC00  }
0x72: {  	_ =	swait.ge [sflag:s23], $0x80  }
0x73: {  	[sflag:s23] =	ssyncset.done $0x0  }
0x74: {  	[sflag:s23] =	ssyncadd.s32 $0xFFFFFF80  }
0x75: {  	[hbm4b:s9+s2] =	stream.linear.scatter [tilespmem:s18], [sflag:$0x5], $0x400, $0x38;
	[tilespmem:$0x1600] =	vst v63  }
0x76: {  	s25 =	sadd.s32 $0x1, s25;
	_ =	swait.ge [sflag:s14], $0x400  }
0x77: {  	p0 =	sne.s32 s25, s6;
	[sflag:s14] =	ssyncset.done $0x0  }
.Ltmp1:
0x78: {  	[sflag:s14] =	ssyncadd.s32 $0xFFFFFC00;
	(pc) =	sbr.rel @p0 .LBB2_1-.Ltmp1, $4  }
0x79: {  	[hbm4b:s10+s2] =	stream.linear.scatter [tilespmem:s19], [sflag:$0x5], $0x80, $0x38;
	[tilespmem:$0x1600] =	vst v63  }
0x7a: {  	_ =	swait.ge [sflag:s14], $0x80  }
0x7b: {  	[sflag:s14] =	ssyncset.done $0x0  }
0x7c: {  	[sflag:s14] =	ssyncadd.s32 $0xFFFFFF80  }
0x7d: {  	_ =	sfence.sel $0x180000  }
0x7e: {  	[bflag:$0x0] =	sbarrier.arrive $0xFFFF  }
0x7f: {  	_ =	strace $0x9000004A  }
0x80: {  	[bflag:$0x2] =	sbarrier.arrive $0xFFFF  }
0x81: {  	p0 =	sne.s32 s0, $0x0;
	s0 =	rddreg [dreg:$0x1]  }
0x82: {  	s0 =	sadd.s32 @!p0 $0x100000, s0  }
0x83: {  	[sflag:s0] =	ssyncadd.tile.s32 @!p0 $0x1;
	_ =	shalt  }
.Lfunc_end2:
_tile_overlayer_lowered:
.L_overlay_start_2:
0x84: {  	(tag) =	ssettag $0x2  }
0x85: {  	s0 =	rddreg [dreg:$0x0];
	s2 =	stileid.u32  }
0x86: {  	s1 =	rddreg [dreg:$0x1];
	p0 =	sne.s32 s2, $0x0  }
0x87: {  	s3 =	rddreg [dreg:$0x2];
	[bflag:$0x3] =	sbarrier.arrive $0xFFFF;
	s2 =	simm.s32 @!p0 $0x1C05  }
0x88: {  	[timem:s3], [sflag:s2] =	dma.local @!p0 [hbm:s0], s1  }
0x89: {  	s0 =	simm.s32 @!p0 $0x5  }
0x8a: {  	_ =	swait.ge @!p0 [sflag:s0], s1  }
0x8b: {  	s1 =	ssub.s32 @!p0 $0x0, s1;
	[sflag:s0] =	ssyncset.done @!p0 $0x0  }
0x8c: {  	[sflag:s0] =	ssyncadd.s32 @!p0 s1  }
0x8d: {  	[bflag:$0x3] =	sbarrier.arrive $0xFFFF  }
0x8e: {  	_ =	shalt  }

// kernel: kernel.19.cloned.1.call-start
scs
__scs_entry_jumppad:
0x0: {  	(pc) =	sbr.rel $0x88, $3  }
0x1: {  	(tag) =	ssettag $0x0;
	lr =	simm.s32 $0x1  }
0x2: {  	[smem:$0x3F96] =	sst lr;
	_ =	strace $0xD0000000  }
0x3: {  	_ = 	snop  }
0x4: {  	_ = 	snop  }
0x5: {  	_ = 	snop  }
0x6: {  	_ = 	snop  }
0x7: {  	_ = 	snop  }
__scs_overlays_trampoline_lowered:
0x8: {  	[smem:$0x3FA5] =	sst s0  }
0x9: {  	[smem:$0x3FA6] =	sst s1  }
0xa: {  	[smem:$0x3FA7] =	sst s2  }
0xb: {  	[smem:$0x3FA8] =	sst s3  }
0xc: {  	[smem:$0x3FA9] =	sst s4  }
0xd: {  	[smem:$0x3FAA] =	sst s5  }
0xe: {  	[smem:$0x3FAB] =	sst s6  }
0xf: {  	[smem:$0x3FAC] =	sst s7  }
0x10: {  	[smem:$0x3FAD] =	sst s8  }
0x11: {  	[smem:$0x3FAE] =	sst s9;
	s0 =	simm.s32 @!p0 $0x0  }
0x12: {  	s1 =	sld [smem:$0x3F94];
	s0 =	simm.s32 @p0 $0x1  }
0x13: {  	[smem:$0x3FAF] =	sst s0;
	s0 =	simm.s32 @!p1 $0x0  }
0x14: {  	s2 =	sld [smem:$0x3F93];
	s0 =	simm.s32 @p1 $0x1  }
0x15: {  	[smem:$0x3FB0] =	sst s0;
	s0 =	simm.s32 @!p2 $0x0  }
0x16: {  	s3 =	sld [smem:$0x3FDB];
	s0 =	simm.s32 @p2 $0x1  }
0x17: {  	s4 =	simm.s32 $0x1BF5;
	[smem:$0x3FB2] =	sst s0  }
0x18: {  	s0 =	sld [smem:$0x3F95];
	_ =	swait.ge [sflag:s4], $0x0  }
0x19: {  	s7 =	sld [smem:$0x3F96]  }
0x1a: {  	s8 =	sadd.s32 $0xFFFFE003, lr  }
0x1b: {  	s9 =	sadd.s32 $0xFFFFFEF7, lr;
	s5 =	simm.s32 $0xFFFFFFFF;
	p2 =	slt.u32 s8, $0xFFFFF086  }
0x1c: {  	p1 =	slt.u32 s9, $0xF7A;
	s5 =	simm.s32 @!p2 $0x0  }
0x1d: {  	s5 =	simm.s32 @p1 $0x1;
	p0 =	seq.s32 s7, s2  }
0x1e: {  	s7 =	smul.u32 @!p0 $0xF7A, s2;
	p2 =	seq.s32 @!p0 s5, $0x0  }
0x1f: {  	s9 =	smul.u32 $0xF7A, s1;
	s8 =	simm.s32 @!p0 $0x1BF5;
	p2 =	por !p2, p0  }
0x20: {  	[sflag:s8] =	ssyncset.s32 @!p0 $0xFFFFF086;
	s6 =	sadd.s32 @!p0 s3, s7;
	s7 =	simm.s32 @!p0 $0x108  }
0x21: {  	s3 =	sadd.s32 s3, s9;
	s6 =	sadd.s32 @!p0 $0x88, s6;
	s7 =	simm.s32 @p2 $0x1082  }
0x22: {  	[simem:s7], [sflag:s8] =	dma.local @!p0 [hbm:s6], $0xF7A  }
0x23: {  	s9 =	sor.u32 $0xD0000000, s2;
	s6 =	simm.s32 $0x108;
	_ =	swait.ge @!p0 [sflag:s8], $0x0  }
0x24: {  	s3 =	sadd.s32 $0x88, s3;
	s6 =	simm.s32 @!p1 $0x1082;
	[sflag:s4] =	ssyncset.s32 $0xFFFFF086  }
0x25: {  	[simem:s6], [sflag:s4] =	dma.local [hbm:s3], $0xF7A  }
0x26: {  	[smem:$0x3F96] =	sst s1;
	(tag) =	ssettag s2;
	_ =	strace s9  }
0x27: {  	s1 =	sld [smem:$0x3FA6]  }
0x28: {  	s2 =	sld [smem:$0x3FA7]  }
0x29: {  	s4 =	sld [smem:$0x3FA9]  }
0x2a: {  	p0 =	seq.s32 s5, $0x0;
	s5 =	sld [smem:$0x3FAA]  }
0x2b: {  	s6 =	sld [smem:$0x3FAB]  }
0x2c: {  	s7 =	sld [smem:$0x3FAC]  }
0x2d: {  	s3 =	simm.s32 $0x108;
	s8 =	sld [smem:$0x3FAD]  }
0x2e: {  	s3 =	simm.s32 @!p0 $0x1082;
	s9 =	sld [smem:$0x3FAE]  }
0x2f: {  	lr =	sadd.s32 s0, s3;
	s0 =	sld [smem:$0x3FA5]  }
0x30: {  	s3 =	sld [smem:$0x3FA8]  }
0x31: {  	[smem:$0x3FB1] =	sst s10  }
0x32: {  	s10 =	sld [smem:$0x3FAF];
	_ =	sdelay $0x3  }
0x33: {  	p0 =	seq.s32 s10, $0x1;
	s10 =	sld [smem:$0x3FB1];
	_ =	sdelay $0x3  }
0x34: {  	[smem:$0x3FB1] =	sst s10  }
0x35: {  	s10 =	sld [smem:$0x3FB0];
	_ =	sdelay $0x3  }
0x36: {  	p1 =	seq.s32 s10, $0x1;
	s10 =	sld [smem:$0x3FB1];
	_ =	sdelay $0x3  }
0x37: {  	[smem:$0x3FB1] =	sst s10  }
0x38: {  	s10 =	sld [smem:$0x3FB2]  }
0x39: {  	_ = 	snop;
	(pc) =	sbr.ind lr, $3  }
0x3a: {  	_ = 	snop  }
0x3b: {  	_ = 	snop  }
0x3c: {  	p2 =	seq.s32 s10, $0x1;
	s10 =	sld [smem:$0x3FB1]  }
0x3d: {  	_ =	shalt  }
0x3e: {  	_ =	shalt  }
0x3f: {  	_ =	shalt  }
0x40: {  	_ =	shalt  }
0x41: {  	_ =	shalt  }
0x42: {  	_ =	shalt  }
0x43: {  	_ =	shalt  }
0x44: {  	_ =	shalt  }
0x45: {  	_ =	shalt  }
0x46: {  	_ =	shalt  }
0x47: {  	_ =	shalt  }
0x48: {  	_ =	shalt  }
0x49: {  	_ =	shalt  }
0x4a: {  	_ =	shalt  }
0x4b: {  	_ =	shalt  }
0x4c: {  	_ =	shalt  }
0x4d: {  	_ =	shalt  }
0x4e: {  	_ =	shalt  }
0x4f: {  	_ =	shalt  }
0x50: {  	_ =	shalt  }
0x51: {  	_ =	shalt  }
0x52: {  	_ =	shalt  }
0x53: {  	_ =	shalt  }
0x54: {  	_ =	shalt  }
0x55: {  	_ =	shalt  }
0x56: {  	_ =	shalt  }
0x57: {  	_ =	shalt  }
0x58: {  	_ =	shalt  }
0x59: {  	_ =	shalt  }
0x5a: {  	_ =	shalt  }
0x5b: {  	_ =	shalt  }
0x5c: {  	_ =	shalt  }
0x5d: {  	_ =	shalt  }
0x5e: {  	_ =	shalt  }
0x5f: {  	_ =	shalt  }
0x60: {  	_ =	shalt  }
0x61: {  	_ =	shalt  }
0x62: {  	_ =	shalt  }
0x63: {  	_ =	shalt  }
0x64: {  	_ =	shalt  }
0x65: {  	_ =	shalt  }
0x66: {  	_ =	shalt  }
0x67: {  	_ =	shalt  }
0x68: {  	_ =	shalt  }
0x69: {  	_ =	shalt  }
0x6a: {  	_ =	shalt  }
0x6b: {  	_ =	shalt  }
0x6c: {  	_ =	shalt  }
0x6d: {  	_ =	shalt  }
0x6e: {  	_ =	shalt  }
0x6f: {  	_ =	shalt  }
0x70: {  	_ =	shalt  }
0x71: {  	_ =	shalt  }
0x72: {  	_ =	shalt  }
0x73: {  	_ =	shalt  }
0x74: {  	_ =	shalt  }
0x75: {  	_ =	shalt  }
0x76: {  	_ =	shalt  }
0x77: {  	_ =	shalt  }
0x78: {  	_ =	shalt  }
0x79: {  	_ =	shalt  }
0x7a: {  	_ =	shalt  }
0x7b: {  	_ =	shalt  }
0x7c: {  	_ =	shalt  }
0x7d: {  	_ =	shalt  }
0x7e: {  	_ =	shalt  }
0x7f: {  	_ =	shalt  }
0x80: {  	_ =	shalt  }
0x81: {  	_ =	shalt  }
0x82: {  	_ =	shalt  }
0x83: {  	_ =	shalt  }
0x84: {  	_ =	shalt  }
0x85: {  	_ =	shalt  }
0x86: {  	_ =	shalt  }
0x87: {  	_ =	shalt  }
.Lfunc_end0:
.L_simem_size_0:
called_computation.3_lowered:
.L_overlay_start_0:
0x88: {  	s2 =	sld [smem:$0x3FD9]  }
0x89: {  	s3 =	sld [smem:$0x3FFE];
	_ =	sdelay $0x1  }
0x8a: {  	s1 =	srdreg.scid  }
0x8b: {  	s0 =	sand.u32 $0x1, s1  }
0x8c: {  	s17 =	sshll.u32 s0, $0xA;
	s2 =	sadd.s32 s3, s2  }
0x8d: {  	s2 =	sadd.s32 s2, s17  }
0x8e: {  	[smem:$0x3FBD] =	sst s2  }
0x8f: {  	_ = 	snop  }
0x90: {  	(tm) =	ssettm $0x1  }
0x91: {  	s18 =	sld [smem:$0x3FFB];
	_ =	sdelay $0x3  }
0x92: {  	_ =	strace s18  }
0x93: {  	s2 =	sld [smem:$0x3FFC];
	_ =	sdelay $0x3  }
0x94: {  	_ =	strace s2  }
0x95: {  	s2 =	sld [smem:$0x3FFD];
	_ =	sdelay $0x3  }
0x96: {  	_ =	strace s2  }
0x97: {  	_ =	strace $0x8FFFFFFF  }
0x98: {  	s19 =	sld [smem:$0x3FDB];
	_ =	sdelay $0x1  }
0x99: {  	s20 =	simm.s32 $_scs_section_size  }
0x9a: {  	s4 =	simm.s32 $_size__tile_overlayer_lowered;
	s5 =	simm.s32 $_tile_overlayer_lowered  }
0x9b: {  	s6 =	simm.s32 $0x1BFF;
	s21 =	sshll.u32 s5, $0x1;
	s3 =	sadd.s32 s20, s19  }
0x9c: {  	s22 =	simm.s32 $0x0;
	s4 =	sshll.u32 s4, $0x1;
	s5 =	sadd.s32 s21, s3  }
0x9d: {  	[timem:s22], [sflag:s6] =	dma.local [hbm:s5], s4  }
0x9e: {  	_ =	swait.ge [sflag:s6], s4  }
0x9f: {  	s4 =	ssub.s32 $0x0, s4;
	[sflag:s6] =	ssyncset.done $0x0  }
0xa0: {  	[sflag:s6] =	ssyncadd.s32 s4;
	_ =	sdelay $0x1  }
0xa1: {  	s23 =	simm.s32 $0x1B8B  }
0xa2: {  	_ =	swait.ge [sflag:s23], $0x1  }
0xa3: {  	[sflag:s23] =	ssyncset.done $0x0  }
0xa4: {  	[sflag:s23] =	ssyncadd.s32 $0xFFFFFFFF  }
0xa5: {  	s4 =	sld [smem:$0x0]  }
0xa6: {  	s5 =	sand.u32 $0xFFFFFFFE, s1  }
0xa7: {  	p0 =	sne.s32 s1, s5  }
0xa8: {  	s5 =	sshll.u32 @p0 s5, $0xE  }
0xa9: {  	s5 =	sadd.s32 @p0 $0x11B8D, s5;
	s6 =	sshll.u32 @p0 s4, $0x11  }
0xaa: {  	s5 =	sor.u32 @p0 s6, s5  }
0xab: {  	[sflag:s5] =	ssyncadd.remote.s32 @p0 $0x1;
	_ =	sdelay $0x1  }
0xac: {  	s5 =	simm.s32 @p0 $0x1B8D  }
0xad: {  	_ =	swait.eq @p0 [sflag:s5], $0x1  }
0xae: {  	[sflag:s5] =	ssyncadd.s32 @p0 $0xFFFFFFFF  }
0xaf: {  	s6 =	sshll.u32 @!p0 s1, $0xE  }
0xb0: {  	s6 =	sor.u32 @!p0 $0x4000, s6;
	s5 =	simm.s32 @!p0 $0x1B8D  }
0xb1: {  	s4 =	sshll.u32 @!p0 s4, $0x11;
	s6 =	sadd.s32 @!p0 $0x11B8D, s6;
	_ =	swait.eq @!p0 [sflag:s5], $0x1  }
0xb2: {  	s4 =	sor.u32 @!p0 s4, s6;
	[sflag:s5] =	ssyncadd.s32 @!p0 $0xFFFFFFFF  }
0xb3: {  	s25 =	simm.s32 $0x1B8E;
	s24 =	sld [smem:$0x3FFE];
	[sflag:s4] =	ssyncadd.remote.s32 @!p0 $0x1  }
0xb4: {  	s26 =	simm.s32 $execute0_lowered;
	[smem:$0x3FD2] =	sst s25  }
0xb5: {  	s5 =	sshll.u32 s26, $0x1;
	_ =	strace $0x8000004C;
	[dreg:$0x1] =	wrdreg $0xFFFFFFFF  }
0xb6: {  	s28 =	simm.s32 $_size_execute0_lowered;
	s3 =	sadd.s32 s3, s5;
	[dreg:$0x0] =	wrdreg $0x0  }
0xb7: {  	s5 =	sshll.u32 s28, $0x1;
	[dreg:$0x2] =	wrdreg s3  }
0xb8: {  	[dreg:$0x3] =	wrdreg s5  }
0xb9: {  	[dreg:$0x4] =	wrdreg $0xC0  }
0xba: {  	_ =	task [dreg:s22], $0x5FFFF  }
0xbb: {  	[dreg:$0x1] =	wrdreg $0xFFFFFFFF  }
0xbc: {  	[dreg:$0x0] =	wrdreg $0x60  }
0xbd: {  	[dreg:$0x2] =	wrdreg s24  }
0xbe: {  	[dreg:$0x3] =	wrdreg $0xC  }
0xbf: {  	_ =	task.clear_ibuf [dreg:s22], $0x4FFFF;
	_ =	strace $0x9000004C  }
0xc0: {  	s29 =	simm.s32 $0xC;
	_ =	strace $0x8000004E  }
0xc1: {  	_ =	swait.ge [sflag:s29], $0x1  }
0xc2: {  	[sflag:s29] =	ssyncadd.s32 $0xFFFFFFFF  }
0xc3: {  	_ =	strace $0x9000004E  }
0xc4: {  	_ =	sfence  }
0xc5: {  	s30 =	sld [smem:$0x0];
	_ =	sdelay $0x2  }
0xc6: {  	s31 =	sshll.u32 s1, $0xD;
	s1 =	sshrl.u32 s1, $0x2  }
0xc7: {  	s4 =	sand.u32 $0x4000, s31;
	s1 =	sadd.s32 s1, s30  }
0xc8: {  	s0 =	sor.u32 s4, s0;
	s1 =	sshll.u32 s1, $0x11  }
0xc9: {  	s0 =	sor.u32 s1, s0  }
0xca: {  	s0 =	sadd.s32 $0x8F2B, s0  }
0xcb: {  	[sflag:s0] =	ssyncadd.remote.s32 $0x1  }
0xcc: {  	_ =	sfence.sel $0xFFFF  }
0xcd: {  	[dreg:$0x0] =	wrdreg $0xFFFFFFFF;
	(pc) =	sbr.abs _section_cstart, $3  }
0xce: {  	[dreg:$0x1] =	wrdreg $0xFFFFFFFF  }
0xcf: {  	_ =	task.clear_ibuf [dreg:s22], $0x2FFFF;
	_ =	strace $0x9FFFFFFF  }
0xd0: {  	(tm) =	ssettm $0x7FFFFFFF  }
0xd1: {  	_ =	shalt  }
tec
execute0_lowered:
.L_overlay_start_1:
0x0: {  	(tag) =	ssettag $0x1  }
0x1: {  	s1 =	srdreg.scid;
	s0 =	stileid.u32  }
0x2: {  	s5 =	rddreg [dreg:$0x0];
	s2 =	simm.s32 $0x0;
	s17 =	simm.s32 $0x80  }
0x3: {  	s18 =	simm.s32 $0x1100;
	s19 =	simm.s32 $0x1580;
	s20 =	simm.s32 $0x1  }
0x4: {  	s21 =	simm.s32 $0x3;
	s22 =	simm.s32 $0x2;
	s23 =	simm.s32 $0x4  }
0x5: {  	s6 =	sand.u32 $0x1, s1;
	s24 =	sshll.u32 s0, $0x1;
	[smem:$0x7FF] =	sst s2  }
0x6: {  	s4 =	sadd.s32 $0xDE00, s5;
	s11 =	sadd.s32 $0x97C00, s5;
	s26 =	smul.u32 $0x1A00, s0  }
0x7: {  	s13 =	sadd.s32 $0xB1C00, s5;
	s7 =	sor.u32 s6, s24;
	s29 =	smul.u32 $0xD00, s6  }
0x8: {  	_ =	strace $0x8000004D;
	s9 =	ssub.s32 $0x2, s6;
	s3 =	smul.u32 $0x1A0, s7  }
0x9: {  	s24 =	simm.s32 $0xC80;
	s10 =	sshrl.u32 s9, $0x1;
	s12 =	smul.u32 $0xD00, s7  }
0xa: {  	s25 =	ssub.s32 s9, s10;
	s14 =	sadd.s32 s29, s26;
	s8 =	sadd.s32 s3, s5  }
0xb: {  	s3 =	sadd.s32 $0x27F000, s5;
	s28 =	sadd.s32 $0xC00, s12;
	s6 =	smax.u32 s25, $0x1  }
0xc: {  	s12 =	sadd.s32 $0xC80, s12;
	s31 =	sor.u32 $0x80, s14;
	s15 =	sshrl.u32 s14, $0x3  }
0xd: {  	s25 =	simm.s32 $0x0;
	s5 =	sadd.s32 $0xAA00, s8;
	s7 =	sadd.s32 s11, s28  }
0xe: {  	s8 =	sshrl.u32 s28, $0x3;
	s9 =	sadd.s32 s11, s12;
	s30 =	sshrl.u32 s12, $0x3  }
0xf: {  	s16 =	sshrl.u32 s31, $0x3;
	s11 =	sadd.s32 s11, s14;
	s12 =	sadd.s32 s15, s13  }
0x10: {  	s14 =	simm.s32 $0x5;
	s15 =	simm.s32 $0xD00;
	s8 =	sadd.s32 s13, s8  }
0x11: {  	s10 =	sadd.s32 s13, s30;
	s13 =	sadd.s32 s16, s13;
	s16 =	simm.s32 $0x1500  }
.LBB2_1:
0x12: {  	[tilespmem:s2], [sflag:$0x5] =	stream.linear.gather [hbm4b:s5+s2], $0xD00, $0x38;
	[tilespmem:$0x1600] =	vst v63  }
0x13: {  	_ =	swait.ge [sflag:s14], $0xD00  }
0x14: {  	[sflag:s14] =	ssyncset.done $0x0  }
0x15: {  	[sflag:s14] =	ssyncadd.s32 $0xFFFFF300  }
0x16: {  	[tilespmem:s15], [sflag:$0x1] =	stream.indirect.gather [hbm4b:s3+s17], $0x8, s2, s17, $0xb8;
	[tilespmem:$0x1600] =	vst v63  }
0x17: {  	_ = 	snop  }
0x18: {  	[tilespmem:s16], [sflag:$0x3] =	stream.indirect.gather [hbm4b:s4+s17], $0x1, s2, s17, $0xb8;
	[tilespmem:$0x1600] =	vst v63  }
0x19: {  	_ = 	snop  }
0x1a: {  	[tilespmem:s18], [sflag:$0x2] =	stream.indirect.gather [hbm4b:s3+s17], $0x8, s17, s17, $0xb8;
	[tilespmem:$0x1600] =	vst v63  }
0x1b: {  	_ = 	snop  }
0x1c: {  	[tilespmem:s19], [sflag:$0x4] =	stream.indirect.gather [hbm4b:s4+s17], $0x1, s17, s17, $0xb8;
	[tilespmem:$0x1600] =	vst v63  }
0x1d: {  	_ =	swait.ge [sflag:s20], $0x400  }
0x1e: {  	[sflag:s20] =	ssyncset.done $0x0  }
0x1f: {  	[sflag:s20] =	ssyncadd.s32 $0xFFFFFC00  }
0x20: {  	_ =	swait.ge [sflag:s21], $0x80  }
0x21: {  	[sflag:s21] =	ssyncset.done $0x0  }
0x22: {  	s26 =	sadd.s32 $0x0, s11;
	[sflag:s21] =	ssyncadd.s32 $0xFFFFFF80  }
0x23: {  	[hbm4b:s26+s2] =	stream.linear.scatter [tilespmem:s15], [sflag:$0x5], $0x400, $0x38;
	[tilespmem:$0x1600] =	vst v63  }
0x24: {  	_ =	swait.ge [sflag:s14], $0x400  }
0x25: {  	[sflag:s14] =	ssyncset.done $0x0  }
0x26: {  	[sflag:s14] =	ssyncadd.s32 $0xFFFFFC00  }
0x27: {  	[hbm4b:s12+s2] =	stream.linear.scatter [tilespmem:s16], [sflag:$0x5], $0x80, $0x38;
	[tilespmem:$0x1600] =	vst v63  }
0x28: {  	_ =	swait.ge [sflag:s14], $0x80  }
0x29: {  	[sflag:s14] =	ssyncset.done $0x0  }
0x2a: {  	s28 =	simm.s32 $0x100;
	[sflag:s14] =	ssyncadd.s32 $0xFFFFFF80  }
0x2b: {  	[tilespmem:s15], [sflag:$0x1] =	stream.indirect.gather [hbm4b:s3+s17], $0x8, s28, s17, $0xb8;
	[tilespmem:$0x1600] =	vst v63  }
0x2c: {  	_ = 	snop  }
0x2d: {  	[tilespmem:s16], [sflag:$0x3] =	stream.indirect.gather [hbm4b:s4+s17], $0x1, s28, s17, $0xb8;
	[tilespmem:$0x1600] =	vst v63  }
0x2e: {  	_ =	swait.ge [sflag:s22], $0x400  }
0x2f: {  	[sflag:s22] =	ssyncset.done $0x0  }
0x30: {  	[sflag:s22] =	ssyncadd.s32 $0xFFFFFC00  }
0x31: {  	_ =	swait.ge [sflag:s23], $0x80  }
0x32: {  	[sflag:s23] =	ssyncset.done $0x0  }
0x33: {  	s26 =	sadd.s32 $0x80, s26;
	[sflag:s23] =	ssyncadd.s32 $0xFFFFFF80  }
0x34: {  	[hbm4b:s26+s2] =	stream.linear.scatter [tilespmem:s18], [sflag:$0x5], $0x400, $0x38;
	[tilespmem:$0x1600] =	vst v63  }
0x35: {  	_ =	swait.ge [sflag:s14], $0x400  }
0x36: {  	[sflag:s14] =	ssyncset.done $0x0  }
0x37: {  	[sflag:s14] =	ssyncadd.s32 $0xFFFFFC00  }
0x38: {  	[hbm4b:s13+s2] =	stream.linear.scatter [tilespmem:s19], [sflag:$0x5], $0x80, $0x38;
	[tilespmem:$0x1600] =	vst v63  }
0x39: {  	s29 =	smov.u32 s12;
	s30 =	simm.s32 $0x80;
	_ =	swait.ge [sflag:s14], $0x80  }
0x3a: {  	s28 =	sadd.s32 $0x20, s13;
	s26 =	simm.s32 $0x100;
	[sflag:s14] =	ssyncset.done $0x0  }
.LBB2_2:
0x3b: {  	[sflag:s14] =	ssyncadd.s32 $0xFFFFFF80;
	s29 =	sadd.s32 $0x20, s29;
	s30 =	sadd.s32 $0x100, s30  }
0x3c: {  	[tilespmem:s18], [sflag:$0x2] =	stream.indirect.gather [hbm4b:s3+s17], $0x8, s30, s17, $0xb8;
	[tilespmem:$0x1600] =	vst v63  }
0x3d: {  	p0 =	sne.s32 s26, $0xB00;
	s31 =	smov.u32 s26;
	s26 =	sadd.s32 $0x100, s26  }
0x3e: {  	[tilespmem:s19], [sflag:$0x4] =	stream.indirect.gather [hbm4b:s4+s17], $0x1, s30, s17, $0xb8;
	[tilespmem:$0x1600] =	vst v63  }
0x3f: {  	_ =	swait.ge [sflag:s20], $0x400  }
0x40: {  	[sflag:s20] =	ssyncset.done $0x0  }
0x41: {  	[sflag:s20] =	ssyncadd.s32 $0xFFFFFC00  }
0x42: {  	_ =	swait.ge [sflag:s21], $0x80  }
0x43: {  	[sflag:s21] =	ssyncset.done $0x0  }
0x44: {  	s31 =	sadd.s32 s31, s11;
	[sflag:s21] =	ssyncadd.s32 $0xFFFFFF80  }
0x45: {  	[hbm4b:s31+s2] =	stream.linear.scatter [tilespmem:s15], [sflag:$0x5], $0x400, $0x38;
	[tilespmem:$0x1600] =	vst v63  }
0x46: {  	_ =	swait.ge [sflag:s14], $0x400  }
0x47: {  	[sflag:s14] =	ssyncset.done $0x0  }
0x48: {  	[sflag:s14] =	ssyncadd.s32 $0xFFFFFC00  }
0x49: {  	[hbm4b:s29+s2] =	stream.linear.scatter [tilespmem:s16], [sflag:$0x5], $0x80, $0x38;
	[tilespmem:$0x1600] =	vst v63  }
0x4a: {  	_ =	swait.ge [sflag:s14], $0x80  }
0x4b: {  	[sflag:s14] =	ssyncset.done $0x0  }
0x4c: {  	s1 =	sadd.s32 $0x80, s30;
	[sflag:s14] =	ssyncadd.s32 $0xFFFFFF80  }
0x4d: {  	[tilespmem:s15], [sflag:$0x1] =	stream.indirect.gather [hbm4b:s3+s17], $0x8, s1, s17, $0xb8;
	[tilespmem:$0x1600] =	vst v63  }
0x4e: {  	_ = 	snop  }
0x4f: {  	[tilespmem:s16], [sflag:$0x3] =	stream.indirect.gather [hbm4b:s4+s17], $0x1, s1, s17, $0xb8;
	[tilespmem:$0x1600] =	vst v63  }
0x50: {  	_ =	swait.ge [sflag:s22], $0x400  }
0x51: {  	[sflag:s22] =	ssyncset.done $0x0  }
0x52: {  	[sflag:s22] =	ssyncadd.s32 $0xFFFFFC00  }
0x53: {  	_ =	swait.ge [sflag:s23], $0x80  }
0x54: {  	[sflag:s23] =	ssyncset.done $0x0  }
0x55: {  	s1 =	sadd.s32 $0x80, s31;
	[sflag:s23] =	ssyncadd.s32 $0xFFFFFF80  }
0x56: {  	[hbm4b:s1+s2] =	stream.linear.scatter [tilespmem:s18], [sflag:$0x5], $0x400, $0x38;
	[tilespmem:$0x1600] =	vst v63  }
0x57: {  	_ =	swait.ge [sflag:s14], $0x400  }
.Ltmp0:
0x58: {  	[sflag:s14] =	ssyncset.done $0x0;
	(pc) =	sbr.rel @p0 .LBB2_2-.Ltmp0, $4  }
0x59: {  	[sflag:s14] =	ssyncadd.s32 $0xFFFFFC00  }
0x5a: {  	[hbm4b:s28+s2] =	stream.linear.scatter [tilespmem:s19], [sflag:$0x5], $0x80, $0x38;
	[tilespmem:$0x1600] =	vst v63  }
0x5b: {  	_ =	swait.ge [sflag:s14], $0x80  }
0x5c: {  	s28 =	sadd.s32 $0x20, s28;
	[sflag:s14] =	ssyncset.done $0x0  }
0x5d: {  	[sflag:s14] =	ssyncadd.s32 $0xFFFFFF80  }
0x5e: {  	[tilespmem:s18], [sflag:$0x2] =	stream.indirect.gather [hbm4b:s3+s17], $0x8, s24, s17, $0xb8;
	[tilespmem:$0x1600] =	vst v63  }
0x5f: {  	_ = 	snop  }
0x60: {  	[tilespmem:s19], [sflag:$0x4] =	stream.indirect.gather [hbm4b:s4+s17], $0x1, s24, s17, $0xb8;
	[tilespmem:$0x1600] =	vst v63  }
0x61: {  	_ =	swait.ge [sflag:s20], $0x400  }
0x62: {  	[sflag:s20] =	ssyncset.done $0x0  }
0x63: {  	[sflag:s20] =	ssyncadd.s32 $0xFFFFFC00  }
0x64: {  	_ =	swait.ge [sflag:s21], $0x80  }
0x65: {  	[sflag:s21] =	ssyncset.done $0x0  }
0x66: {  	[sflag:s21] =	ssyncadd.s32 $0xFFFFFF80  }
0x67: {  	[hbm4b:s7+s2] =	stream.linear.scatter [tilespmem:s15], [sflag:$0x5], $0x400, $0x38;
	[tilespmem:$0x1600] =	vst v63  }
0x68: {  	_ =	swait.ge [sflag:s14], $0x400  }
0x69: {  	[sflag:s14] =	ssyncset.done $0x0  }
0x6a: {  	[sflag:s14] =	ssyncadd.s32 $0xFFFFFC00  }
0x6b: {  	[hbm4b:s8+s2] =	stream.linear.scatter [tilespmem:s16], [sflag:$0x5], $0x80, $0x38;
	[tilespmem:$0x1600] =	vst v63  }
0x6c: {  	_ =	swait.ge [sflag:s14], $0x80  }
0x6d: {  	[sflag:s14] =	ssyncset.done $0x0  }
0x6e: {  	[sflag:s14] =	ssyncadd.s32 $0xFFFFFF80  }
0x6f: {  	_ =	swait.ge [sflag:s22], $0x400  }
0x70: {  	[sflag:s22] =	ssyncset.done $0x0  }
0x71: {  	[sflag:s22] =	ssyncadd.s32 $0xFFFFFC00  }
0x72: {  	_ =	swait.ge [sflag:s23], $0x80  }
0x73: {  	[sflag:s23] =	ssyncset.done $0x0  }
0x74: {  	[sflag:s23] =	ssyncadd.s32 $0xFFFFFF80  }
0x75: {  	[hbm4b:s9+s2] =	stream.linear.scatter [tilespmem:s18], [sflag:$0x5], $0x400, $0x38;
	[tilespmem:$0x1600] =	vst v63  }
0x76: {  	s25 =	sadd.s32 $0x1, s25;
	_ =	swait.ge [sflag:s14], $0x400  }
0x77: {  	p0 =	sne.s32 s25, s6;
	[sflag:s14] =	ssyncset.done $0x0  }
.Ltmp1:
0x78: {  	[sflag:s14] =	ssyncadd.s32 $0xFFFFFC00;
	(pc) =	sbr.rel @p0 .LBB2_1-.Ltmp1, $4  }
0x79: {  	[hbm4b:s10+s2] =	stream.linear.scatter [tilespmem:s19], [sflag:$0x5], $0x80, $0x38;
	[tilespmem:$0x1600] =	vst v63  }
0x7a: {  	_ =	swait.ge [sflag:s14], $0x80  }
0x7b: {  	[sflag:s14] =	ssyncset.done $0x0  }
0x7c: {  	[sflag:s14] =	ssyncadd.s32 $0xFFFFFF80  }
0x7d: {  	_ =	sfence.sel $0x180000  }
0x7e: {  	[bflag:$0x0] =	sbarrier.arrive $0xFFFF  }
0x7f: {  	_ =	strace $0x9000004D  }
0x80: {  	[bflag:$0x2] =	sbarrier.arrive $0xFFFF  }
0x81: {  	p0 =	sne.s32 s0, $0x0;
	s0 =	rddreg [dreg:$0x1]  }
0x82: {  	s0 =	sadd.s32 @!p0 $0x100000, s0  }
0x83: {  	[sflag:s0] =	ssyncadd.tile.s32 @!p0 $0x1;
	_ =	shalt  }
.Lfunc_end2:
_tile_overlayer_lowered:
.L_overlay_start_2:
0x84: {  	(tag) =	ssettag $0x2  }
0x85: {  	s0 =	rddreg [dreg:$0x0];
	s2 =	stileid.u32  }
0x86: {  	s1 =	rddreg [dreg:$0x1];
	p0 =	sne.s32 s2, $0x0  }
0x87: {  	s3 =	rddreg [dreg:$0x2];
	[bflag:$0x3] =	sbarrier.arrive $0xFFFF;
	s2 =	simm.s32 @!p0 $0x1C05  }
0x88: {  	[timem:s3], [sflag:s2] =	dma.local @!p0 [hbm:s0], s1  }
0x89: {  	s0 =	simm.s32 @!p0 $0x5  }
0x8a: {  	_ =	swait.ge @!p0 [sflag:s0], s1  }
0x8b: {  	s1 =	ssub.s32 @!p0 $0x0, s1;
	[sflag:s0] =	ssyncset.done @!p0 $0x0  }
0x8c: {  	[sflag:s0] =	ssyncadd.s32 @!p0 s1  }
0x8d: {  	[bflag:$0x3] =	sbarrier.arrive $0xFFFF  }
0x8e: {  	_ =	shalt  }

</sc_bundles>
